<compile_context>
chip_gen: v7x
topology: tpu7x:2x2x1
jax: 0.10.2.dev20260603
libtpu: 0.0.44.dev20260713+nightly
codegen_flags: <defaults>
</compile_context>

<pallas_src>
import functools

import jax
import jax.numpy as jnp
from jax import lax
from jax.experimental import pallas as pl
from jax.experimental.pallas import tpu as pltpu
from jax.experimental.pallas import tpu_sc as plsc

B = 1024
C = 100000
P = 50
EPS = 1e-07

NC = 2
NS = 16
NW = NC * NS
ROWS_PER_W = B // NW
PPAD = 64


def _sc_gather_body(ypred_hbm, yt_hbm, out_hbm, idx_v, row_v, val_v, sem):
    wid = lax.axis_index("s") * NC + lax.axis_index("c")
    row_base = wid * ROWS_PER_W
    pltpu.sync_copy(yt_hbm.at[wid], idx_v)

    for r in range(ROWS_PER_W):
        pltpu.async_copy(ypred_hbm.at[row_base + r], row_v, sem).wait()
        for j in range(PPAD // 16):
            cols = idx_v[r, pl.ds(j * 16, 16)]
            val_v[r, pl.ds(j * 16, 16)] = plsc.load_gather(row_v, [cols])
    pltpu.sync_copy(val_v, out_hbm.at[wid])


_sc_gather = functools.partial(
    pl.kernel,
    out_type=jax.ShapeDtypeStruct((NW, ROWS_PER_W, PPAD), jnp.float32),
    mesh=plsc.VectorSubcoreMesh(core_axis_name="c", subcore_axis_name="s"),
    compiler_params=pltpu.CompilerParams(needs_layout_passes=False),
    scratch_types=[
        pltpu.VMEM((ROWS_PER_W, PPAD), jnp.int32),
        pltpu.VMEM((C,), jnp.float32),
        pltpu.VMEM((ROWS_PER_W, PPAD), jnp.float32),
        pltpu.SemaphoreType.DMA,
    ],
)(_sc_gather_body)


R = 32


def _lse_body(ypred_ref, out_ref):
    x = ypred_ref[...]
    m = jnp.max(x, axis=1, keepdims=True)
    m0 = jnp.maximum(m, 0.0)
    s = jnp.sum(jnp.exp(x - m0), axis=1, keepdims=True)
    out_ref[...] = m0 + jnp.log(s + jnp.exp(-m0))


_lse = pl.pallas_call(
    _lse_body,
    grid=(B // R,),
    in_specs=[pl.BlockSpec((R, C), lambda i: (i, 0))],
    out_specs=pl.BlockSpec((R, 1), lambda i: (i, 0)),
    out_shape=jax.ShapeDtypeStruct((B, 1), jnp.float32),
)


def _combine_body(all_ref, ypos_ref, out_ref):
    all_loss = all_ref[...]
    yp = ypos_ref[:, :P]
    mn = jnp.maximum(jnp.max(-yp, axis=1, keepdims=True), 0.0)
    pos_loss = mn + jnp.log(
        jnp.sum(jnp.exp(-yp - mn), axis=1, keepdims=True) + jnp.exp(-mn))
    mq = jnp.max(yp, axis=1, keepdims=True)
    lse_pos = mq + jnp.log(jnp.sum(jnp.exp(yp - mq), axis=1, keepdims=True))
    aux = jnp.clip(1.0 - jnp.exp(lse_pos - all_loss), EPS, 1.0)
    out_ref[...] = pos_loss + all_loss + jnp.log(aux)


_combine = pl.pallas_call(
    _combine_body,
    in_specs=[
        pl.BlockSpec((B, 1), lambda: (0, 0)),
        pl.BlockSpec((B, PPAD), lambda: (0, 0)),
    ],
    out_specs=pl.BlockSpec((B, 1), lambda: (0, 0)),
    out_shape=jax.ShapeDtypeStruct((B, 1), jnp.float32),
)


def kernel(y_pred, y_true):
    yt = jnp.pad(y_true.astype(jnp.int32), ((0, 0), (0, PPAD - P)))
    ypos = _sc_gather(y_pred, yt.reshape(NW, ROWS_PER_W, PPAD))
    all_loss = _lse(y_pred)
    out = _combine(all_loss, ypos.reshape(B, PPAD))
    return out.reshape(B)

# --- scband reference (transcript-rebuilt; emitter-appended) ---
"""Pipeline reference for scband-sparse-multilabel-categorical-crossentropy-14645838479669 (READ-ONLY COPY).

The authoritative reference and input builder live on the scoring server;
editing this copy changes nothing except your own understanding.
"""

import jax, jax.numpy as jnp
import numpy as np
from jax.scipy.special import logsumexp

B = 1024
NUM_CLASSES = 100000
NUM_POS = 50
EPSILON = 1e-07


def setup_inputs(seed: int = 0) -> dict:
    key = jax.random.key(seed)
    k1, k2 = jax.random.split(key)
    y_pred = jax.random.normal(k1, (B, NUM_CLASSES), dtype=jnp.float32)
    y_true = jax.random.randint(k2, (B, NUM_POS), 0, NUM_CLASSES, dtype=jnp.int64)
    return {"y_pred": y_pred, "y_true": y_true}


def reference(y_pred, y_true):
    # mask_zero = False
    zeros = jnp.zeros_like(y_pred[..., :1])
    y_pred_ext = jnp.concatenate([y_pred, zeros], axis=-1)  # [..., C+1]
    y_pos_2 = jnp.take_along_axis(y_pred_ext, y_true, axis=-1)  # gather positives
    y_pos_1 = jnp.concatenate([y_pos_2, zeros], axis=-1)
    pos_loss = logsumexp(-y_pos_1, axis=-1)
    all_loss = logsumexp(y_pred_ext, axis=-1)
    aux_loss = logsumexp(y_pos_2, axis=-1) - all_loss
    aux_loss = jnp.clip(1.0 - jnp.exp(aux_loss), EPSILON, 1.0)
    neg_loss = all_loss + jnp.log(aux_loss)
    return pos_loss + neg_loss

if __name__ == "__main__":
    import jax
    _d = setup_inputs()
    print(jax.jit(kernel)(*tuple(_d.values())))

</pallas_src>

<mosaic_0001>
#map = affine_map<(d0, d1) -> (0, 0)>
#map1 = affine_map<(d0, d1) -> (0, 0, 0)>
module attributes {stable_mosaic.version = 14 : i64} {
  func.func @_sc_gather_body(%arg0: i32, %arg1: i32, %arg2: memref<1024x100000xf32, #tpu.memory_space<hbm>>, %arg3: memref<32x32x64xi32, #tpu.memory_space<hbm>>, %arg4: memref<32x32x64xf32, #tpu.memory_space<hbm>>, %arg5: memref<32x64xi32, #tpu.memory_space<vmem>>, %arg6: memref<100000xf32, #tpu.memory_space<vmem>>, %arg7: memref<32x64xf32, #tpu.memory_space<vmem>>, %arg8: memref<!tpu.dma_semaphore, #tpu.memory_space<semaphore_mem>>) attributes {dimension_semantics = [#tpu.dimension_semantics<core_parallel>, #tpu.dimension_semantics<subcore_parallel>], iteration_bounds = array<i64: 2, 16>, scalar_prefetch = 0 : i64, scratch_operands = 4 : i64, tpu.core_type = #tpu.core_type<sc_vector_subcore>, window_params = [{transform_indices = #map}, {transform_indices = #map1}, {transform_indices = #map1}]} {
    %mul3A = arith.constant 2 : i32
    %mul3A_0 = arith.muli %arg1, %mul3A : i32
    %add3A = arith.addi %mul3A_0, %arg0 : i32
    %mul3A_1 = arith.constant 32 : i32
    %mul3A_2 = arith.muli %add3A, %mul3A_1 : i32
    "tpu.region"() ({
      %run_scoped3A = tpu.sem_alloc : memref<!tpu.dma_semaphore, #tpu.memory_space<semaphore_mem>>
      %dma_start3A_1598 = arith.constant 0 : i32
      %dma_start3A_1599 = arith.constant 0 : i32
      %dma_start3A_1600 = tpu.memref_slice %arg3[%add3A, %dma_start3A_1598, %dma_start3A_1599] : memref<32x32x64xi32, #tpu.memory_space<hbm>> -> memref<1x32x64xi32, #tpu.memory_space<hbm>>
      %dma_start3A_1601 = tpu.memref_squeeze %dma_start3A_1600 : memref<1x32x64xi32, #tpu.memory_space<hbm>> -> memref<32x64xi32, #tpu.memory_space<hbm>>
      %dma_start3A_1602 = arith.constant 0 : i32
      %dma_start3A_1603 = arith.constant 0 : i32
      %dma_start3A_1604 = tpu.memref_slice %arg3[%add3A, %dma_start3A_1602, %dma_start3A_1603] : memref<32x32x64xi32, #tpu.memory_space<hbm>> -> memref<1x32x64xi32, #tpu.memory_space<hbm>>
      %dma_start3A_1605 = tpu.memref_squeeze %dma_start3A_1604 : memref<1x32x64xi32, #tpu.memory_space<hbm>> -> memref<32x64xi32, #tpu.memory_space<hbm>>
      tpu.enqueue_dma source(%dma_start3A_1605 : memref<32x64xi32, #tpu.memory_space<hbm>>) target(%arg5 : memref<32x64xi32, #tpu.memory_space<vmem>>) target_semaphore(%run_scoped3A : memref<!tpu.dma_semaphore, #tpu.memory_space<semaphore_mem>>)
      %dma_wait3A_1606 = arith.constant 0 : i32
      %dma_wait3A_1607 = arith.constant 0 : i32
      %dma_wait3A_1608 = tpu.memref_slice %arg3[%add3A, %dma_wait3A_1606, %dma_wait3A_1607] : memref<32x32x64xi32, #tpu.memory_space<hbm>> -> memref<1x32x64xi32, #tpu.memory_space<hbm>>
      %dma_wait3A_1609 = tpu.memref_squeeze %dma_wait3A_1608 : memref<1x32x64xi32, #tpu.memory_space<hbm>> -> memref<32x64xi32, #tpu.memory_space<hbm>>
      %dma_wait3A_1610 = arith.constant 0 : i32
      %dma_wait3A_1611 = arith.constant 0 : i32
      %dma_wait3A_1612 = tpu.memref_slice %arg3[%add3A, %dma_wait3A_1610, %dma_wait3A_1611] : memref<32x32x64xi32, #tpu.memory_space<hbm>> -> memref<1x32x64xi32, #tpu.memory_space<hbm>>
      %dma_wait3A_1613 = tpu.memref_squeeze %dma_wait3A_1612 : memref<1x32x64xi32, #tpu.memory_space<hbm>> -> memref<32x64xi32, #tpu.memory_space<hbm>>
      tpu.wait_dma2 semaphore(%run_scoped3A : memref<!tpu.dma_semaphore, #tpu.memory_space<semaphore_mem>>) src(%dma_wait3A_1613 : memref<32x64xi32, #tpu.memory_space<hbm>>) dst(%arg5 : memref<32x64xi32, #tpu.memory_space<vmem>>)
      tpu.yield
    }) : () -> ()
    %add3A_3 = arith.constant 0 : i32
    %add3A_4 = arith.addi %mul3A_2, %add3A_3 : i32
    %dma_start3A = arith.constant 0 : i32
    %dma_start3A_5 = tpu.memref_slice %arg2[%add3A_4, %dma_start3A] : memref<1024x100000xf32, #tpu.memory_space<hbm>> -> memref<1x100000xf32, #tpu.memory_space<hbm>>
    %dma_start3A_6 = tpu.memref_squeeze %dma_start3A_5 : memref<1x100000xf32, #tpu.memory_space<hbm>> -> memref<100000xf32, #tpu.memory_space<hbm>>
    %dma_start3A_7 = arith.constant 0 : i32
    %dma_start3A_8 = tpu.memref_slice %arg2[%add3A_4, %dma_start3A_7] : memref<1024x100000xf32, #tpu.memory_space<hbm>> -> memref<1x100000xf32, #tpu.memory_space<hbm>>
    %dma_start3A_9 = tpu.memref_squeeze %dma_start3A_8 : memref<1x100000xf32, #tpu.memory_space<hbm>> -> memref<100000xf32, #tpu.memory_space<hbm>>
    tpu.enqueue_dma source(%dma_start3A_9 : memref<100000xf32, #tpu.memory_space<hbm>>) target(%arg6 : memref<100000xf32, #tpu.memory_space<vmem>>) target_semaphore(%arg8 : memref<!tpu.dma_semaphore, #tpu.memory_space<semaphore_mem>>)
    %dma_wait3A = arith.constant 0 : i32
    %dma_wait3A_10 = tpu.memref_slice %arg2[%add3A_4, %dma_wait3A] : memref<1024x100000xf32, #tpu.memory_space<hbm>> -> memref<1x100000xf32, #tpu.memory_space<hbm>>
    %dma_wait3A_11 = tpu.memref_squeeze %dma_wait3A_10 : memref<1x100000xf32, #tpu.memory_space<hbm>> -> memref<100000xf32, #tpu.memory_space<hbm>>
    %dma_wait3A_12 = arith.constant 0 : i32
    %dma_wait3A_13 = tpu.memref_slice %arg2[%add3A_4, %dma_wait3A_12] : memref<1024x100000xf32, #tpu.memory_space<hbm>> -> memref<1x100000xf32, #tpu.memory_space<hbm>>
    %dma_wait3A_14 = tpu.memref_squeeze %dma_wait3A_13 : memref<1x100000xf32, #tpu.memory_space<hbm>> -> memref<100000xf32, #tpu.memory_space<hbm>>
    tpu.wait_dma2 semaphore(%arg8 : memref<!tpu.dma_semaphore, #tpu.memory_space<semaphore_mem>>) src(%dma_wait3A_14 : memref<100000xf32, #tpu.memory_space<hbm>>) dst(%arg6 : memref<100000xf32, #tpu.memory_space<vmem>>)
    %get3A = arith.constant 0 : i32
    %get3A_15 = arith.index_cast %get3A : i32 to index
    %get3A_16 = arith.constant 0 : index
    %get3A_17 = tpu.vector_load %arg5[%get3A_15, %get3A_16] {strides = array<i32>} : memref<32x64xi32, #tpu.memory_space<vmem>>, vector<16xi32>,
    %gather3A = tpu.vector_load_idx %arg6[%get3A_17] : memref<100000xf32, #tpu.memory_space<vmem>>[vector<16xi32>], vector<16xf32>,
    %swap3A = arith.constant 0 : i32
    %swap3A_18 = arith.index_cast %swap3A : i32 to index
    %swap3A_19 = arith.constant 0 : index
    %swap3A_20 = tpu.vector_load %arg7[%swap3A_18, %swap3A_19] {strides = array<i32>} : memref<32x64xf32, #tpu.memory_space<vmem>>, vector<16xf32>,
    tpu.vector_store %arg7[%swap3A_18, %swap3A_19], %gather3A {strides = array<i32>} : memref<32x64xf32, #tpu.memory_space<vmem>>, vector<16xf32>,
    %get3A_21 = arith.constant 0 : i32
    %get3A_22 = arith.index_cast %get3A_21 : i32 to index
    %get3A_23 = arith.constant 16 : index
    %get3A_24 = tpu.vector_load %arg5[%get3A_22, %get3A_23] {strides = array<i32>} : memref<32x64xi32, #tpu.memory_space<vmem>>, vector<16xi32>,
    %gather3A_25 = tpu.vector_load_idx %arg6[%get3A_24] : memref<100000xf32, #tpu.memory_space<vmem>>[vector<16xi32>], vector<16xf32>,
    %swap3A_26 = arith.constant 0 : i32
    %swap3A_27 = arith.index_cast %swap3A_26 : i32 to index
    %swap3A_28 = arith.constant 16 : index
    %swap3A_29 = tpu.vector_load %arg7[%swap3A_27, %swap3A_28] {strides = array<i32>} : memref<32x64xf32, #tpu.memory_space<vmem>>, vector<16xf32>,
    tpu.vector_store %arg7[%swap3A_27, %swap3A_28], %gather3A_25 {strides = array<i32>} : memref<32x64xf32, #tpu.memory_space<vmem>>, vector<16xf32>,
    %get3A_30 = arith.constant 0 : i32
    %get3A_31 = arith.index_cast %get3A_30 : i32 to index
    %get3A_32 = arith.constant 32 : index
    %get3A_33 = tpu.vector_load %arg5[%get3A_31, %get3A_32] {strides = array<i32>} : memref<32x64xi32, #tpu.memory_space<vmem>>, vector<16xi32>,
    %gather3A_34 = tpu.vector_load_idx %arg6[%get3A_33] : memref<100000xf32, #tpu.memory_space<vmem>>[vector<16xi32>], vector<16xf32>,
    %swap3A_35 = arith.constant 0 : i32
    %swap3A_36 = arith.index_cast %swap3A_35 : i32 to index
    %swap3A_37 = arith.constant 32 : index
    %swap3A_38 = tpu.vector_load %arg7[%swap3A_36, %swap3A_37] {strides = array<i32>} : memref<32x64xf32, #tpu.memory_space<vmem>>, vector<16xf32>,
    tpu.vector_store %arg7[%swap3A_36, %swap3A_37], %gather3A_34 {strides = array<i32>} : memref<32x64xf32, #tpu.memory_space<vmem>>, vector<16xf32>,
    %get3A_39 = arith.constant 0 : i32
    %get3A_40 = arith.index_cast %get3A_39 : i32 to index
    %get3A_41 = arith.constant 48 : index
    %get3A_42 = tpu.vector_load %arg5[%get3A_40, %get3A_41] {strides = array<i32>} : memref<32x64xi32, #tpu.memory_space<vmem>>, vector<16xi32>,
    %gather3A_43 = tpu.vector_load_idx %arg6[%get3A_42] : memref<100000xf32, #tpu.memory_space<vmem>>[vector<16xi32>], vector<16xf32>,
    %swap3A_44 = arith.constant 0 : i32
    %swap3A_45 = arith.index_cast %swap3A_44 : i32 to index
    %swap3A_46 = arith.constant 48 : index
    %swap3A_47 = tpu.vector_load %arg7[%swap3A_45, %swap3A_46] {strides = array<i32>} : memref<32x64xf32, #tpu.memory_space<vmem>>, vector<16xf32>,
    tpu.vector_store %arg7[%swap3A_45, %swap3A_46], %gather3A_43 {strides = array<i32>} : memref<32x64xf32, #tpu.memory_space<vmem>>, vector<16xf32>,
    %add3A_48 = arith.constant 1 : i32
    %add3A_49 = arith.addi %mul3A_2, %add3A_48 : i32
    %dma_start3A_50 = arith.constant 0 : i32
    %dma_start3A_51 = tpu.memref_slice %arg2[%add3A_49, %dma_start3A_50] : memref<1024x100000xf32, #tpu.memory_space<hbm>> -> memref<1x100000xf32, #tpu.memory_space<hbm>>
    %dma_start3A_52 = tpu.memref_squeeze %dma_start3A_51 : memref<1x100000xf32, #tpu.memory_space<hbm>> -> memref<100000xf32, #tpu.memory_space<hbm>>
    %dma_start3A_53 = arith.constant 0 : i32
    %dma_start3A_54 = tpu.memref_slice %arg2[%add3A_49, %dma_start3A_53] : memref<1024x100000xf32, #tpu.memory_space<hbm>> -> memref<1x100000xf32, #tpu.memory_space<hbm>>
    %dma_start3A_55 = tpu.memref_squeeze %dma_start3A_54 : memref<1x100000xf32, #tpu.memory_space<hbm>> -> memref<100000xf32, #tpu.memory_space<hbm>>
    tpu.enqueue_dma source(%dma_start3A_55 : memref<100000xf32, #tpu.memory_space<hbm>>) target(%arg6 : memref<100000xf32, #tpu.memory_space<vmem>>) target_semaphore(%arg8 : memref<!tpu.dma_semaphore, #tpu.memory_space<semaphore_mem>>)
    %dma_wait3A_56 = arith.constant 0 : i32
    %dma_wait3A_57 = tpu.memref_slice %arg2[%add3A_49, %dma_wait3A_56] : memref<1024x100000xf32, #tpu.memory_space<hbm>> -> memref<1x100000xf32, #tpu.memory_space<hbm>>
    %dma_wait3A_58 = tpu.memref_squeeze %dma_wait3A_57 : memref<1x100000xf32, #tpu.memory_space<hbm>> -> memref<100000xf32, #tpu.memory_space<hbm>>
    %dma_wait3A_59 = arith.constant 0 : i32
    %dma_wait3A_60 = tpu.memref_slice %arg2[%add3A_49, %dma_wait3A_59] : memref<1024x100000xf32, #tpu.memory_space<hbm>> -> memref<1x100000xf32, #tpu.memory_space<hbm>>
    %dma_wait3A_61 = tpu.memref_squeeze %dma_wait3A_60 : memref<1x100000xf32, #tpu.memory_space<hbm>> -> memref<100000xf32, #tpu.memory_space<hbm>>
    tpu.wait_dma2 semaphore(%arg8 : memref<!tpu.dma_semaphore, #tpu.memory_space<semaphore_mem>>) src(%dma_wait3A_61 : memref<100000xf32, #tpu.memory_space<hbm>>) dst(%arg6 : memref<100000xf32, #tpu.memory_space<vmem>>)
    %get3A_62 = arith.constant 1 : i32
    %get3A_63 = arith.index_cast %get3A_62 : i32 to index
    %get3A_64 = arith.constant 0 : index
    %get3A_65 = tpu.vector_load %arg5[%get3A_63, %get3A_64] {strides = array<i32>} : memref<32x64xi32, #tpu.memory_space<vmem>>, vector<16xi32>,
    %gather3A_66 = tpu.vector_load_idx %arg6[%get3A_65] : memref<100000xf32, #tpu.memory_space<vmem>>[vector<16xi32>], vector<16xf32>,
    %swap3A_67 = arith.constant 1 : i32
    %swap3A_68 = arith.index_cast %swap3A_67 : i32 to index
    %swap3A_69 = arith.constant 0 : index
    %swap3A_70 = tpu.vector_load %arg7[%swap3A_68, %swap3A_69] {strides = array<i32>} : memref<32x64xf32, #tpu.memory_space<vmem>>, vector<16xf32>,
    tpu.vector_store %arg7[%swap3A_68, %swap3A_69], %gather3A_66 {strides = array<i32>} : memref<32x64xf32, #tpu.memory_space<vmem>>, vector<16xf32>,
    %get3A_71 = arith.constant 1 : i32
    %get3A_72 = arith.index_cast %get3A_71 : i32 to index
    %get3A_73 = arith.constant 16 : index
    %get3A_74 = tpu.vector_load %arg5[%get3A_72, %get3A_73] {strides = array<i32>} : memref<32x64xi32, #tpu.memory_space<vmem>>, vector<16xi32>,
    %gather3A_75 = tpu.vector_load_idx %arg6[%get3A_74] : memref<100000xf32, #tpu.memory_space<vmem>>[vector<16xi32>], vector<16xf32>,
    %swap3A_76 = arith.constant 1 : i32
    %swap3A_77 = arith.index_cast %swap3A_76 : i32 to index
    %swap3A_78 = arith.constant 16 : index
    %swap3A_79 = tpu.vector_load %arg7[%swap3A_77, %swap3A_78] {strides = array<i32>} : memref<32x64xf32, #tpu.memory_space<vmem>>, vector<16xf32>,
    tpu.vector_store %arg7[%swap3A_77, %swap3A_78], %gather3A_75 {strides = array<i32>} : memref<32x64xf32, #tpu.memory_space<vmem>>, vector<16xf32>,
    %get3A_80 = arith.constant 1 : i32
    %get3A_81 = arith.index_cast %get3A_80 : i32 to index
    %get3A_82 = arith.constant 32 : index
    %get3A_83 = tpu.vector_load %arg5[%get3A_81, %get3A_82] {strides = array<i32>} : memref<32x64xi32, #tpu.memory_space<vmem>>, vector<16xi32>,
    %gather3A_84 = tpu.vector_load_idx %arg6[%get3A_83] : memref<100000xf32, #tpu.memory_space<vmem>>[vector<16xi32>], vector<16xf32>,
    %swap3A_85 = arith.constant 1 : i32
    %swap3A_86 = arith.index_cast %swap3A_85 : i32 to index
    %swap3A_87 = arith.constant 32 : index
    %swap3A_88 = tpu.vector_load %arg7[%swap3A_86, %swap3A_87] {strides = array<i32>} : memref<32x64xf32, #tpu.memory_space<vmem>>, vector<16xf32>,
    tpu.vector_store %arg7[%swap3A_86, %swap3A_87], %gather3A_84 {strides = array<i32>} : memref<32x64xf32, #tpu.memory_space<vmem>>, vector<16xf32>,
    %get3A_89 = arith.constant 1 : i32
    %get3A_90 = arith.index_cast %get3A_89 : i32 to index
    %get3A_91 = arith.constant 48 : index
    %get3A_92 = tpu.vector_load %arg5[%get3A_90, %get3A_91] {strides = array<i32>} : memref<32x64xi32, #tpu.memory_space<vmem>>, vector<16xi32>,
    %gather3A_93 = tpu.vector_load_idx %arg6[%get3A_92] : memref<100000xf32, #tpu.memory_space<vmem>>[vector<16xi32>], vector<16xf32>,
    %swap3A_94 = arith.constant 1 : i32
    %swap3A_95 = arith.index_cast %swap3A_94 : i32 to index
    %swap3A_96 = arith.constant 48 : index
    %swap3A_97 = tpu.vector_load %arg7[%swap3A_95, %swap3A_96] {strides = array<i32>} : memref<32x64xf32, #tpu.memory_space<vmem>>, vector<16xf32>,
    tpu.vector_store %arg7[%swap3A_95, %swap3A_96], %gather3A_93 {strides = array<i32>} : memref<32x64xf32, #tpu.memory_space<vmem>>, vector<16xf32>,
    %add3A_98 = arith.constant 2 : i32
    %add3A_99 = arith.addi %mul3A_2, %add3A_98 : i32
    %dma_start3A_100 = arith.constant 0 : i32
    %dma_start3A_101 = tpu.memref_slice %arg2[%add3A_99, %dma_start3A_100] : memref<1024x100000xf32, #tpu.memory_space<hbm>> -> memref<1x100000xf32, #tpu.memory_space<hbm>>
    %dma_start3A_102 = tpu.memref_squeeze %dma_start3A_101 : memref<1x100000xf32, #tpu.memory_space<hbm>> -> memref<100000xf32, #tpu.memory_space<hbm>>
    %dma_start3A_103 = arith.constant 0 : i32
    %dma_start3A_104 = tpu.memref_slice %arg2[%add3A_99, %dma_start3A_103] : memref<1024x100000xf32, #tpu.memory_space<hbm>> -> memref<1x100000xf32, #tpu.memory_space<hbm>>
    %dma_start3A_105 = tpu.memref_squeeze %dma_start3A_104 : memref<1x100000xf32, #tpu.memory_space<hbm>> -> memref<100000xf32, #tpu.memory_space<hbm>>
    tpu.enqueue_dma source(%dma_start3A_105 : memref<100000xf32, #tpu.memory_space<hbm>>) target(%arg6 : memref<100000xf32, #tpu.memory_space<vmem>>) target_semaphore(%arg8 : memref<!tpu.dma_semaphore, #tpu.memory_space<semaphore_mem>>)
    %dma_wait3A_106 = arith.constant 0 : i32
    %dma_wait3A_107 = tpu.memref_slice %arg2[%add3A_99, %dma_wait3A_106] : memref<1024x100000xf32, #tpu.memory_space<hbm>> -> memref<1x100000xf32, #tpu.memory_space<hbm>>
    %dma_wait3A_108 = tpu.memref_squeeze %dma_wait3A_107 : memref<1x100000xf32, #tpu.memory_space<hbm>> -> memref<100000xf32, #tpu.memory_space<hbm>>
    %dma_wait3A_109 = arith.constant 0 : i32
    %dma_wait3A_110 = tpu.memref_slice %arg2[%add3A_99, %dma_wait3A_109] : memref<1024x100000xf32, #tpu.memory_space<hbm>> -> memref<1x100000xf32, #tpu.memory_space<hbm>>
    %dma_wait3A_111 = tpu.memref_squeeze %dma_wait3A_110 : memref<1x100000xf32, #tpu.memory_space<hbm>> -> memref<100000xf32, #tpu.memory_space<hbm>>
    tpu.wait_dma2 semaphore(%arg8 : memref<!tpu.dma_semaphore, #tpu.memory_space<semaphore_mem>>) src(%dma_wait3A_111 : memref<100000xf32, #tpu.memory_space<hbm>>) dst(%arg6 : memref<100000xf32, #tpu.memory_space<vmem>>)
    %get3A_112 = arith.constant 2 : i32
    %get3A_113 = arith.index_cast %get3A_112 : i32 to index
    %get3A_114 = arith.constant 0 : index
    %get3A_115 = tpu.vector_load %arg5[%get3A_113, %get3A_114] {strides = array<i32>} : memref<32x64xi32, #tpu.memory_space<vmem>>, vector<16xi32>,
    %gather3A_116 = tpu.vector_load_idx %arg6[%get3A_115] : memref<100000xf32, #tpu.memory_space<vmem>>[vector<16xi32>], vector<16xf32>,
    %swap3A_117 = arith.constant 2 : i32
    %swap3A_118 = arith.index_cast %swap3A_117 : i32 to index
    %swap3A_119 = arith.constant 0 : index
    %swap3A_120 = tpu.vector_load %arg7[%swap3A_118, %swap3A_119] {strides = array<i32>} : memref<32x64xf32, #tpu.memory_space<vmem>>, vector<16xf32>,
    tpu.vector_store %arg7[%swap3A_118, %swap3A_119], %gather3A_116 {strides = array<i32>} : memref<32x64xf32, #tpu.memory_space<vmem>>, vector<16xf32>,
    %get3A_121 = arith.constant 2 : i32
    %get3A_122 = arith.index_cast %get3A_121 : i32 to index
    %get3A_123 = arith.constant 16 : index
    %get3A_124 = tpu.vector_load %arg5[%get3A_122, %get3A_123] {strides = array<i32>} : memref<32x64xi32, #tpu.memory_space<vmem>>, vector<16xi32>,
    %gather3A_125 = tpu.vector_load_idx %arg6[%get3A_124] : memref<100000xf32, #tpu.memory_space<vmem>>[vector<16xi32>], vector<16xf32>,
    %swap3A_126 = arith.constant 2 : i32
    %swap3A_127 = arith.index_cast %swap3A_126 : i32 to index
    %swap3A_128 = arith.constant 16 : index
    %swap3A_129 = tpu.vector_load %arg7[%swap3A_127, %swap3A_128] {strides = array<i32>} : memref<32x64xf32, #tpu.memory_space<vmem>>, vector<16xf32>,
    tpu.vector_store %arg7[%swap3A_127, %swap3A_128], %gather3A_125 {strides = array<i32>} : memref<32x64xf32, #tpu.memory_space<vmem>>, vector<16xf32>,
    %get3A_130 = arith.constant 2 : i32
    %get3A_131 = arith.index_cast %get3A_130 : i32 to index
    %get3A_132 = arith.constant 32 : index
    %get3A_133 = tpu.vector_load %arg5[%get3A_131, %get3A_132] {strides = array<i32>} : memref<32x64xi32, #tpu.memory_space<vmem>>, vector<16xi32>,
    %gather3A_134 = tpu.vector_load_idx %arg6[%get3A_133] : memref<100000xf32, #tpu.memory_space<vmem>>[vector<16xi32>], vector<16xf32>,
    %swap3A_135 = arith.constant 2 : i32
    %swap3A_136 = arith.index_cast %swap3A_135 : i32 to index
    %swap3A_137 = arith.constant 32 : index
    %swap3A_138 = tpu.vector_load %arg7[%swap3A_136, %swap3A_137] {strides = array<i32>} : memref<32x64xf32, #tpu.memory_space<vmem>>, vector<16xf32>,
    tpu.vector_store %arg7[%swap3A_136, %swap3A_137], %gather3A_134 {strides = array<i32>} : memref<32x64xf32, #tpu.memory_space<vmem>>, vector<16xf32>,
    %get3A_139 = arith.constant 2 : i32
    %get3A_140 = arith.index_cast %get3A_139 : i32 to index
    %get3A_141 = arith.constant 48 : index
    %get3A_142 = tpu.vector_load %arg5[%get3A_140, %get3A_141] {strides = array<i32>} : memref<32x64xi32, #tpu.memory_space<vmem>>, vector<16xi32>,
    %gather3A_143 = tpu.vector_load_idx %arg6[%get3A_142] : memref<100000xf32, #tpu.memory_space<vmem>>[vector<16xi32>], vector<16xf32>,
    %swap3A_144 = arith.constant 2 : i32
    %swap3A_145 = arith.index_cast %swap3A_144 : i32 to index
    %swap3A_146 = arith.constant 48 : index
    %swap3A_147 = tpu.vector_load %arg7[%swap3A_145, %swap3A_146] {strides = array<i32>} : memref<32x64xf32, #tpu.memory_space<vmem>>, vector<16xf32>,
    tpu.vector_store %arg7[%swap3A_145, %swap3A_146], %gather3A_143 {strides = array<i32>} : memref<32x64xf32, #tpu.memory_space<vmem>>, vector<16xf32>,
    %add3A_148 = arith.constant 3 : i32
    %add3A_149 = arith.addi %mul3A_2, %add3A_148 : i32
    %dma_start3A_150 = arith.constant 0 : i32
    %dma_start3A_151 = tpu.memref_slice %arg2[%add3A_149, %dma_start3A_150] : memref<1024x100000xf32, #tpu.memory_space<hbm>> -> memref<1x100000xf32, #tpu.memory_space<hbm>>
    %dma_start3A_152 = tpu.memref_squeeze %dma_start3A_151 : memref<1x100000xf32, #tpu.memory_space<hbm>> -> memref<100000xf32, #tpu.memory_space<hbm>>
    %dma_start3A_153 = arith.constant 0 : i32
    %dma_start3A_154 = tpu.memref_slice %arg2[%add3A_149, %dma_start3A_153] : memref<1024x100000xf32, #tpu.memory_space<hbm>> -> memref<1x100000xf32, #tpu.memory_space<hbm>>
    %dma_start3A_155 = tpu.memref_squeeze %dma_start3A_154 : memref<1x100000xf32, #tpu.memory_space<hbm>> -> memref<100000xf32, #tpu.memory_space<hbm>>
    tpu.enqueue_dma source(%dma_start3A_155 : memref<100000xf32, #tpu.memory_space<hbm>>) target(%arg6 : memref<100000xf32, #tpu.memory_space<vmem>>) target_semaphore(%arg8 : memref<!tpu.dma_semaphore, #tpu.memory_space<semaphore_mem>>)
    %dma_wait3A_156 = arith.constant 0 : i32
    %dma_wait3A_157 = tpu.memref_slice %arg2[%add3A_149, %dma_wait3A_156] : memref<1024x100000xf32, #tpu.memory_space<hbm>> -> memref<1x100000xf32, #tpu.memory_space<hbm>>
    %dma_wait3A_158 = tpu.memref_squeeze %dma_wait3A_157 : memref<1x100000xf32, #tpu.memory_space<hbm>> -> memref<100000xf32, #tpu.memory_space<hbm>>
    %dma_wait3A_159 = arith.constant 0 : i32
    %dma_wait3A_160 = tpu.memref_slice %arg2[%add3A_149, %dma_wait3A_159] : memref<1024x100000xf32, #tpu.memory_space<hbm>> -> memref<1x100000xf32, #tpu.memory_space<hbm>>
    %dma_wait3A_161 = tpu.memref_squeeze %dma_wait3A_160 : memref<1x100000xf32, #tpu.memory_space<hbm>> -> memref<100000xf32, #tpu.memory_space<hbm>>
    tpu.wait_dma2 semaphore(%arg8 : memref<!tpu.dma_semaphore, #tpu.memory_space<semaphore_mem>>) src(%dma_wait3A_161 : memref<100000xf32, #tpu.memory_space<hbm>>) dst(%arg6 : memref<100000xf32, #tpu.memory_space<vmem>>)
    %get3A_162 = arith.constant 3 : i32
    %get3A_163 = arith.index_cast %get3A_162 : i32 to index
    %get3A_164 = arith.constant 0 : index
    %get3A_165 = tpu.vector_load %arg5[%get3A_163, %get3A_164] {strides = array<i32>} : memref<32x64xi32, #tpu.memory_space<vmem>>, vector<16xi32>,
    %gather3A_166 = tpu.vector_load_idx %arg6[%get3A_165] : memref<100000xf32, #tpu.memory_space<vmem>>[vector<16xi32>], vector<16xf32>,
    %swap3A_167 = arith.constant 3 : i32
    %swap3A_168 = arith.index_cast %swap3A_167 : i32 to index
    %swap3A_169 = arith.constant 0 : index
    %swap3A_170 = tpu.vector_load %arg7[%swap3A_168, %swap3A_169] {strides = array<i32>} : memref<32x64xf32, #tpu.memory_space<vmem>>, vector<16xf32>,
    tpu.vector_store %arg7[%swap3A_168, %swap3A_169], %gather3A_166 {strides = array<i32>} : memref<32x64xf32, #tpu.memory_space<vmem>>, vector<16xf32>,
    %get3A_171 = arith.constant 3 : i32
    %get3A_172 = arith.index_cast %get3A_171 : i32 to index
    %get3A_173 = arith.constant 16 : index
    %get3A_174 = tpu.vector_load %arg5[%get3A_172, %get3A_173] {strides = array<i32>} : memref<32x64xi32, #tpu.memory_space<vmem>>, vector<16xi32>,
    %gather3A_175 = tpu.vector_load_idx %arg6[%get3A_174] : memref<100000xf32, #tpu.memory_space<vmem>>[vector<16xi32>], vector<16xf32>,
    %swap3A_176 = arith.constant 3 : i32
    %swap3A_177 = arith.index_cast %swap3A_176 : i32 to index
    %swap3A_178 = arith.constant 16 : index
    %swap3A_179 = tpu.vector_load %arg7[%swap3A_177, %swap3A_178] {strides = array<i32>} : memref<32x64xf32, #tpu.memory_space<vmem>>, vector<16xf32>,
    tpu.vector_store %arg7[%swap3A_177, %swap3A_178], %gather3A_175 {strides = array<i32>} : memref<32x64xf32, #tpu.memory_space<vmem>>, vector<16xf32>,
    %get3A_180 = arith.constant 3 : i32
    %get3A_181 = arith.index_cast %get3A_180 : i32 to index
    %get3A_182 = arith.constant 32 : index
    %get3A_183 = tpu.vector_load %arg5[%get3A_181, %get3A_182] {strides = array<i32>} : memref<32x64xi32, #tpu.memory_space<vmem>>, vector<16xi32>,
    %gather3A_184 = tpu.vector_load_idx %arg6[%get3A_183] : memref<100000xf32, #tpu.memory_space<vmem>>[vector<16xi32>], vector<16xf32>,
    %swap3A_185 = arith.constant 3 : i32
    %swap3A_186 = arith.index_cast %swap3A_185 : i32 to index
    %swap3A_187 = arith.constant 32 : index
    %swap3A_188 = tpu.vector_load %arg7[%swap3A_186, %swap3A_187] {strides = array<i32>} : memref<32x64xf32, #tpu.memory_space<vmem>>, vector<16xf32>,
    tpu.vector_store %arg7[%swap3A_186, %swap3A_187], %gather3A_184 {strides = array<i32>} : memref<32x64xf32, #tpu.memory_space<vmem>>, vector<16xf32>,
    %get3A_189 = arith.constant 3 : i32
    %get3A_190 = arith.index_cast %get3A_189 : i32 to index
    %get3A_191 = arith.constant 48 : index
    %get3A_192 = tpu.vector_load %arg5[%get3A_190, %get3A_191] {strides = array<i32>} : memref<32x64xi32, #tpu.memory_space<vmem>>, vector<16xi32>,
    %gather3A_193 = tpu.vector_load_idx %arg6[%get3A_192] : memref<100000xf32, #tpu.memory_space<vmem>>[vector<16xi32>], vector<16xf32>,
    %swap3A_194 = arith.constant 3 : i32
    %swap3A_195 = arith.index_cast %swap3A_194 : i32 to index
    %swap3A_196 = arith.constant 48 : index
    %swap3A_197 = tpu.vector_load %arg7[%swap3A_195, %swap3A_196] {strides = array<i32>} : memref<32x64xf32, #tpu.memory_space<vmem>>, vector<16xf32>,
    tpu.vector_store %arg7[%swap3A_195, %swap3A_196], %gather3A_193 {strides = array<i32>} : memref<32x64xf32, #tpu.memory_space<vmem>>, vector<16xf32>,
    %add3A_198 = arith.constant 4 : i32
    %add3A_199 = arith.addi %mul3A_2, %add3A_198 : i32
    %dma_start3A_200 = arith.constant 0 : i32
    %dma_start3A_201 = tpu.memref_slice %arg2[%add3A_199, %dma_start3A_200] : memref<1024x100000xf32, #tpu.memory_space<hbm>> -> memref<1x100000xf32, #tpu.memory_space<hbm>>
    %dma_start3A_202 = tpu.memref_squeeze %dma_start3A_201 : memref<1x100000xf32, #tpu.memory_space<hbm>> -> memref<100000xf32, #tpu.memory_space<hbm>>
    %dma_start3A_203 = arith.constant 0 : i32
    %dma_start3A_204 = tpu.memref_slice %arg2[%add3A_199, %dma_start3A_203] : memref<1024x100000xf32, #tpu.memory_space<hbm>> -> memref<1x100000xf32, #tpu.memory_space<hbm>>
    %dma_start3A_205 = tpu.memref_squeeze %dma_start3A_204 : memref<1x100000xf32, #tpu.memory_space<hbm>> -> memref<100000xf32, #tpu.memory_space<hbm>>
    tpu.enqueue_dma source(%dma_start3A_205 : memref<100000xf32, #tpu.memory_space<hbm>>) target(%arg6 : memref<100000xf32, #tpu.memory_space<vmem>>) target_semaphore(%arg8 : memref<!tpu.dma_semaphore, #tpu.memory_space<semaphore_mem>>)
    %dma_wait3A_206 = arith.constant 0 : i32
    %dma_wait3A_207 = tpu.memref_slice %arg2[%add3A_199, %dma_wait3A_206] : memref<1024x100000xf32, #tpu.memory_space<hbm>> -> memref<1x100000xf32, #tpu.memory_space<hbm>>
    %dma_wait3A_208 = tpu.memref_squeeze %dma_wait3A_207 : memref<1x100000xf32, #tpu.memory_space<hbm>> -> memref<100000xf32, #tpu.memory_space<hbm>>
    %dma_wait3A_209 = arith.constant 0 : i32
    %dma_wait3A_210 = tpu.memref_slice %arg2[%add3A_199, %dma_wait3A_209] : memref<1024x100000xf32, #tpu.memory_space<hbm>> -> memref<1x100000xf32, #tpu.memory_space<hbm>>
    %dma_wait3A_211 = tpu.memref_squeeze %dma_wait3A_210 : memref<1x100000xf32, #tpu.memory_space<hbm>> -> memref<100000xf32, #tpu.memory_space<hbm>>
    tpu.wait_dma2 semaphore(%arg8 : memref<!tpu.dma_semaphore, #tpu.memory_space<semaphore_mem>>) src(%dma_wait3A_211 : memref<100000xf32, #tpu.memory_space<hbm>>) dst(%arg6 : memref<100000xf32, #tpu.memory_space<vmem>>)
    %get3A_212 = arith.constant 4 : i32
    %get3A_213 = arith.index_cast %get3A_212 : i32 to index
    %get3A_214 = arith.constant 0 : index
    %get3A_215 = tpu.vector_load %arg5[%get3A_213, %get3A_214] {strides = array<i32>} : memref<32x64xi32, #tpu.memory_space<vmem>>, vector<16xi32>,
    %gather3A_216 = tpu.vector_load_idx %arg6[%get3A_215] : memref<100000xf32, #tpu.memory_space<vmem>>[vector<16xi32>], vector<16xf32>,
    %swap3A_217 = arith.constant 4 : i32
    %swap3A_218 = arith.index_cast %swap3A_217 : i32 to index
    %swap3A_219 = arith.constant 0 : index
    %swap3A_220 = tpu.vector_load %arg7[%swap3A_218, %swap3A_219] {strides = array<i32>} : memref<32x64xf32, #tpu.memory_space<vmem>>, vector<16xf32>,
    tpu.vector_store %arg7[%swap3A_218, %swap3A_219], %gather3A_216 {strides = array<i32>} : memref<32x64xf32, #tpu.memory_space<vmem>>, vector<16xf32>,
    %get3A_221 = arith.constant 4 : i32
    %get3A_222 = arith.index_cast %get3A_221 : i32 to index
    %get3A_223 = arith.constant 16 : index
    %get3A_224 = tpu.vector_load %arg5[%get3A_222, %get3A_223] {strides = array<i32>} : memref<32x64xi32, #tpu.memory_space<vmem>>, vector<16xi32>,
    %gather3A_225 = tpu.vector_load_idx %arg6[%get3A_224] : memref<100000xf32, #tpu.memory_space<vmem>>[vector<16xi32>], vector<16xf32>,
    %swap3A_226 = arith.constant 4 : i32
    %swap3A_227 = arith.index_cast %swap3A_226 : i32 to index
    %swap3A_228 = arith.constant 16 : index
    %swap3A_229 = tpu.vector_load %arg7[%swap3A_227, %swap3A_228] {strides = array<i32>} : memref<32x64xf32, #tpu.memory_space<vmem>>, vector<16xf32>,
    tpu.vector_store %arg7[%swap3A_227, %swap3A_228], %gather3A_225 {strides = array<i32>} : memref<32x64xf32, #tpu.memory_space<vmem>>, vector<16xf32>,
    %get3A_230 = arith.constant 4 : i32
    %get3A_231 = arith.index_cast %get3A_230 : i32 to index
    %get3A_232 = arith.constant 32 : index
    %get3A_233 = tpu.vector_load %arg5[%get3A_231, %get3A_232] {strides = array<i32>} : memref<32x64xi32, #tpu.memory_space<vmem>>, vector<16xi32>,
    %gather3A_234 = tpu.vector_load_idx %arg6[%get3A_233] : memref<100000xf32, #tpu.memory_space<vmem>>[vector<16xi32>], vector<16xf32>,
    %swap3A_235 = arith.constant 4 : i32
    %swap3A_236 = arith.index_cast %swap3A_235 : i32 to index
    %swap3A_237 = arith.constant 32 : index
    %swap3A_238 = tpu.vector_load %arg7[%swap3A_236, %swap3A_237] {strides = array<i32>} : memref<32x64xf32, #tpu.memory_space<vmem>>, vector<16xf32>,
    tpu.vector_store %arg7[%swap3A_236, %swap3A_237], %gather3A_234 {strides = array<i32>} : memref<32x64xf32, #tpu.memory_space<vmem>>, vector<16xf32>,
    %get3A_239 = arith.constant 4 : i32
    %get3A_240 = arith.index_cast %get3A_239 : i32 to index
    %get3A_241 = arith.constant 48 : index
    %get3A_242 = tpu.vector_load %arg5[%get3A_240, %get3A_241] {strides = array<i32>} : memref<32x64xi32, #tpu.memory_space<vmem>>, vector<16xi32>,
    %gather3A_243 = tpu.vector_load_idx %arg6[%get3A_242] : memref<100000xf32, #tpu.memory_space<vmem>>[vector<16xi32>], vector<16xf32>,
    %swap3A_244 = arith.constant 4 : i32
    %swap3A_245 = arith.index_cast %swap3A_244 : i32 to index
    %swap3A_246 = arith.constant 48 : index
    %swap3A_247 = tpu.vector_load %arg7[%swap3A_245, %swap3A_246] {strides = array<i32>} : memref<32x64xf32, #tpu.memory_space<vmem>>, vector<16xf32>,
    tpu.vector_store %arg7[%swap3A_245, %swap3A_246], %gather3A_243 {strides = array<i32>} : memref<32x64xf32, #tpu.memory_space<vmem>>, vector<16xf32>,
    %add3A_248 = arith.constant 5 : i32
    %add3A_249 = arith.addi %mul3A_2, %add3A_248 : i32
    %dma_start3A_250 = arith.constant 0 : i32
    %dma_start3A_251 = tpu.memref_slice %arg2[%add3A_249, %dma_start3A_250] : memref<1024x100000xf32, #tpu.memory_space<hbm>> -> memref<1x100000xf32, #tpu.memory_space<hbm>>
    %dma_start3A_252 = tpu.memref_squeeze %dma_start3A_251 : memref<1x100000xf32, #tpu.memory_space<hbm>> -> memref<100000xf32, #tpu.memory_space<hbm>>
    %dma_start3A_253 = arith.constant 0 : i32
    %dma_start3A_254 = tpu.memref_slice %arg2[%add3A_249, %dma_start3A_253] : memref<1024x100000xf32, #tpu.memory_space<hbm>> -> memref<1x100000xf32, #tpu.memory_space<hbm>>
    %dma_start3A_255 = tpu.memref_squeeze %dma_start3A_254 : memref<1x100000xf32, #tpu.memory_space<hbm>> -> memref<100000xf32, #tpu.memory_space<hbm>>
    tpu.enqueue_dma source(%dma_start3A_255 : memref<100000xf32, #tpu.memory_space<hbm>>) target(%arg6 : memref<100000xf32, #tpu.memory_space<vmem>>) target_semaphore(%arg8 : memref<!tpu.dma_semaphore, #tpu.memory_space<semaphore_mem>>)
    %dma_wait3A_256 = arith.constant 0 : i32
    %dma_wait3A_257 = tpu.memref_slice %arg2[%add3A_249, %dma_wait3A_256] : memref<1024x100000xf32, #tpu.memory_space<hbm>> -> memref<1x100000xf32, #tpu.memory_space<hbm>>
    %dma_wait3A_258 = tpu.memref_squeeze %dma_wait3A_257 : memref<1x100000xf32, #tpu.memory_space<hbm>> -> memref<100000xf32, #tpu.memory_space<hbm>>
    %dma_wait3A_259 = arith.constant 0 : i32
    %dma_wait3A_260 = tpu.memref_slice %arg2[%add3A_249, %dma_wait3A_259] : memref<1024x100000xf32, #tpu.memory_space<hbm>> -> memref<1x100000xf32, #tpu.memory_space<hbm>>
    %dma_wait3A_261 = tpu.memref_squeeze %dma_wait3A_260 : memref<1x100000xf32, #tpu.memory_space<hbm>> -> memref<100000xf32, #tpu.memory_space<hbm>>
    tpu.wait_dma2 semaphore(%arg8 : memref<!tpu.dma_semaphore, #tpu.memory_space<semaphore_mem>>) src(%dma_wait3A_261 : memref<100000xf32, #tpu.memory_space<hbm>>) dst(%arg6 : memref<100000xf32, #tpu.memory_space<vmem>>)
    %get3A_262 = arith.constant 5 : i32
    %get3A_263 = arith.index_cast %get3A_262 : i32 to index
    %get3A_264 = arith.constant 0 : index
    %get3A_265 = tpu.vector_load %arg5[%get3A_263, %get3A_264] {strides = array<i32>} : memref<32x64xi32, #tpu.memory_space<vmem>>, vector<16xi32>,
    %gather3A_266 = tpu.vector_load_idx %arg6[%get3A_265] : memref<100000xf32, #tpu.memory_space<vmem>>[vector<16xi32>], vector<16xf32>,
    %swap3A_267 = arith.constant 5 : i32
    %swap3A_268 = arith.index_cast %swap3A_267 : i32 to index
    %swap3A_269 = arith.constant 0 : index
    %swap3A_270 = tpu.vector_load %arg7[%swap3A_268, %swap3A_269] {strides = array<i32>} : memref<32x64xf32, #tpu.memory_space<vmem>>, vector<16xf32>,
    tpu.vector_store %arg7[%swap3A_268, %swap3A_269], %gather3A_266 {strides = array<i32>} : memref<32x64xf32, #tpu.memory_space<vmem>>, vector<16xf32>,
    %get3A_271 = arith.constant 5 : i32
    %get3A_272 = arith.index_cast %get3A_271 : i32 to index
    %get3A_273 = arith.constant 16 : index
    %get3A_274 = tpu.vector_load %arg5[%get3A_272, %get3A_273] {strides = array<i32>} : memref<32x64xi32, #tpu.memory_space<vmem>>, vector<16xi32>,
    %gather3A_275 = tpu.vector_load_idx %arg6[%get3A_274] : memref<100000xf32, #tpu.memory_space<vmem>>[vector<16xi32>], vector<16xf32>,
    %swap3A_276 = arith.constant 5 : i32
    %swap3A_277 = arith.index_cast %swap3A_276 : i32 to index
    %swap3A_278 = arith.constant 16 : index
    %swap3A_279 = tpu.vector_load %arg7[%swap3A_277, %swap3A_278] {strides = array<i32>} : memref<32x64xf32, #tpu.memory_space<vmem>>, vector<16xf32>,
    tpu.vector_store %arg7[%swap3A_277, %swap3A_278], %gather3A_275 {strides = array<i32>} : memref<32x64xf32, #tpu.memory_space<vmem>>, vector<16xf32>,
    %get3A_280 = arith.constant 5 : i32
    %get3A_281 = arith.index_cast %get3A_280 : i32 to index
    %get3A_282 = arith.constant 32 : index
    %get3A_283 = tpu.vector_load %arg5[%get3A_281, %get3A_282] {strides = array<i32>} : memref<32x64xi32, #tpu.memory_space<vmem>>, vector<16xi32>,
    %gather3A_284 = tpu.vector_load_idx %arg6[%get3A_283] : memref<100000xf32, #tpu.memory_space<vmem>>[vector<16xi32>], vector<16xf32>,
    %swap3A_285 = arith.constant 5 : i32
    %swap3A_286 = arith.index_cast %swap3A_285 : i32 to index
    %swap3A_287 = arith.constant 32 : index
    %swap3A_288 = tpu.vector_load %arg7[%swap3A_286, %swap3A_287] {strides = array<i32>} : memref<32x64xf32, #tpu.memory_space<vmem>>, vector<16xf32>,
    tpu.vector_store %arg7[%swap3A_286, %swap3A_287], %gather3A_284 {strides = array<i32>} : memref<32x64xf32, #tpu.memory_space<vmem>>, vector<16xf32>,
    %get3A_289 = arith.constant 5 : i32
    %get3A_290 = arith.index_cast %get3A_289 : i32 to index
    %get3A_291 = arith.constant 48 : index
    %get3A_292 = tpu.vector_load %arg5[%get3A_290, %get3A_291] {strides = array<i32>} : memref<32x64xi32, #tpu.memory_space<vmem>>, vector<16xi32>,
    %gather3A_293 = tpu.vector_load_idx %arg6[%get3A_292] : memref<100000xf32, #tpu.memory_space<vmem>>[vector<16xi32>], vector<16xf32>,
    %swap3A_294 = arith.constant 5 : i32
    %swap3A_295 = arith.index_cast %swap3A_294 : i32 to index
    %swap3A_296 = arith.constant 48 : index
    %swap3A_297 = tpu.vector_load %arg7[%swap3A_295, %swap3A_296] {strides = array<i32>} : memref<32x64xf32, #tpu.memory_space<vmem>>, vector<16xf32>,
    tpu.vector_store %arg7[%swap3A_295, %swap3A_296], %gather3A_293 {strides = array<i32>} : memref<32x64xf32, #tpu.memory_space<vmem>>, vector<16xf32>,
    %add3A_298 = arith.constant 6 : i32
    %add3A_299 = arith.addi %mul3A_2, %add3A_298 : i32
    %dma_start3A_300 = arith.constant 0 : i32
    %dma_start3A_301 = tpu.memref_slice %arg2[%add3A_299, %dma_start3A_300] : memref<1024x100000xf32, #tpu.memory_space<hbm>> -> memref<1x100000xf32, #tpu.memory_space<hbm>>
    %dma_start3A_302 = tpu.memref_squeeze %dma_start3A_301 : memref<1x100000xf32, #tpu.memory_space<hbm>> -> memref<100000xf32, #tpu.memory_space<hbm>>
    %dma_start3A_303 = arith.constant 0 : i32
    %dma_start3A_304 = tpu.memref_slice %arg2[%add3A_299, %dma_start3A_303] : memref<1024x100000xf32, #tpu.memory_space<hbm>> -> memref<1x100000xf32, #tpu.memory_space<hbm>>
    %dma_start3A_305 = tpu.memref_squeeze %dma_start3A_304 : memref<1x100000xf32, #tpu.memory_space<hbm>> -> memref<100000xf32, #tpu.memory_space<hbm>>
    tpu.enqueue_dma source(%dma_start3A_305 : memref<100000xf32, #tpu.memory_space<hbm>>) target(%arg6 : memref<100000xf32, #tpu.memory_space<vmem>>) target_semaphore(%arg8 : memref<!tpu.dma_semaphore, #tpu.memory_space<semaphore_mem>>)
    %dma_wait3A_306 = arith.constant 0 : i32
    %dma_wait3A_307 = tpu.memref_slice %arg2[%add3A_299, %dma_wait3A_306] : memref<1024x100000xf32, #tpu.memory_space<hbm>> -> memref<1x100000xf32, #tpu.memory_space<hbm>>
    %dma_wait3A_308 = tpu.memref_squeeze %dma_wait3A_307 : memref<1x100000xf32, #tpu.memory_space<hbm>> -> memref<100000xf32, #tpu.memory_space<hbm>>
    %dma_wait3A_309 = arith.constant 0 : i32
    %dma_wait3A_310 = tpu.memref_slice %arg2[%add3A_299, %dma_wait3A_309] : memref<1024x100000xf32, #tpu.memory_space<hbm>> -> memref<1x100000xf32, #tpu.memory_space<hbm>>
    %dma_wait3A_311 = tpu.memref_squeeze %dma_wait3A_310 : memref<1x100000xf32, #tpu.memory_space<hbm>> -> memref<100000xf32, #tpu.memory_space<hbm>>
    tpu.wait_dma2 semaphore(%arg8 : memref<!tpu.dma_semaphore, #tpu.memory_space<semaphore_mem>>) src(%dma_wait3A_311 : memref<100000xf32, #tpu.memory_space<hbm>>) dst(%arg6 : memref<100000xf32, #tpu.memory_space<vmem>>)
    %get3A_312 = arith.constant 6 : i32
    %get3A_313 = arith.index_cast %get3A_312 : i32 to index
    %get3A_314 = arith.constant 0 : index
    %get3A_315 = tpu.vector_load %arg5[%get3A_313, %get3A_314] {strides = array<i32>} : memref<32x64xi32, #tpu.memory_space<vmem>>, vector<16xi32>,
    %gather3A_316 = tpu.vector_load_idx %arg6[%get3A_315] : memref<100000xf32, #tpu.memory_space<vmem>>[vector<16xi32>], vector<16xf32>,
    %swap3A_317 = arith.constant 6 : i32
    %swap3A_318 = arith.index_cast %swap3A_317 : i32 to index
    %swap3A_319 = arith.constant 0 : index
    %swap3A_320 = tpu.vector_load %arg7[%swap3A_318, %swap3A_319] {strides = array<i32>} : memref<32x64xf32, #tpu.memory_space<vmem>>, vector<16xf32>,
    tpu.vector_store %arg7[%swap3A_318, %swap3A_319], %gather3A_316 {strides = array<i32>} : memref<32x64xf32, #tpu.memory_space<vmem>>, vector<16xf32>,
    %get3A_321 = arith.constant 6 : i32
    %get3A_322 = arith.index_cast %get3A_321 : i32 to index
    %get3A_323 = arith.constant 16 : index
    %get3A_324 = tpu.vector_load %arg5[%get3A_322, %get3A_323] {strides = array<i32>} : memref<32x64xi32, #tpu.memory_space<vmem>>, vector<16xi32>,
    %gather3A_325 = tpu.vector_load_idx %arg6[%get3A_324] : memref<100000xf32, #tpu.memory_space<vmem>>[vector<16xi32>], vector<16xf32>,
    %swap3A_326 = arith.constant 6 : i32
    %swap3A_327 = arith.index_cast %swap3A_326 : i32 to index
    %swap3A_328 = arith.constant 16 : index
    %swap3A_329 = tpu.vector_load %arg7[%swap3A_327, %swap3A_328] {strides = array<i32>} : memref<32x64xf32, #tpu.memory_space<vmem>>, vector<16xf32>,
    tpu.vector_store %arg7[%swap3A_327, %swap3A_328], %gather3A_325 {strides = array<i32>} : memref<32x64xf32, #tpu.memory_space<vmem>>, vector<16xf32>,
    %get3A_330 = arith.constant 6 : i32
    %get3A_331 = arith.index_cast %get3A_330 : i32 to index
    %get3A_332 = arith.constant 32 : index
    %get3A_333 = tpu.vector_load %arg5[%get3A_331, %get3A_332] {strides = array<i32>} : memref<32x64xi32, #tpu.memory_space<vmem>>, vector<16xi32>,
    %gather3A_334 = tpu.vector_load_idx %arg6[%get3A_333] : memref<100000xf32, #tpu.memory_space<vmem>>[vector<16xi32>], vector<16xf32>,
    %swap3A_335 = arith.constant 6 : i32
    %swap3A_336 = arith.index_cast %swap3A_335 : i32 to index
    %swap3A_337 = arith.constant 32 : index
    %swap3A_338 = tpu.vector_load %arg7[%swap3A_336, %swap3A_337] {strides = array<i32>} : memref<32x64xf32, #tpu.memory_space<vmem>>, vector<16xf32>,
    tpu.vector_store %arg7[%swap3A_336, %swap3A_337], %gather3A_334 {strides = array<i32>} : memref<32x64xf32, #tpu.memory_space<vmem>>, vector<16xf32>,
    %get3A_339 = arith.constant 6 : i32
    %get3A_340 = arith.index_cast %get3A_339 : i32 to index
    %get3A_341 = arith.constant 48 : index
    %get3A_342 = tpu.vector_load %arg5[%get3A_340, %get3A_341] {strides = array<i32>} : memref<32x64xi32, #tpu.memory_space<vmem>>, vector<16xi32>,
    %gather3A_343 = tpu.vector_load_idx %arg6[%get3A_342] : memref<100000xf32, #tpu.memory_space<vmem>>[vector<16xi32>], vector<16xf32>,
    %swap3A_344 = arith.constant 6 : i32
    %swap3A_345 = arith.index_cast %swap3A_344 : i32 to index
    %swap3A_346 = arith.constant 48 : index
    %swap3A_347 = tpu.vector_load %arg7[%swap3A_345, %swap3A_346] {strides = array<i32>} : memref<32x64xf32, #tpu.memory_space<vmem>>, vector<16xf32>,
    tpu.vector_store %arg7[%swap3A_345, %swap3A_346], %gather3A_343 {strides = array<i32>} : memref<32x64xf32, #tpu.memory_space<vmem>>, vector<16xf32>,
    %add3A_348 = arith.constant 7 : i32
    %add3A_349 = arith.addi %mul3A_2, %add3A_348 : i32
    %dma_start3A_350 = arith.constant 0 : i32
    %dma_start3A_351 = tpu.memref_slice %arg2[%add3A_349, %dma_start3A_350] : memref<1024x100000xf32, #tpu.memory_space<hbm>> -> memref<1x100000xf32, #tpu.memory_space<hbm>>
    %dma_start3A_352 = tpu.memref_squeeze %dma_start3A_351 : memref<1x100000xf32, #tpu.memory_space<hbm>> -> memref<100000xf32, #tpu.memory_space<hbm>>
    %dma_start3A_353 = arith.constant 0 : i32
    %dma_start3A_354 = tpu.memref_slice %arg2[%add3A_349, %dma_start3A_353] : memref<1024x100000xf32, #tpu.memory_space<hbm>> -> memref<1x100000xf32, #tpu.memory_space<hbm>>
    %dma_start3A_355 = tpu.memref_squeeze %dma_start3A_354 : memref<1x100000xf32, #tpu.memory_space<hbm>> -> memref<100000xf32, #tpu.memory_space<hbm>>
    tpu.enqueue_dma source(%dma_start3A_355 : memref<100000xf32, #tpu.memory_space<hbm>>) target(%arg6 : memref<100000xf32, #tpu.memory_space<vmem>>) target_semaphore(%arg8 : memref<!tpu.dma_semaphore, #tpu.memory_space<semaphore_mem>>)
    %dma_wait3A_356 = arith.constant 0 : i32
    %dma_wait3A_357 = tpu.memref_slice %arg2[%add3A_349, %dma_wait3A_356] : memref<1024x100000xf32, #tpu.memory_space<hbm>> -> memref<1x100000xf32, #tpu.memory_space<hbm>>
    %dma_wait3A_358 = tpu.memref_squeeze %dma_wait3A_357 : memref<1x100000xf32, #tpu.memory_space<hbm>> -> memref<100000xf32, #tpu.memory_space<hbm>>
    %dma_wait3A_359 = arith.constant 0 : i32
    %dma_wait3A_360 = tpu.memref_slice %arg2[%add3A_349, %dma_wait3A_359] : memref<1024x100000xf32, #tpu.memory_space<hbm>> -> memref<1x100000xf32, #tpu.memory_space<hbm>>
    %dma_wait3A_361 = tpu.memref_squeeze %dma_wait3A_360 : memref<1x100000xf32, #tpu.memory_space<hbm>> -> memref<100000xf32, #tpu.memory_space<hbm>>
    tpu.wait_dma2 semaphore(%arg8 : memref<!tpu.dma_semaphore, #tpu.memory_space<semaphore_mem>>) src(%dma_wait3A_361 : memref<100000xf32, #tpu.memory_space<hbm>>) dst(%arg6 : memref<100000xf32, #tpu.memory_space<vmem>>)
    %get3A_362 = arith.constant 7 : i32
    %get3A_363 = arith.index_cast %get3A_362 : i32 to index
    %get3A_364 = arith.constant 0 : index
    %get3A_365 = tpu.vector_load %arg5[%get3A_363, %get3A_364] {strides = array<i32>} : memref<32x64xi32, #tpu.memory_space<vmem>>, vector<16xi32>,
    %gather3A_366 = tpu.vector_load_idx %arg6[%get3A_365] : memref<100000xf32, #tpu.memory_space<vmem>>[vector<16xi32>], vector<16xf32>,
    %swap3A_367 = arith.constant 7 : i32
    %swap3A_368 = arith.index_cast %swap3A_367 : i32 to index
    %swap3A_369 = arith.constant 0 : index
    %swap3A_370 = tpu.vector_load %arg7[%swap3A_368, %swap3A_369] {strides = array<i32>} : memref<32x64xf32, #tpu.memory_space<vmem>>, vector<16xf32>,
    tpu.vector_store %arg7[%swap3A_368, %swap3A_369], %gather3A_366 {strides = array<i32>} : memref<32x64xf32, #tpu.memory_space<vmem>>, vector<16xf32>,
    %get3A_371 = arith.constant 7 : i32
    %get3A_372 = arith.index_cast %get3A_371 : i32 to index
    %get3A_373 = arith.constant 16 : index
    %get3A_374 = tpu.vector_load %arg5[%get3A_372, %get3A_373] {strides = array<i32>} : memref<32x64xi32, #tpu.memory_space<vmem>>, vector<16xi32>,
    %gather3A_375 = tpu.vector_load_idx %arg6[%get3A_374] : memref<100000xf32, #tpu.memory_space<vmem>>[vector<16xi32>], vector<16xf32>,
    %swap3A_376 = arith.constant 7 : i32
    %swap3A_377 = arith.index_cast %swap3A_376 : i32 to index
    %swap3A_378 = arith.constant 16 : index
    %swap3A_379 = tpu.vector_load %arg7[%swap3A_377, %swap3A_378] {strides = array<i32>} : memref<32x64xf32, #tpu.memory_space<vmem>>, vector<16xf32>,
    tpu.vector_store %arg7[%swap3A_377, %swap3A_378], %gather3A_375 {strides = array<i32>} : memref<32x64xf32, #tpu.memory_space<vmem>>, vector<16xf32>,
    %get3A_380 = arith.constant 7 : i32
    %get3A_381 = arith.index_cast %get3A_380 : i32 to index
    %get3A_382 = arith.constant 32 : index
    %get3A_383 = tpu.vector_load %arg5[%get3A_381, %get3A_382] {strides = array<i32>} : memref<32x64xi32, #tpu.memory_space<vmem>>, vector<16xi32>,
    %gather3A_384 = tpu.vector_load_idx %arg6[%get3A_383] : memref<100000xf32, #tpu.memory_space<vmem>>[vector<16xi32>], vector<16xf32>,
    %swap3A_385 = arith.constant 7 : i32
    %swap3A_386 = arith.index_cast %swap3A_385 : i32 to index
    %swap3A_387 = arith.constant 32 : index
    %swap3A_388 = tpu.vector_load %arg7[%swap3A_386, %swap3A_387] {strides = array<i32>} : memref<32x64xf32, #tpu.memory_space<vmem>>, vector<16xf32>,
    tpu.vector_store %arg7[%swap3A_386, %swap3A_387], %gather3A_384 {strides = array<i32>} : memref<32x64xf32, #tpu.memory_space<vmem>>, vector<16xf32>,
    %get3A_389 = arith.constant 7 : i32
    %get3A_390 = arith.index_cast %get3A_389 : i32 to index
    %get3A_391 = arith.constant 48 : index
    %get3A_392 = tpu.vector_load %arg5[%get3A_390, %get3A_391] {strides = array<i32>} : memref<32x64xi32, #tpu.memory_space<vmem>>, vector<16xi32>,
    %gather3A_393 = tpu.vector_load_idx %arg6[%get3A_392] : memref<100000xf32, #tpu.memory_space<vmem>>[vector<16xi32>], vector<16xf32>,
    %swap3A_394 = arith.constant 7 : i32
    %swap3A_395 = arith.index_cast %swap3A_394 : i32 to index
    %swap3A_396 = arith.constant 48 : index
    %swap3A_397 = tpu.vector_load %arg7[%swap3A_395, %swap3A_396] {strides = array<i32>} : memref<32x64xf32, #tpu.memory_space<vmem>>, vector<16xf32>,
    tpu.vector_store %arg7[%swap3A_395, %swap3A_396], %gather3A_393 {strides = array<i32>} : memref<32x64xf32, #tpu.memory_space<vmem>>, vector<16xf32>,
    %add3A_398 = arith.constant 8 : i32
    %add3A_399 = arith.addi %mul3A_2, %add3A_398 : i32
    %dma_start3A_400 = arith.constant 0 : i32
    %dma_start3A_401 = tpu.memref_slice %arg2[%add3A_399, %dma_start3A_400] : memref<1024x100000xf32, #tpu.memory_space<hbm>> -> memref<1x100000xf32, #tpu.memory_space<hbm>>
    %dma_start3A_402 = tpu.memref_squeeze %dma_start3A_401 : memref<1x100000xf32, #tpu.memory_space<hbm>> -> memref<100000xf32, #tpu.memory_space<hbm>>
    %dma_start3A_403 = arith.constant 0 : i32
    %dma_start3A_404 = tpu.memref_slice %arg2[%add3A_399, %dma_start3A_403] : memref<1024x100000xf32, #tpu.memory_space<hbm>> -> memref<1x100000xf32, #tpu.memory_space<hbm>>
    %dma_start3A_405 = tpu.memref_squeeze %dma_start3A_404 : memref<1x100000xf32, #tpu.memory_space<hbm>> -> memref<100000xf32, #tpu.memory_space<hbm>>
    tpu.enqueue_dma source(%dma_start3A_405 : memref<100000xf32, #tpu.memory_space<hbm>>) target(%arg6 : memref<100000xf32, #tpu.memory_space<vmem>>) target_semaphore(%arg8 : memref<!tpu.dma_semaphore, #tpu.memory_space<semaphore_mem>>)
    %dma_wait3A_406 = arith.constant 0 : i32
    %dma_wait3A_407 = tpu.memref_slice %arg2[%add3A_399, %dma_wait3A_406] : memref<1024x100000xf32, #tpu.memory_space<hbm>> -> memref<1x100000xf32, #tpu.memory_space<hbm>>
    %dma_wait3A_408 = tpu.memref_squeeze %dma_wait3A_407 : memref<1x100000xf32, #tpu.memory_space<hbm>> -> memref<100000xf32, #tpu.memory_space<hbm>>
    %dma_wait3A_409 = arith.constant 0 : i32
    %dma_wait3A_410 = tpu.memref_slice %arg2[%add3A_399, %dma_wait3A_409] : memref<1024x100000xf32, #tpu.memory_space<hbm>> -> memref<1x100000xf32, #tpu.memory_space<hbm>>
    %dma_wait3A_411 = tpu.memref_squeeze %dma_wait3A_410 : memref<1x100000xf32, #tpu.memory_space<hbm>> -> memref<100000xf32, #tpu.memory_space<hbm>>
    tpu.wait_dma2 semaphore(%arg8 : memref<!tpu.dma_semaphore, #tpu.memory_space<semaphore_mem>>) src(%dma_wait3A_411 : memref<100000xf32, #tpu.memory_space<hbm>>) dst(%arg6 : memref<100000xf32, #tpu.memory_space<vmem>>)
    %get3A_412 = arith.constant 8 : i32
    %get3A_413 = arith.index_cast %get3A_412 : i32 to index
    %get3A_414 = arith.constant 0 : index
    %get3A_415 = tpu.vector_load %arg5[%get3A_413, %get3A_414] {strides = array<i32>} : memref<32x64xi32, #tpu.memory_space<vmem>>, vector<16xi32>,
    %gather3A_416 = tpu.vector_load_idx %arg6[%get3A_415] : memref<100000xf32, #tpu.memory_space<vmem>>[vector<16xi32>], vector<16xf32>,
    %swap3A_417 = arith.constant 8 : i32
    %swap3A_418 = arith.index_cast %swap3A_417 : i32 to index
    %swap3A_419 = arith.constant 0 : index
    %swap3A_420 = tpu.vector_load %arg7[%swap3A_418, %swap3A_419] {strides = array<i32>} : memref<32x64xf32, #tpu.memory_space<vmem>>, vector<16xf32>,
    tpu.vector_store %arg7[%swap3A_418, %swap3A_419], %gather3A_416 {strides = array<i32>} : memref<32x64xf32, #tpu.memory_space<vmem>>, vector<16xf32>,
    %get3A_421 = arith.constant 8 : i32
    %get3A_422 = arith.index_cast %get3A_421 : i32 to index
    %get3A_423 = arith.constant 16 : index
    %get3A_424 = tpu.vector_load %arg5[%get3A_422, %get3A_423] {strides = array<i32>} : memref<32x64xi32, #tpu.memory_space<vmem>>, vector<16xi32>,
    %gather3A_425 = tpu.vector_load_idx %arg6[%get3A_424] : memref<100000xf32, #tpu.memory_space<vmem>>[vector<16xi32>], vector<16xf32>,
    %swap3A_426 = arith.constant 8 : i32
    %swap3A_427 = arith.index_cast %swap3A_426 : i32 to index
    %swap3A_428 = arith.constant 16 : index
    %swap3A_429 = tpu.vector_load %arg7[%swap3A_427, %swap3A_428] {strides = array<i32>} : memref<32x64xf32, #tpu.memory_space<vmem>>, vector<16xf32>,
    tpu.vector_store %arg7[%swap3A_427, %swap3A_428], %gather3A_425 {strides = array<i32>} : memref<32x64xf32, #tpu.memory_space<vmem>>, vector<16xf32>,
    %get3A_430 = arith.constant 8 : i32
    %get3A_431 = arith.index_cast %get3A_430 : i32 to index
    %get3A_432 = arith.constant 32 : index
    %get3A_433 = tpu.vector_load %arg5[%get3A_431, %get3A_432] {strides = array<i32>} : memref<32x64xi32, #tpu.memory_space<vmem>>, vector<16xi32>,
    %gather3A_434 = tpu.vector_load_idx %arg6[%get3A_433] : memref<100000xf32, #tpu.memory_space<vmem>>[vector<16xi32>], vector<16xf32>,
    %swap3A_435 = arith.constant 8 : i32
    %swap3A_436 = arith.index_cast %swap3A_435 : i32 to index
    %swap3A_437 = arith.constant 32 : index
    %swap3A_438 = tpu.vector_load %arg7[%swap3A_436, %swap3A_437] {strides = array<i32>} : memref<32x64xf32, #tpu.memory_space<vmem>>, vector<16xf32>,
    tpu.vector_store %arg7[%swap3A_436, %swap3A_437], %gather3A_434 {strides = array<i32>} : memref<32x64xf32, #tpu.memory_space<vmem>>, vector<16xf32>,
    %get3A_439 = arith.constant 8 : i32
    %get3A_440 = arith.index_cast %get3A_439 : i32 to index
    %get3A_441 = arith.constant 48 : index
    %get3A_442 = tpu.vector_load %arg5[%get3A_440, %get3A_441] {strides = array<i32>} : memref<32x64xi32, #tpu.memory_space<vmem>>, vector<16xi32>,
    %gather3A_443 = tpu.vector_load_idx %arg6[%get3A_442] : memref<100000xf32, #tpu.memory_space<vmem>>[vector<16xi32>], vector<16xf32>,
    %swap3A_444 = arith.constant 8 : i32
    %swap3A_445 = arith.index_cast %swap3A_444 : i32 to index
    %swap3A_446 = arith.constant 48 : index
    %swap3A_447 = tpu.vector_load %arg7[%swap3A_445, %swap3A_446] {strides = array<i32>} : memref<32x64xf32, #tpu.memory_space<vmem>>, vector<16xf32>,
    tpu.vector_store %arg7[%swap3A_445, %swap3A_446], %gather3A_443 {strides = array<i32>} : memref<32x64xf32, #tpu.memory_space<vmem>>, vector<16xf32>,
    %add3A_448 = arith.constant 9 : i32
    %add3A_449 = arith.addi %mul3A_2, %add3A_448 : i32
    %dma_start3A_450 = arith.constant 0 : i32
    %dma_start3A_451 = tpu.memref_slice %arg2[%add3A_449, %dma_start3A_450] : memref<1024x100000xf32, #tpu.memory_space<hbm>> -> memref<1x100000xf32, #tpu.memory_space<hbm>>
    %dma_start3A_452 = tpu.memref_squeeze %dma_start3A_451 : memref<1x100000xf32, #tpu.memory_space<hbm>> -> memref<100000xf32, #tpu.memory_space<hbm>>
    %dma_start3A_453 = arith.constant 0 : i32
    %dma_start3A_454 = tpu.memref_slice %arg2[%add3A_449, %dma_start3A_453] : memref<1024x100000xf32, #tpu.memory_space<hbm>> -> memref<1x100000xf32, #tpu.memory_space<hbm>>
    %dma_start3A_455 = tpu.memref_squeeze %dma_start3A_454 : memref<1x100000xf32, #tpu.memory_space<hbm>> -> memref<100000xf32, #tpu.memory_space<hbm>>
    tpu.enqueue_dma source(%dma_start3A_455 : memref<100000xf32, #tpu.memory_space<hbm>>) target(%arg6 : memref<100000xf32, #tpu.memory_space<vmem>>) target_semaphore(%arg8 : memref<!tpu.dma_semaphore, #tpu.memory_space<semaphore_mem>>)
    %dma_wait3A_456 = arith.constant 0 : i32
    %dma_wait3A_457 = tpu.memref_slice %arg2[%add3A_449, %dma_wait3A_456] : memref<1024x100000xf32, #tpu.memory_space<hbm>> -> memref<1x100000xf32, #tpu.memory_space<hbm>>
    %dma_wait3A_458 = tpu.memref_squeeze %dma_wait3A_457 : memref<1x100000xf32, #tpu.memory_space<hbm>> -> memref<100000xf32, #tpu.memory_space<hbm>>
    %dma_wait3A_459 = arith.constant 0 : i32
    %dma_wait3A_460 = tpu.memref_slice %arg2[%add3A_449, %dma_wait3A_459] : memref<1024x100000xf32, #tpu.memory_space<hbm>> -> memref<1x100000xf32, #tpu.memory_space<hbm>>
    %dma_wait3A_461 = tpu.memref_squeeze %dma_wait3A_460 : memref<1x100000xf32, #tpu.memory_space<hbm>> -> memref<100000xf32, #tpu.memory_space<hbm>>
    tpu.wait_dma2 semaphore(%arg8 : memref<!tpu.dma_semaphore, #tpu.memory_space<semaphore_mem>>) src(%dma_wait3A_461 : memref<100000xf32, #tpu.memory_space<hbm>>) dst(%arg6 : memref<100000xf32, #tpu.memory_space<vmem>>)
    %get3A_462 = arith.constant 9 : i32
    %get3A_463 = arith.index_cast %get3A_462 : i32 to index
    %get3A_464 = arith.constant 0 : index
    %get3A_465 = tpu.vector_load %arg5[%get3A_463, %get3A_464] {strides = array<i32>} : memref<32x64xi32, #tpu.memory_space<vmem>>, vector<16xi32>,
    %gather3A_466 = tpu.vector_load_idx %arg6[%get3A_465] : memref<100000xf32, #tpu.memory_space<vmem>>[vector<16xi32>], vector<16xf32>,
    %swap3A_467 = arith.constant 9 : i32
    %swap3A_468 = arith.index_cast %swap3A_467 : i32 to index
    %swap3A_469 = arith.constant 0 : index
    %swap3A_470 = tpu.vector_load %arg7[%swap3A_468, %swap3A_469] {strides = array<i32>} : memref<32x64xf32, #tpu.memory_space<vmem>>, vector<16xf32>,
    tpu.vector_store %arg7[%swap3A_468, %swap3A_469], %gather3A_466 {strides = array<i32>} : memref<32x64xf32, #tpu.memory_space<vmem>>, vector<16xf32>,
    %get3A_471 = arith.constant 9 : i32
    %get3A_472 = arith.index_cast %get3A_471 : i32 to index
    %get3A_473 = arith.constant 16 : index
    %get3A_474 = tpu.vector_load %arg5[%get3A_472, %get3A_473] {strides = array<i32>} : memref<32x64xi32, #tpu.memory_space<vmem>>, vector<16xi32>,
    %gather3A_475 = tpu.vector_load_idx %arg6[%get3A_474] : memref<100000xf32, #tpu.memory_space<vmem>>[vector<16xi32>], vector<16xf32>,
    %swap3A_476 = arith.constant 9 : i32
    %swap3A_477 = arith.index_cast %swap3A_476 : i32 to index
    %swap3A_478 = arith.constant 16 : index
    %swap3A_479 = tpu.vector_load %arg7[%swap3A_477, %swap3A_478] {strides = array<i32>} : memref<32x64xf32, #tpu.memory_space<vmem>>, vector<16xf32>,
    tpu.vector_store %arg7[%swap3A_477, %swap3A_478], %gather3A_475 {strides = array<i32>} : memref<32x64xf32, #tpu.memory_space<vmem>>, vector<16xf32>,
    %get3A_480 = arith.constant 9 : i32
    %get3A_481 = arith.index_cast %get3A_480 : i32 to index
    %get3A_482 = arith.constant 32 : index
    %get3A_483 = tpu.vector_load %arg5[%get3A_481, %get3A_482] {strides = array<i32>} : memref<32x64xi32, #tpu.memory_space<vmem>>, vector<16xi32>,
    %gather3A_484 = tpu.vector_load_idx %arg6[%get3A_483] : memref<100000xf32, #tpu.memory_space<vmem>>[vector<16xi32>], vector<16xf32>,
    %swap3A_485 = arith.constant 9 : i32
    %swap3A_486 = arith.index_cast %swap3A_485 : i32 to index
    %swap3A_487 = arith.constant 32 : index
    %swap3A_488 = tpu.vector_load %arg7[%swap3A_486, %swap3A_487] {strides = array<i32>} : memref<32x64xf32, #tpu.memory_space<vmem>>, vector<16xf32>,
    tpu.vector_store %arg7[%swap3A_486, %swap3A_487], %gather3A_484 {strides = array<i32>} : memref<32x64xf32, #tpu.memory_space<vmem>>, vector<16xf32>,
    %get3A_489 = arith.constant 9 : i32
    %get3A_490 = arith.index_cast %get3A_489 : i32 to index
    %get3A_491 = arith.constant 48 : index
    %get3A_492 = tpu.vector_load %arg5[%get3A_490, %get3A_491] {strides = array<i32>} : memref<32x64xi32, #tpu.memory_space<vmem>>, vector<16xi32>,
    %gather3A_493 = tpu.vector_load_idx %arg6[%get3A_492] : memref<100000xf32, #tpu.memory_space<vmem>>[vector<16xi32>], vector<16xf32>,
    %swap3A_494 = arith.constant 9 : i32
    %swap3A_495 = arith.index_cast %swap3A_494 : i32 to index
    %swap3A_496 = arith.constant 48 : index
    %swap3A_497 = tpu.vector_load %arg7[%swap3A_495, %swap3A_496] {strides = array<i32>} : memref<32x64xf32, #tpu.memory_space<vmem>>, vector<16xf32>,
    tpu.vector_store %arg7[%swap3A_495, %swap3A_496], %gather3A_493 {strides = array<i32>} : memref<32x64xf32, #tpu.memory_space<vmem>>, vector<16xf32>,
    %add3A_498 = arith.constant 10 : i32
    %add3A_499 = arith.addi %mul3A_2, %add3A_498 : i32
    %dma_start3A_500 = arith.constant 0 : i32
    %dma_start3A_501 = tpu.memref_slice %arg2[%add3A_499, %dma_start3A_500] : memref<1024x100000xf32, #tpu.memory_space<hbm>> -> memref<1x100000xf32, #tpu.memory_space<hbm>>
    %dma_start3A_502 = tpu.memref_squeeze %dma_start3A_501 : memref<1x100000xf32, #tpu.memory_space<hbm>> -> memref<100000xf32, #tpu.memory_space<hbm>>
    %dma_start3A_503 = arith.constant 0 : i32
    %dma_start3A_504 = tpu.memref_slice %arg2[%add3A_499, %dma_start3A_503] : memref<1024x100000xf32, #tpu.memory_space<hbm>> -> memref<1x100000xf32, #tpu.memory_space<hbm>>
    %dma_start3A_505 = tpu.memref_squeeze %dma_start3A_504 : memref<1x100000xf32, #tpu.memory_space<hbm>> -> memref<100000xf32, #tpu.memory_space<hbm>>
    tpu.enqueue_dma source(%dma_start3A_505 : memref<100000xf32, #tpu.memory_space<hbm>>) target(%arg6 : memref<100000xf32, #tpu.memory_space<vmem>>) target_semaphore(%arg8 : memref<!tpu.dma_semaphore, #tpu.memory_space<semaphore_mem>>)
    %dma_wait3A_506 = arith.constant 0 : i32
    %dma_wait3A_507 = tpu.memref_slice %arg2[%add3A_499, %dma_wait3A_506] : memref<1024x100000xf32, #tpu.memory_space<hbm>> -> memref<1x100000xf32, #tpu.memory_space<hbm>>
    %dma_wait3A_508 = tpu.memref_squeeze %dma_wait3A_507 : memref<1x100000xf32, #tpu.memory_space<hbm>> -> memref<100000xf32, #tpu.memory_space<hbm>>
    %dma_wait3A_509 = arith.constant 0 : i32
    %dma_wait3A_510 = tpu.memref_slice %arg2[%add3A_499, %dma_wait3A_509] : memref<1024x100000xf32, #tpu.memory_space<hbm>> -> memref<1x100000xf32, #tpu.memory_space<hbm>>
    %dma_wait3A_511 = tpu.memref_squeeze %dma_wait3A_510 : memref<1x100000xf32, #tpu.memory_space<hbm>> -> memref<100000xf32, #tpu.memory_space<hbm>>
    tpu.wait_dma2 semaphore(%arg8 : memref<!tpu.dma_semaphore, #tpu.memory_space<semaphore_mem>>) src(%dma_wait3A_511 : memref<100000xf32, #tpu.memory_space<hbm>>) dst(%arg6 : memref<100000xf32, #tpu.memory_space<vmem>>)
    %get3A_512 = arith.constant 10 : i32
    %get3A_513 = arith.index_cast %get3A_512 : i32 to index
    %get3A_514 = arith.constant 0 : index
    %get3A_515 = tpu.vector_load %arg5[%get3A_513, %get3A_514] {strides = array<i32>} : memref<32x64xi32, #tpu.memory_space<vmem>>, vector<16xi32>,
    %gather3A_516 = tpu.vector_load_idx %arg6[%get3A_515] : memref<100000xf32, #tpu.memory_space<vmem>>[vector<16xi32>], vector<16xf32>,
    %swap3A_517 = arith.constant 10 : i32
    %swap3A_518 = arith.index_cast %swap3A_517 : i32 to index
    %swap3A_519 = arith.constant 0 : index
    %swap3A_520 = tpu.vector_load %arg7[%swap3A_518, %swap3A_519] {strides = array<i32>} : memref<32x64xf32, #tpu.memory_space<vmem>>, vector<16xf32>,
    tpu.vector_store %arg7[%swap3A_518, %swap3A_519], %gather3A_516 {strides = array<i32>} : memref<32x64xf32, #tpu.memory_space<vmem>>, vector<16xf32>,
    %get3A_521 = arith.constant 10 : i32
    %get3A_522 = arith.index_cast %get3A_521 : i32 to index
    %get3A_523 = arith.constant 16 : index
    %get3A_524 = tpu.vector_load %arg5[%get3A_522, %get3A_523] {strides = array<i32>} : memref<32x64xi32, #tpu.memory_space<vmem>>, vector<16xi32>,
    %gather3A_525 = tpu.vector_load_idx %arg6[%get3A_524] : memref<100000xf32, #tpu.memory_space<vmem>>[vector<16xi32>], vector<16xf32>,
    %swap3A_526 = arith.constant 10 : i32
    %swap3A_527 = arith.index_cast %swap3A_526 : i32 to index
    %swap3A_528 = arith.constant 16 : index
    %swap3A_529 = tpu.vector_load %arg7[%swap3A_527, %swap3A_528] {strides = array<i32>} : memref<32x64xf32, #tpu.memory_space<vmem>>, vector<16xf32>,
    tpu.vector_store %arg7[%swap3A_527, %swap3A_528], %gather3A_525 {strides = array<i32>} : memref<32x64xf32, #tpu.memory_space<vmem>>, vector<16xf32>,
    %get3A_530 = arith.constant 10 : i32
    %get3A_531 = arith.index_cast %get3A_530 : i32 to index
    %get3A_532 = arith.constant 32 : index
    %get3A_533 = tpu.vector_load %arg5[%get3A_531, %get3A_532] {strides = array<i32>} : memref<32x64xi32, #tpu.memory_space<vmem>>, vector<16xi32>,
    %gather3A_534 = tpu.vector_load_idx %arg6[%get3A_533] : memref<100000xf32, #tpu.memory_space<vmem>>[vector<16xi32>], vector<16xf32>,
    %swap3A_535 = arith.constant 10 : i32
    %swap3A_536 = arith.index_cast %swap3A_535 : i32 to index
    %swap3A_537 = arith.constant 32 : index
    %swap3A_538 = tpu.vector_load %arg7[%swap3A_536, %swap3A_537] {strides = array<i32>} : memref<32x64xf32, #tpu.memory_space<vmem>>, vector<16xf32>,
    tpu.vector_store %arg7[%swap3A_536, %swap3A_537], %gather3A_534 {strides = array<i32>} : memref<32x64xf32, #tpu.memory_space<vmem>>, vector<16xf32>,
    %get3A_539 = arith.constant 10 : i32
    %get3A_540 = arith.index_cast %get3A_539 : i32 to index
    %get3A_541 = arith.constant 48 : index
    %get3A_542 = tpu.vector_load %arg5[%get3A_540, %get3A_541] {strides = array<i32>} : memref<32x64xi32, #tpu.memory_space<vmem>>, vector<16xi32>,
    %gather3A_543 = tpu.vector_load_idx %arg6[%get3A_542] : memref<100000xf32, #tpu.memory_space<vmem>>[vector<16xi32>], vector<16xf32>,
    %swap3A_544 = arith.constant 10 : i32
    %swap3A_545 = arith.index_cast %swap3A_544 : i32 to index
    %swap3A_546 = arith.constant 48 : index
    %swap3A_547 = tpu.vector_load %arg7[%swap3A_545, %swap3A_546] {strides = array<i32>} : memref<32x64xf32, #tpu.memory_space<vmem>>, vector<16xf32>,
    tpu.vector_store %arg7[%swap3A_545, %swap3A_546], %gather3A_543 {strides = array<i32>} : memref<32x64xf32, #tpu.memory_space<vmem>>, vector<16xf32>,
    %add3A_548 = arith.constant 11 : i32
    %add3A_549 = arith.addi %mul3A_2, %add3A_548 : i32
    %dma_start3A_550 = arith.constant 0 : i32
    %dma_start3A_551 = tpu.memref_slice %arg2[%add3A_549, %dma_start3A_550] : memref<1024x100000xf32, #tpu.memory_space<hbm>> -> memref<1x100000xf32, #tpu.memory_space<hbm>>
    %dma_start3A_552 = tpu.memref_squeeze %dma_start3A_551 : memref<1x100000xf32, #tpu.memory_space<hbm>> -> memref<100000xf32, #tpu.memory_space<hbm>>
    %dma_start3A_553 = arith.constant 0 : i32
    %dma_start3A_554 = tpu.memref_slice %arg2[%add3A_549, %dma_start3A_553] : memref<1024x100000xf32, #tpu.memory_space<hbm>> -> memref<1x100000xf32, #tpu.memory_space<hbm>>
    %dma_start3A_555 = tpu.memref_squeeze %dma_start3A_554 : memref<1x100000xf32, #tpu.memory_space<hbm>> -> memref<100000xf32, #tpu.memory_space<hbm>>
    tpu.enqueue_dma source(%dma_start3A_555 : memref<100000xf32, #tpu.memory_space<hbm>>) target(%arg6 : memref<100000xf32, #tpu.memory_space<vmem>>) target_semaphore(%arg8 : memref<!tpu.dma_semaphore, #tpu.memory_space<semaphore_mem>>)
    %dma_wait3A_556 = arith.constant 0 : i32
    %dma_wait3A_557 = tpu.memref_slice %arg2[%add3A_549, %dma_wait3A_556] : memref<1024x100000xf32, #tpu.memory_space<hbm>> -> memref<1x100000xf32, #tpu.memory_space<hbm>>
    %dma_wait3A_558 = tpu.memref_squeeze %dma_wait3A_557 : memref<1x100000xf32, #tpu.memory_space<hbm>> -> memref<100000xf32, #tpu.memory_space<hbm>>
    %dma_wait3A_559 = arith.constant 0 : i32
    %dma_wait3A_560 = tpu.memref_slice %arg2[%add3A_549, %dma_wait3A_559] : memref<1024x100000xf32, #tpu.memory_space<hbm>> -> memref<1x100000xf32, #tpu.memory_space<hbm>>
    %dma_wait3A_561 = tpu.memref_squeeze %dma_wait3A_560 : memref<1x100000xf32, #tpu.memory_space<hbm>> -> memref<100000xf32, #tpu.memory_space<hbm>>
    tpu.wait_dma2 semaphore(%arg8 : memref<!tpu.dma_semaphore, #tpu.memory_space<semaphore_mem>>) src(%dma_wait3A_561 : memref<100000xf32, #tpu.memory_space<hbm>>) dst(%arg6 : memref<100000xf32, #tpu.memory_space<vmem>>)
    %get3A_562 = arith.constant 11 : i32
    %get3A_563 = arith.index_cast %get3A_562 : i32 to index
    %get3A_564 = arith.constant 0 : index
    %get3A_565 = tpu.vector_load %arg5[%get3A_563, %get3A_564] {strides = array<i32>} : memref<32x64xi32, #tpu.memory_space<vmem>>, vector<16xi32>,
    %gather3A_566 = tpu.vector_load_idx %arg6[%get3A_565] : memref<100000xf32, #tpu.memory_space<vmem>>[vector<16xi32>], vector<16xf32>,
    %swap3A_567 = arith.constant 11 : i32
    %swap3A_568 = arith.index_cast %swap3A_567 : i32 to index
    %swap3A_569 = arith.constant 0 : index
    %swap3A_570 = tpu.vector_load %arg7[%swap3A_568, %swap3A_569] {strides = array<i32>} : memref<32x64xf32, #tpu.memory_space<vmem>>, vector<16xf32>,
    tpu.vector_store %arg7[%swap3A_568, %swap3A_569], %gather3A_566 {strides = array<i32>} : memref<32x64xf32, #tpu.memory_space<vmem>>, vector<16xf32>,
    %get3A_571 = arith.constant 11 : i32
    %get3A_572 = arith.index_cast %get3A_571 : i32 to index
    %get3A_573 = arith.constant 16 : index
    %get3A_574 = tpu.vector_load %arg5[%get3A_572, %get3A_573] {strides = array<i32>} : memref<32x64xi32, #tpu.memory_space<vmem>>, vector<16xi32>,
    %gather3A_575 = tpu.vector_load_idx %arg6[%get3A_574] : memref<100000xf32, #tpu.memory_space<vmem>>[vector<16xi32>], vector<16xf32>,
    %swap3A_576 = arith.constant 11 : i32
    %swap3A_577 = arith.index_cast %swap3A_576 : i32 to index
    %swap3A_578 = arith.constant 16 : index
    %swap3A_579 = tpu.vector_load %arg7[%swap3A_577, %swap3A_578] {strides = array<i32>} : memref<32x64xf32, #tpu.memory_space<vmem>>, vector<16xf32>,
    tpu.vector_store %arg7[%swap3A_577, %swap3A_578], %gather3A_575 {strides = array<i32>} : memref<32x64xf32, #tpu.memory_space<vmem>>, vector<16xf32>,
    %get3A_580 = arith.constant 11 : i32
    %get3A_581 = arith.index_cast %get3A_580 : i32 to index
    %get3A_582 = arith.constant 32 : index
    %get3A_583 = tpu.vector_load %arg5[%get3A_581, %get3A_582] {strides = array<i32>} : memref<32x64xi32, #tpu.memory_space<vmem>>, vector<16xi32>,
    %gather3A_584 = tpu.vector_load_idx %arg6[%get3A_583] : memref<100000xf32, #tpu.memory_space<vmem>>[vector<16xi32>], vector<16xf32>,
    %swap3A_585 = arith.constant 11 : i32
    %swap3A_586 = arith.index_cast %swap3A_585 : i32 to index
    %swap3A_587 = arith.constant 32 : index
    %swap3A_588 = tpu.vector_load %arg7[%swap3A_586, %swap3A_587] {strides = array<i32>} : memref<32x64xf32, #tpu.memory_space<vmem>>, vector<16xf32>,
    tpu.vector_store %arg7[%swap3A_586, %swap3A_587], %gather3A_584 {strides = array<i32>} : memref<32x64xf32, #tpu.memory_space<vmem>>, vector<16xf32>,
    %get3A_589 = arith.constant 11 : i32
    %get3A_590 = arith.index_cast %get3A_589 : i32 to index
    %get3A_591 = arith.constant 48 : index
    %get3A_592 = tpu.vector_load %arg5[%get3A_590, %get3A_591] {strides = array<i32>} : memref<32x64xi32, #tpu.memory_space<vmem>>, vector<16xi32>,
    %gather3A_593 = tpu.vector_load_idx %arg6[%get3A_592] : memref<100000xf32, #tpu.memory_space<vmem>>[vector<16xi32>], vector<16xf32>,
    %swap3A_594 = arith.constant 11 : i32
    %swap3A_595 = arith.index_cast %swap3A_594 : i32 to index
    %swap3A_596 = arith.constant 48 : index
    %swap3A_597 = tpu.vector_load %arg7[%swap3A_595, %swap3A_596] {strides = array<i32>} : memref<32x64xf32, #tpu.memory_space<vmem>>, vector<16xf32>,
    tpu.vector_store %arg7[%swap3A_595, %swap3A_596], %gather3A_593 {strides = array<i32>} : memref<32x64xf32, #tpu.memory_space<vmem>>, vector<16xf32>,
    %add3A_598 = arith.constant 12 : i32
    %add3A_599 = arith.addi %mul3A_2, %add3A_598 : i32
    %dma_start3A_600 = arith.constant 0 : i32
    %dma_start3A_601 = tpu.memref_slice %arg2[%add3A_599, %dma_start3A_600] : memref<1024x100000xf32, #tpu.memory_space<hbm>> -> memref<1x100000xf32, #tpu.memory_space<hbm>>
    %dma_start3A_602 = tpu.memref_squeeze %dma_start3A_601 : memref<1x100000xf32, #tpu.memory_space<hbm>> -> memref<100000xf32, #tpu.memory_space<hbm>>
    %dma_start3A_603 = arith.constant 0 : i32
    %dma_start3A_604 = tpu.memref_slice %arg2[%add3A_599, %dma_start3A_603] : memref<1024x100000xf32, #tpu.memory_space<hbm>> -> memref<1x100000xf32, #tpu.memory_space<hbm>>
    %dma_start3A_605 = tpu.memref_squeeze %dma_start3A_604 : memref<1x100000xf32, #tpu.memory_space<hbm>> -> memref<100000xf32, #tpu.memory_space<hbm>>
    tpu.enqueue_dma source(%dma_start3A_605 : memref<100000xf32, #tpu.memory_space<hbm>>) target(%arg6 : memref<100000xf32, #tpu.memory_space<vmem>>) target_semaphore(%arg8 : memref<!tpu.dma_semaphore, #tpu.memory_space<semaphore_mem>>)
    %dma_wait3A_606 = arith.constant 0 : i32
    %dma_wait3A_607 = tpu.memref_slice %arg2[%add3A_599, %dma_wait3A_606] : memref<1024x100000xf32, #tpu.memory_space<hbm>> -> memref<1x100000xf32, #tpu.memory_space<hbm>>
    %dma_wait3A_608 = tpu.memref_squeeze %dma_wait3A_607 : memref<1x100000xf32, #tpu.memory_space<hbm>> -> memref<100000xf32, #tpu.memory_space<hbm>>
    %dma_wait3A_609 = arith.constant 0 : i32
    %dma_wait3A_610 = tpu.memref_slice %arg2[%add3A_599, %dma_wait3A_609] : memref<1024x100000xf32, #tpu.memory_space<hbm>> -> memref<1x100000xf32, #tpu.memory_space<hbm>>
    %dma_wait3A_611 = tpu.memref_squeeze %dma_wait3A_610 : memref<1x100000xf32, #tpu.memory_space<hbm>> -> memref<100000xf32, #tpu.memory_space<hbm>>
    tpu.wait_dma2 semaphore(%arg8 : memref<!tpu.dma_semaphore, #tpu.memory_space<semaphore_mem>>) src(%dma_wait3A_611 : memref<100000xf32, #tpu.memory_space<hbm>>) dst(%arg6 : memref<100000xf32, #tpu.memory_space<vmem>>)
    %get3A_612 = arith.constant 12 : i32
    %get3A_613 = arith.index_cast %get3A_612 : i32 to index
    %get3A_614 = arith.constant 0 : index
    %get3A_615 = tpu.vector_load %arg5[%get3A_613, %get3A_614] {strides = array<i32>} : memref<32x64xi32, #tpu.memory_space<vmem>>, vector<16xi32>,
    %gather3A_616 = tpu.vector_load_idx %arg6[%get3A_615] : memref<100000xf32, #tpu.memory_space<vmem>>[vector<16xi32>], vector<16xf32>,
    %swap3A_617 = arith.constant 12 : i32
    %swap3A_618 = arith.index_cast %swap3A_617 : i32 to index
    %swap3A_619 = arith.constant 0 : index
    %swap3A_620 = tpu.vector_load %arg7[%swap3A_618, %swap3A_619] {strides = array<i32>} : memref<32x64xf32, #tpu.memory_space<vmem>>, vector<16xf32>,
    tpu.vector_store %arg7[%swap3A_618, %swap3A_619], %gather3A_616 {strides = array<i32>} : memref<32x64xf32, #tpu.memory_space<vmem>>, vector<16xf32>,
    %get3A_621 = arith.constant 12 : i32
    %get3A_622 = arith.index_cast %get3A_621 : i32 to index
    %get3A_623 = arith.constant 16 : index
    %get3A_624 = tpu.vector_load %arg5[%get3A_622, %get3A_623] {strides = array<i32>} : memref<32x64xi32, #tpu.memory_space<vmem>>, vector<16xi32>,
    %gather3A_625 = tpu.vector_load_idx %arg6[%get3A_624] : memref<100000xf32, #tpu.memory_space<vmem>>[vector<16xi32>], vector<16xf32>,
    %swap3A_626 = arith.constant 12 : i32
    %swap3A_627 = arith.index_cast %swap3A_626 : i32 to index
    %swap3A_628 = arith.constant 16 : index
    %swap3A_629 = tpu.vector_load %arg7[%swap3A_627, %swap3A_628] {strides = array<i32>} : memref<32x64xf32, #tpu.memory_space<vmem>>, vector<16xf32>,
    tpu.vector_store %arg7[%swap3A_627, %swap3A_628], %gather3A_625 {strides = array<i32>} : memref<32x64xf32, #tpu.memory_space<vmem>>, vector<16xf32>,
    %get3A_630 = arith.constant 12 : i32
    %get3A_631 = arith.index_cast %get3A_630 : i32 to index
    %get3A_632 = arith.constant 32 : index
    %get3A_633 = tpu.vector_load %arg5[%get3A_631, %get3A_632] {strides = array<i32>} : memref<32x64xi32, #tpu.memory_space<vmem>>, vector<16xi32>,
    %gather3A_634 = tpu.vector_load_idx %arg6[%get3A_633] : memref<100000xf32, #tpu.memory_space<vmem>>[vector<16xi32>], vector<16xf32>,
    %swap3A_635 = arith.constant 12 : i32
    %swap3A_636 = arith.index_cast %swap3A_635 : i32 to index
    %swap3A_637 = arith.constant 32 : index
    %swap3A_638 = tpu.vector_load %arg7[%swap3A_636, %swap3A_637] {strides = array<i32>} : memref<32x64xf32, #tpu.memory_space<vmem>>, vector<16xf32>,
    tpu.vector_store %arg7[%swap3A_636, %swap3A_637], %gather3A_634 {strides = array<i32>} : memref<32x64xf32, #tpu.memory_space<vmem>>, vector<16xf32>,
    %get3A_639 = arith.constant 12 : i32
    %get3A_640 = arith.index_cast %get3A_639 : i32 to index
    %get3A_641 = arith.constant 48 : index
    %get3A_642 = tpu.vector_load %arg5[%get3A_640, %get3A_641] {strides = array<i32>} : memref<32x64xi32, #tpu.memory_space<vmem>>, vector<16xi32>,
    %gather3A_643 = tpu.vector_load_idx %arg6[%get3A_642] : memref<100000xf32, #tpu.memory_space<vmem>>[vector<16xi32>], vector<16xf32>,
    %swap3A_644 = arith.constant 12 : i32
    %swap3A_645 = arith.index_cast %swap3A_644 : i32 to index
    %swap3A_646 = arith.constant 48 : index
    %swap3A_647 = tpu.vector_load %arg7[%swap3A_645, %swap3A_646] {strides = array<i32>} : memref<32x64xf32, #tpu.memory_space<vmem>>, vector<16xf32>,
    tpu.vector_store %arg7[%swap3A_645, %swap3A_646], %gather3A_643 {strides = array<i32>} : memref<32x64xf32, #tpu.memory_space<vmem>>, vector<16xf32>,
    %add3A_648 = arith.constant 13 : i32
    %add3A_649 = arith.addi %mul3A_2, %add3A_648 : i32
    %dma_start3A_650 = arith.constant 0 : i32
    %dma_start3A_651 = tpu.memref_slice %arg2[%add3A_649, %dma_start3A_650] : memref<1024x100000xf32, #tpu.memory_space<hbm>> -> memref<1x100000xf32, #tpu.memory_space<hbm>>
    %dma_start3A_652 = tpu.memref_squeeze %dma_start3A_651 : memref<1x100000xf32, #tpu.memory_space<hbm>> -> memref<100000xf32, #tpu.memory_space<hbm>>
    %dma_start3A_653 = arith.constant 0 : i32
    %dma_start3A_654 = tpu.memref_slice %arg2[%add3A_649, %dma_start3A_653] : memref<1024x100000xf32, #tpu.memory_space<hbm>> -> memref<1x100000xf32, #tpu.memory_space<hbm>>
    %dma_start3A_655 = tpu.memref_squeeze %dma_start3A_654 : memref<1x100000xf32, #tpu.memory_space<hbm>> -> memref<100000xf32, #tpu.memory_space<hbm>>
    tpu.enqueue_dma source(%dma_start3A_655 : memref<100000xf32, #tpu.memory_space<hbm>>) target(%arg6 : memref<100000xf32, #tpu.memory_space<vmem>>) target_semaphore(%arg8 : memref<!tpu.dma_semaphore, #tpu.memory_space<semaphore_mem>>)
    %dma_wait3A_656 = arith.constant 0 : i32
    %dma_wait3A_657 = tpu.memref_slice %arg2[%add3A_649, %dma_wait3A_656] : memref<1024x100000xf32, #tpu.memory_space<hbm>> -> memref<1x100000xf32, #tpu.memory_space<hbm>>
    %dma_wait3A_658 = tpu.memref_squeeze %dma_wait3A_657 : memref<1x100000xf32, #tpu.memory_space<hbm>> -> memref<100000xf32, #tpu.memory_space<hbm>>
    %dma_wait3A_659 = arith.constant 0 : i32
    %dma_wait3A_660 = tpu.memref_slice %arg2[%add3A_649, %dma_wait3A_659] : memref<1024x100000xf32, #tpu.memory_space<hbm>> -> memref<1x100000xf32, #tpu.memory_space<hbm>>
    %dma_wait3A_661 = tpu.memref_squeeze %dma_wait3A_660 : memref<1x100000xf32, #tpu.memory_space<hbm>> -> memref<100000xf32, #tpu.memory_space<hbm>>
    tpu.wait_dma2 semaphore(%arg8 : memref<!tpu.dma_semaphore, #tpu.memory_space<semaphore_mem>>) src(%dma_wait3A_661 : memref<100000xf32, #tpu.memory_space<hbm>>) dst(%arg6 : memref<100000xf32, #tpu.memory_space<vmem>>)
    %get3A_662 = arith.constant 13 : i32
    %get3A_663 = arith.index_cast %get3A_662 : i32 to index
    %get3A_664 = arith.constant 0 : index
    %get3A_665 = tpu.vector_load %arg5[%get3A_663, %get3A_664] {strides = array<i32>} : memref<32x64xi32, #tpu.memory_space<vmem>>, vector<16xi32>,
    %gather3A_666 = tpu.vector_load_idx %arg6[%get3A_665] : memref<100000xf32, #tpu.memory_space<vmem>>[vector<16xi32>], vector<16xf32>,
    %swap3A_667 = arith.constant 13 : i32
    %swap3A_668 = arith.index_cast %swap3A_667 : i32 to index
    %swap3A_669 = arith.constant 0 : index
    %swap3A_670 = tpu.vector_load %arg7[%swap3A_668, %swap3A_669] {strides = array<i32>} : memref<32x64xf32, #tpu.memory_space<vmem>>, vector<16xf32>,
    tpu.vector_store %arg7[%swap3A_668, %swap3A_669], %gather3A_666 {strides = array<i32>} : memref<32x64xf32, #tpu.memory_space<vmem>>, vector<16xf32>,
    %get3A_671 = arith.constant 13 : i32
    %get3A_672 = arith.index_cast %get3A_671 : i32 to index
    %get3A_673 = arith.constant 16 : index
    %get3A_674 = tpu.vector_load %arg5[%get3A_672, %get3A_673] {strides = array<i32>} : memref<32x64xi32, #tpu.memory_space<vmem>>, vector<16xi32>,
    %gather3A_675 = tpu.vector_load_idx %arg6[%get3A_674] : memref<100000xf32, #tpu.memory_space<vmem>>[vector<16xi32>], vector<16xf32>,
    %swap3A_676 = arith.constant 13 : i32
    %swap3A_677 = arith.index_cast %swap3A_676 : i32 to index
    %swap3A_678 = arith.constant 16 : index
    %swap3A_679 = tpu.vector_load %arg7[%swap3A_677, %swap3A_678] {strides = array<i32>} : memref<32x64xf32, #tpu.memory_space<vmem>>, vector<16xf32>,
    tpu.vector_store %arg7[%swap3A_677, %swap3A_678], %gather3A_675 {strides = array<i32>} : memref<32x64xf32, #tpu.memory_space<vmem>>, vector<16xf32>,
    %get3A_680 = arith.constant 13 : i32
    %get3A_681 = arith.index_cast %get3A_680 : i32 to index
    %get3A_682 = arith.constant 32 : index
    %get3A_683 = tpu.vector_load %arg5[%get3A_681, %get3A_682] {strides = array<i32>} : memref<32x64xi32, #tpu.memory_space<vmem>>, vector<16xi32>,
    %gather3A_684 = tpu.vector_load_idx %arg6[%get3A_683] : memref<100000xf32, #tpu.memory_space<vmem>>[vector<16xi32>], vector<16xf32>,
    %swap3A_685 = arith.constant 13 : i32
    %swap3A_686 = arith.index_cast %swap3A_685 : i32 to index
    %swap3A_687 = arith.constant 32 : index
    %swap3A_688 = tpu.vector_load %arg7[%swap3A_686, %swap3A_687] {strides = array<i32>} : memref<32x64xf32, #tpu.memory_space<vmem>>, vector<16xf32>,
    tpu.vector_store %arg7[%swap3A_686, %swap3A_687], %gather3A_684 {strides = array<i32>} : memref<32x64xf32, #tpu.memory_space<vmem>>, vector<16xf32>,
    %get3A_689 = arith.constant 13 : i32
    %get3A_690 = arith.index_cast %get3A_689 : i32 to index
    %get3A_691 = arith.constant 48 : index
    %get3A_692 = tpu.vector_load %arg5[%get3A_690, %get3A_691] {strides = array<i32>} : memref<32x64xi32, #tpu.memory_space<vmem>>, vector<16xi32>,
    %gather3A_693 = tpu.vector_load_idx %arg6[%get3A_692] : memref<100000xf32, #tpu.memory_space<vmem>>[vector<16xi32>], vector<16xf32>,
    %swap3A_694 = arith.constant 13 : i32
    %swap3A_695 = arith.index_cast %swap3A_694 : i32 to index
    %swap3A_696 = arith.constant 48 : index
    %swap3A_697 = tpu.vector_load %arg7[%swap3A_695, %swap3A_696] {strides = array<i32>} : memref<32x64xf32, #tpu.memory_space<vmem>>, vector<16xf32>,
    tpu.vector_store %arg7[%swap3A_695, %swap3A_696], %gather3A_693 {strides = array<i32>} : memref<32x64xf32, #tpu.memory_space<vmem>>, vector<16xf32>,
    %add3A_698 = arith.constant 14 : i32
    %add3A_699 = arith.addi %mul3A_2, %add3A_698 : i32
    %dma_start3A_700 = arith.constant 0 : i32
    %dma_start3A_701 = tpu.memref_slice %arg2[%add3A_699, %dma_start3A_700] : memref<1024x100000xf32, #tpu.memory_space<hbm>> -> memref<1x100000xf32, #tpu.memory_space<hbm>>
    %dma_start3A_702 = tpu.memref_squeeze %dma_start3A_701 : memref<1x100000xf32, #tpu.memory_space<hbm>> -> memref<100000xf32, #tpu.memory_space<hbm>>
    %dma_start3A_703 = arith.constant 0 : i32
    %dma_start3A_704 = tpu.memref_slice %arg2[%add3A_699, %dma_start3A_703] : memref<1024x100000xf32, #tpu.memory_space<hbm>> -> memref<1x100000xf32, #tpu.memory_space<hbm>>
    %dma_start3A_705 = tpu.memref_squeeze %dma_start3A_704 : memref<1x100000xf32, #tpu.memory_space<hbm>> -> memref<100000xf32, #tpu.memory_space<hbm>>
    tpu.enqueue_dma source(%dma_start3A_705 : memref<100000xf32, #tpu.memory_space<hbm>>) target(%arg6 : memref<100000xf32, #tpu.memory_space<vmem>>) target_semaphore(%arg8 : memref<!tpu.dma_semaphore, #tpu.memory_space<semaphore_mem>>)
    %dma_wait3A_706 = arith.constant 0 : i32
    %dma_wait3A_707 = tpu.memref_slice %arg2[%add3A_699, %dma_wait3A_706] : memref<1024x100000xf32, #tpu.memory_space<hbm>> -> memref<1x100000xf32, #tpu.memory_space<hbm>>
    %dma_wait3A_708 = tpu.memref_squeeze %dma_wait3A_707 : memref<1x100000xf32, #tpu.memory_space<hbm>> -> memref<100000xf32, #tpu.memory_space<hbm>>
    %dma_wait3A_709 = arith.constant 0 : i32
    %dma_wait3A_710 = tpu.memref_slice %arg2[%add3A_699, %dma_wait3A_709] : memref<1024x100000xf32, #tpu.memory_space<hbm>> -> memref<1x100000xf32, #tpu.memory_space<hbm>>
    %dma_wait3A_711 = tpu.memref_squeeze %dma_wait3A_710 : memref<1x100000xf32, #tpu.memory_space<hbm>> -> memref<100000xf32, #tpu.memory_space<hbm>>
    tpu.wait_dma2 semaphore(%arg8 : memref<!tpu.dma_semaphore, #tpu.memory_space<semaphore_mem>>) src(%dma_wait3A_711 : memref<100000xf32, #tpu.memory_space<hbm>>) dst(%arg6 : memref<100000xf32, #tpu.memory_space<vmem>>)
    %get3A_712 = arith.constant 14 : i32
    %get3A_713 = arith.index_cast %get3A_712 : i32 to index
    %get3A_714 = arith.constant 0 : index
    %get3A_715 = tpu.vector_load %arg5[%get3A_713, %get3A_714] {strides = array<i32>} : memref<32x64xi32, #tpu.memory_space<vmem>>, vector<16xi32>,
    %gather3A_716 = tpu.vector_load_idx %arg6[%get3A_715] : memref<100000xf32, #tpu.memory_space<vmem>>[vector<16xi32>], vector<16xf32>,
    %swap3A_717 = arith.constant 14 : i32
    %swap3A_718 = arith.index_cast %swap3A_717 : i32 to index
    %swap3A_719 = arith.constant 0 : index
    %swap3A_720 = tpu.vector_load %arg7[%swap3A_718, %swap3A_719] {strides = array<i32>} : memref<32x64xf32, #tpu.memory_space<vmem>>, vector<16xf32>,
    tpu.vector_store %arg7[%swap3A_718, %swap3A_719], %gather3A_716 {strides = array<i32>} : memref<32x64xf32, #tpu.memory_space<vmem>>, vector<16xf32>,
    %get3A_721 = arith.constant 14 : i32
    %get3A_722 = arith.index_cast %get3A_721 : i32 to index
    %get3A_723 = arith.constant 16 : index
    %get3A_724 = tpu.vector_load %arg5[%get3A_722, %get3A_723] {strides = array<i32>} : memref<32x64xi32, #tpu.memory_space<vmem>>, vector<16xi32>,
    %gather3A_725 = tpu.vector_load_idx %arg6[%get3A_724] : memref<100000xf32, #tpu.memory_space<vmem>>[vector<16xi32>], vector<16xf32>,
    %swap3A_726 = arith.constant 14 : i32
    %swap3A_727 = arith.index_cast %swap3A_726 : i32 to index
    %swap3A_728 = arith.constant 16 : index
    %swap3A_729 = tpu.vector_load %arg7[%swap3A_727, %swap3A_728] {strides = array<i32>} : memref<32x64xf32, #tpu.memory_space<vmem>>, vector<16xf32>,
    tpu.vector_store %arg7[%swap3A_727, %swap3A_728], %gather3A_725 {strides = array<i32>} : memref<32x64xf32, #tpu.memory_space<vmem>>, vector<16xf32>,
    %get3A_730 = arith.constant 14 : i32
    %get3A_731 = arith.index_cast %get3A_730 : i32 to index
    %get3A_732 = arith.constant 32 : index
    %get3A_733 = tpu.vector_load %arg5[%get3A_731, %get3A_732] {strides = array<i32>} : memref<32x64xi32, #tpu.memory_space<vmem>>, vector<16xi32>,
    %gather3A_734 = tpu.vector_load_idx %arg6[%get3A_733] : memref<100000xf32, #tpu.memory_space<vmem>>[vector<16xi32>], vector<16xf32>,
    %swap3A_735 = arith.constant 14 : i32
    %swap3A_736 = arith.index_cast %swap3A_735 : i32 to index
    %swap3A_737 = arith.constant 32 : index
    %swap3A_738 = tpu.vector_load %arg7[%swap3A_736, %swap3A_737] {strides = array<i32>} : memref<32x64xf32, #tpu.memory_space<vmem>>, vector<16xf32>,
    tpu.vector_store %arg7[%swap3A_736, %swap3A_737], %gather3A_734 {strides = array<i32>} : memref<32x64xf32, #tpu.memory_space<vmem>>, vector<16xf32>,
    %get3A_739 = arith.constant 14 : i32
    %get3A_740 = arith.index_cast %get3A_739 : i32 to index
    %get3A_741 = arith.constant 48 : index
    %get3A_742 = tpu.vector_load %arg5[%get3A_740, %get3A_741] {strides = array<i32>} : memref<32x64xi32, #tpu.memory_space<vmem>>, vector<16xi32>,
    %gather3A_743 = tpu.vector_load_idx %arg6[%get3A_742] : memref<100000xf32, #tpu.memory_space<vmem>>[vector<16xi32>], vector<16xf32>,
    %swap3A_744 = arith.constant 14 : i32
    %swap3A_745 = arith.index_cast %swap3A_744 : i32 to index
    %swap3A_746 = arith.constant 48 : index
    %swap3A_747 = tpu.vector_load %arg7[%swap3A_745, %swap3A_746] {strides = array<i32>} : memref<32x64xf32, #tpu.memory_space<vmem>>, vector<16xf32>,
    tpu.vector_store %arg7[%swap3A_745, %swap3A_746], %gather3A_743 {strides = array<i32>} : memref<32x64xf32, #tpu.memory_space<vmem>>, vector<16xf32>,
    %add3A_748 = arith.constant 15 : i32
    %add3A_749 = arith.addi %mul3A_2, %add3A_748 : i32
    %dma_start3A_750 = arith.constant 0 : i32
    %dma_start3A_751 = tpu.memref_slice %arg2[%add3A_749, %dma_start3A_750] : memref<1024x100000xf32, #tpu.memory_space<hbm>> -> memref<1x100000xf32, #tpu.memory_space<hbm>>
    %dma_start3A_752 = tpu.memref_squeeze %dma_start3A_751 : memref<1x100000xf32, #tpu.memory_space<hbm>> -> memref<100000xf32, #tpu.memory_space<hbm>>
    %dma_start3A_753 = arith.constant 0 : i32
    %dma_start3A_754 = tpu.memref_slice %arg2[%add3A_749, %dma_start3A_753] : memref<1024x100000xf32, #tpu.memory_space<hbm>> -> memref<1x100000xf32, #tpu.memory_space<hbm>>
    %dma_start3A_755 = tpu.memref_squeeze %dma_start3A_754 : memref<1x100000xf32, #tpu.memory_space<hbm>> -> memref<100000xf32, #tpu.memory_space<hbm>>
    tpu.enqueue_dma source(%dma_start3A_755 : memref<100000xf32, #tpu.memory_space<hbm>>) target(%arg6 : memref<100000xf32, #tpu.memory_space<vmem>>) target_semaphore(%arg8 : memref<!tpu.dma_semaphore, #tpu.memory_space<semaphore_mem>>)
    %dma_wait3A_756 = arith.constant 0 : i32
    %dma_wait3A_757 = tpu.memref_slice %arg2[%add3A_749, %dma_wait3A_756] : memref<1024x100000xf32, #tpu.memory_space<hbm>> -> memref<1x100000xf32, #tpu.memory_space<hbm>>
    %dma_wait3A_758 = tpu.memref_squeeze %dma_wait3A_757 : memref<1x100000xf32, #tpu.memory_space<hbm>> -> memref<100000xf32, #tpu.memory_space<hbm>>
    %dma_wait3A_759 = arith.constant 0 : i32
    %dma_wait3A_760 = tpu.memref_slice %arg2[%add3A_749, %dma_wait3A_759] : memref<1024x100000xf32, #tpu.memory_space<hbm>> -> memref<1x100000xf32, #tpu.memory_space<hbm>>
    %dma_wait3A_761 = tpu.memref_squeeze %dma_wait3A_760 : memref<1x100000xf32, #tpu.memory_space<hbm>> -> memref<100000xf32, #tpu.memory_space<hbm>>
    tpu.wait_dma2 semaphore(%arg8 : memref<!tpu.dma_semaphore, #tpu.memory_space<semaphore_mem>>) src(%dma_wait3A_761 : memref<100000xf32, #tpu.memory_space<hbm>>) dst(%arg6 : memref<100000xf32, #tpu.memory_space<vmem>>)
    %get3A_762 = arith.constant 15 : i32
    %get3A_763 = arith.index_cast %get3A_762 : i32 to index
    %get3A_764 = arith.constant 0 : index
    %get3A_765 = tpu.vector_load %arg5[%get3A_763, %get3A_764] {strides = array<i32>} : memref<32x64xi32, #tpu.memory_space<vmem>>, vector<16xi32>,
    %gather3A_766 = tpu.vector_load_idx %arg6[%get3A_765] : memref<100000xf32, #tpu.memory_space<vmem>>[vector<16xi32>], vector<16xf32>,
    %swap3A_767 = arith.constant 15 : i32
    %swap3A_768 = arith.index_cast %swap3A_767 : i32 to index
    %swap3A_769 = arith.constant 0 : index
    %swap3A_770 = tpu.vector_load %arg7[%swap3A_768, %swap3A_769] {strides = array<i32>} : memref<32x64xf32, #tpu.memory_space<vmem>>, vector<16xf32>,
    tpu.vector_store %arg7[%swap3A_768, %swap3A_769], %gather3A_766 {strides = array<i32>} : memref<32x64xf32, #tpu.memory_space<vmem>>, vector<16xf32>,
    %get3A_771 = arith.constant 15 : i32
    %get3A_772 = arith.index_cast %get3A_771 : i32 to index
    %get3A_773 = arith.constant 16 : index
    %get3A_774 = tpu.vector_load %arg5[%get3A_772, %get3A_773] {strides = array<i32>} : memref<32x64xi32, #tpu.memory_space<vmem>>, vector<16xi32>,
    %gather3A_775 = tpu.vector_load_idx %arg6[%get3A_774] : memref<100000xf32, #tpu.memory_space<vmem>>[vector<16xi32>], vector<16xf32>,
    %swap3A_776 = arith.constant 15 : i32
    %swap3A_777 = arith.index_cast %swap3A_776 : i32 to index
    %swap3A_778 = arith.constant 16 : index
    %swap3A_779 = tpu.vector_load %arg7[%swap3A_777, %swap3A_778] {strides = array<i32>} : memref<32x64xf32, #tpu.memory_space<vmem>>, vector<16xf32>,
    tpu.vector_store %arg7[%swap3A_777, %swap3A_778], %gather3A_775 {strides = array<i32>} : memref<32x64xf32, #tpu.memory_space<vmem>>, vector<16xf32>,
    %get3A_780 = arith.constant 15 : i32
    %get3A_781 = arith.index_cast %get3A_780 : i32 to index
    %get3A_782 = arith.constant 32 : index
    %get3A_783 = tpu.vector_load %arg5[%get3A_781, %get3A_782] {strides = array<i32>} : memref<32x64xi32, #tpu.memory_space<vmem>>, vector<16xi32>,
    %gather3A_784 = tpu.vector_load_idx %arg6[%get3A_783] : memref<100000xf32, #tpu.memory_space<vmem>>[vector<16xi32>], vector<16xf32>,
    %swap3A_785 = arith.constant 15 : i32
    %swap3A_786 = arith.index_cast %swap3A_785 : i32 to index
    %swap3A_787 = arith.constant 32 : index
    %swap3A_788 = tpu.vector_load %arg7[%swap3A_786, %swap3A_787] {strides = array<i32>} : memref<32x64xf32, #tpu.memory_space<vmem>>, vector<16xf32>,
    tpu.vector_store %arg7[%swap3A_786, %swap3A_787], %gather3A_784 {strides = array<i32>} : memref<32x64xf32, #tpu.memory_space<vmem>>, vector<16xf32>,
    %get3A_789 = arith.constant 15 : i32
    %get3A_790 = arith.index_cast %get3A_789 : i32 to index
    %get3A_791 = arith.constant 48 : index
    %get3A_792 = tpu.vector_load %arg5[%get3A_790, %get3A_791] {strides = array<i32>} : memref<32x64xi32, #tpu.memory_space<vmem>>, vector<16xi32>,
    %gather3A_793 = tpu.vector_load_idx %arg6[%get3A_792] : memref<100000xf32, #tpu.memory_space<vmem>>[vector<16xi32>], vector<16xf32>,
    %swap3A_794 = arith.constant 15 : i32
    %swap3A_795 = arith.index_cast %swap3A_794 : i32 to index
    %swap3A_796 = arith.constant 48 : index
    %swap3A_797 = tpu.vector_load %arg7[%swap3A_795, %swap3A_796] {strides = array<i32>} : memref<32x64xf32, #tpu.memory_space<vmem>>, vector<16xf32>,
    tpu.vector_store %arg7[%swap3A_795, %swap3A_796], %gather3A_793 {strides = array<i32>} : memref<32x64xf32, #tpu.memory_space<vmem>>, vector<16xf32>,
    %add3A_798 = arith.constant 16 : i32
    %add3A_799 = arith.addi %mul3A_2, %add3A_798 : i32
    %dma_start3A_800 = arith.constant 0 : i32
    %dma_start3A_801 = tpu.memref_slice %arg2[%add3A_799, %dma_start3A_800] : memref<1024x100000xf32, #tpu.memory_space<hbm>> -> memref<1x100000xf32, #tpu.memory_space<hbm>>
    %dma_start3A_802 = tpu.memref_squeeze %dma_start3A_801 : memref<1x100000xf32, #tpu.memory_space<hbm>> -> memref<100000xf32, #tpu.memory_space<hbm>>
    %dma_start3A_803 = arith.constant 0 : i32
    %dma_start3A_804 = tpu.memref_slice %arg2[%add3A_799, %dma_start3A_803] : memref<1024x100000xf32, #tpu.memory_space<hbm>> -> memref<1x100000xf32, #tpu.memory_space<hbm>>
    %dma_start3A_805 = tpu.memref_squeeze %dma_start3A_804 : memref<1x100000xf32, #tpu.memory_space<hbm>> -> memref<100000xf32, #tpu.memory_space<hbm>>
    tpu.enqueue_dma source(%dma_start3A_805 : memref<100000xf32, #tpu.memory_space<hbm>>) target(%arg6 : memref<100000xf32, #tpu.memory_space<vmem>>) target_semaphore(%arg8 : memref<!tpu.dma_semaphore, #tpu.memory_space<semaphore_mem>>)
    %dma_wait3A_806 = arith.constant 0 : i32
    %dma_wait3A_807 = tpu.memref_slice %arg2[%add3A_799, %dma_wait3A_806] : memref<1024x100000xf32, #tpu.memory_space<hbm>> -> memref<1x100000xf32, #tpu.memory_space<hbm>>
    %dma_wait3A_808 = tpu.memref_squeeze %dma_wait3A_807 : memref<1x100000xf32, #tpu.memory_space<hbm>> -> memref<100000xf32, #tpu.memory_space<hbm>>
    %dma_wait3A_809 = arith.constant 0 : i32
    %dma_wait3A_810 = tpu.memref_slice %arg2[%add3A_799, %dma_wait3A_809] : memref<1024x100000xf32, #tpu.memory_space<hbm>> -> memref<1x100000xf32, #tpu.memory_space<hbm>>
    %dma_wait3A_811 = tpu.memref_squeeze %dma_wait3A_810 : memref<1x100000xf32, #tpu.memory_space<hbm>> -> memref<100000xf32, #tpu.memory_space<hbm>>
    tpu.wait_dma2 semaphore(%arg8 : memref<!tpu.dma_semaphore, #tpu.memory_space<semaphore_mem>>) src(%dma_wait3A_811 : memref<100000xf32, #tpu.memory_space<hbm>>) dst(%arg6 : memref<100000xf32, #tpu.memory_space<vmem>>)
    %get3A_812 = arith.constant 16 : i32
    %get3A_813 = arith.index_cast %get3A_812 : i32 to index
    %get3A_814 = arith.constant 0 : index
    %get3A_815 = tpu.vector_load %arg5[%get3A_813, %get3A_814] {strides = array<i32>} : memref<32x64xi32, #tpu.memory_space<vmem>>, vector<16xi32>,
    %gather3A_816 = tpu.vector_load_idx %arg6[%get3A_815] : memref<100000xf32, #tpu.memory_space<vmem>>[vector<16xi32>], vector<16xf32>,
    %swap3A_817 = arith.constant 16 : i32
    %swap3A_818 = arith.index_cast %swap3A_817 : i32 to index
    %swap3A_819 = arith.constant 0 : index
    %swap3A_820 = tpu.vector_load %arg7[%swap3A_818, %swap3A_819] {strides = array<i32>} : memref<32x64xf32, #tpu.memory_space<vmem>>, vector<16xf32>,
    tpu.vector_store %arg7[%swap3A_818, %swap3A_819], %gather3A_816 {strides = array<i32>} : memref<32x64xf32, #tpu.memory_space<vmem>>, vector<16xf32>,
    %get3A_821 = arith.constant 16 : i32
    %get3A_822 = arith.index_cast %get3A_821 : i32 to index
    %get3A_823 = arith.constant 16 : index
    %get3A_824 = tpu.vector_load %arg5[%get3A_822, %get3A_823] {strides = array<i32>} : memref<32x64xi32, #tpu.memory_space<vmem>>, vector<16xi32>,
    %gather3A_825 = tpu.vector_load_idx %arg6[%get3A_824] : memref<100000xf32, #tpu.memory_space<vmem>>[vector<16xi32>], vector<16xf32>,
    %swap3A_826 = arith.constant 16 : i32
    %swap3A_827 = arith.index_cast %swap3A_826 : i32 to index
    %swap3A_828 = arith.constant 16 : index
    %swap3A_829 = tpu.vector_load %arg7[%swap3A_827, %swap3A_828] {strides = array<i32>} : memref<32x64xf32, #tpu.memory_space<vmem>>, vector<16xf32>,
    tpu.vector_store %arg7[%swap3A_827, %swap3A_828], %gather3A_825 {strides = array<i32>} : memref<32x64xf32, #tpu.memory_space<vmem>>, vector<16xf32>,
    %get3A_830 = arith.constant 16 : i32
    %get3A_831 = arith.index_cast %get3A_830 : i32 to index
    %get3A_832 = arith.constant 32 : index
    %get3A_833 = tpu.vector_load %arg5[%get3A_831, %get3A_832] {strides = array<i32>} : memref<32x64xi32, #tpu.memory_space<vmem>>, vector<16xi32>,
    %gather3A_834 = tpu.vector_load_idx %arg6[%get3A_833] : memref<100000xf32, #tpu.memory_space<vmem>>[vector<16xi32>], vector<16xf32>,
    %swap3A_835 = arith.constant 16 : i32
    %swap3A_836 = arith.index_cast %swap3A_835 : i32 to index
    %swap3A_837 = arith.constant 32 : index
    %swap3A_838 = tpu.vector_load %arg7[%swap3A_836, %swap3A_837] {strides = array<i32>} : memref<32x64xf32, #tpu.memory_space<vmem>>, vector<16xf32>,
    tpu.vector_store %arg7[%swap3A_836, %swap3A_837], %gather3A_834 {strides = array<i32>} : memref<32x64xf32, #tpu.memory_space<vmem>>, vector<16xf32>,
    %get3A_839 = arith.constant 16 : i32
    %get3A_840 = arith.index_cast %get3A_839 : i32 to index
    %get3A_841 = arith.constant 48 : index
    %get3A_842 = tpu.vector_load %arg5[%get3A_840, %get3A_841] {strides = array<i32>} : memref<32x64xi32, #tpu.memory_space<vmem>>, vector<16xi32>,
    %gather3A_843 = tpu.vector_load_idx %arg6[%get3A_842] : memref<100000xf32, #tpu.memory_space<vmem>>[vector<16xi32>], vector<16xf32>,
    %swap3A_844 = arith.constant 16 : i32
    %swap3A_845 = arith.index_cast %swap3A_844 : i32 to index
    %swap3A_846 = arith.constant 48 : index
    %swap3A_847 = tpu.vector_load %arg7[%swap3A_845, %swap3A_846] {strides = array<i32>} : memref<32x64xf32, #tpu.memory_space<vmem>>, vector<16xf32>,
    tpu.vector_store %arg7[%swap3A_845, %swap3A_846], %gather3A_843 {strides = array<i32>} : memref<32x64xf32, #tpu.memory_space<vmem>>, vector<16xf32>,
    %add3A_848 = arith.constant 17 : i32
    %add3A_849 = arith.addi %mul3A_2, %add3A_848 : i32
    %dma_start3A_850 = arith.constant 0 : i32
    %dma_start3A_851 = tpu.memref_slice %arg2[%add3A_849, %dma_start3A_850] : memref<1024x100000xf32, #tpu.memory_space<hbm>> -> memref<1x100000xf32, #tpu.memory_space<hbm>>
    %dma_start3A_852 = tpu.memref_squeeze %dma_start3A_851 : memref<1x100000xf32, #tpu.memory_space<hbm>> -> memref<100000xf32, #tpu.memory_space<hbm>>
    %dma_start3A_853 = arith.constant 0 : i32
    %dma_start3A_854 = tpu.memref_slice %arg2[%add3A_849, %dma_start3A_853] : memref<1024x100000xf32, #tpu.memory_space<hbm>> -> memref<1x100000xf32, #tpu.memory_space<hbm>>
    %dma_start3A_855 = tpu.memref_squeeze %dma_start3A_854 : memref<1x100000xf32, #tpu.memory_space<hbm>> -> memref<100000xf32, #tpu.memory_space<hbm>>
    tpu.enqueue_dma source(%dma_start3A_855 : memref<100000xf32, #tpu.memory_space<hbm>>) target(%arg6 : memref<100000xf32, #tpu.memory_space<vmem>>) target_semaphore(%arg8 : memref<!tpu.dma_semaphore, #tpu.memory_space<semaphore_mem>>)
    %dma_wait3A_856 = arith.constant 0 : i32
    %dma_wait3A_857 = tpu.memref_slice %arg2[%add3A_849, %dma_wait3A_856] : memref<1024x100000xf32, #tpu.memory_space<hbm>> -> memref<1x100000xf32, #tpu.memory_space<hbm>>
    %dma_wait3A_858 = tpu.memref_squeeze %dma_wait3A_857 : memref<1x100000xf32, #tpu.memory_space<hbm>> -> memref<100000xf32, #tpu.memory_space<hbm>>
    %dma_wait3A_859 = arith.constant 0 : i32
    %dma_wait3A_860 = tpu.memref_slice %arg2[%add3A_849, %dma_wait3A_859] : memref<1024x100000xf32, #tpu.memory_space<hbm>> -> memref<1x100000xf32, #tpu.memory_space<hbm>>
    %dma_wait3A_861 = tpu.memref_squeeze %dma_wait3A_860 : memref<1x100000xf32, #tpu.memory_space<hbm>> -> memref<100000xf32, #tpu.memory_space<hbm>>
    tpu.wait_dma2 semaphore(%arg8 : memref<!tpu.dma_semaphore, #tpu.memory_space<semaphore_mem>>) src(%dma_wait3A_861 : memref<100000xf32, #tpu.memory_space<hbm>>) dst(%arg6 : memref<100000xf32, #tpu.memory_space<vmem>>)
    %get3A_862 = arith.constant 17 : i32
    %get3A_863 = arith.index_cast %get3A_862 : i32 to index
    %get3A_864 = arith.constant 0 : index
    %get3A_865 = tpu.vector_load %arg5[%get3A_863, %get3A_864] {strides = array<i32>} : memref<32x64xi32, #tpu.memory_space<vmem>>, vector<16xi32>,
    %gather3A_866 = tpu.vector_load_idx %arg6[%get3A_865] : memref<100000xf32, #tpu.memory_space<vmem>>[vector<16xi32>], vector<16xf32>,
    %swap3A_867 = arith.constant 17 : i32
    %swap3A_868 = arith.index_cast %swap3A_867 : i32 to index
    %swap3A_869 = arith.constant 0 : index
    %swap3A_870 = tpu.vector_load %arg7[%swap3A_868, %swap3A_869] {strides = array<i32>} : memref<32x64xf32, #tpu.memory_space<vmem>>, vector<16xf32>,
    tpu.vector_store %arg7[%swap3A_868, %swap3A_869], %gather3A_866 {strides = array<i32>} : memref<32x64xf32, #tpu.memory_space<vmem>>, vector<16xf32>,
    %get3A_871 = arith.constant 17 : i32
    %get3A_872 = arith.index_cast %get3A_871 : i32 to index
    %get3A_873 = arith.constant 16 : index
    %get3A_874 = tpu.vector_load %arg5[%get3A_872, %get3A_873] {strides = array<i32>} : memref<32x64xi32, #tpu.memory_space<vmem>>, vector<16xi32>,
    %gather3A_875 = tpu.vector_load_idx %arg6[%get3A_874] : memref<100000xf32, #tpu.memory_space<vmem>>[vector<16xi32>], vector<16xf32>,
    %swap3A_876 = arith.constant 17 : i32
    %swap3A_877 = arith.index_cast %swap3A_876 : i32 to index
    %swap3A_878 = arith.constant 16 : index
    %swap3A_879 = tpu.vector_load %arg7[%swap3A_877, %swap3A_878] {strides = array<i32>} : memref<32x64xf32, #tpu.memory_space<vmem>>, vector<16xf32>,
    tpu.vector_store %arg7[%swap3A_877, %swap3A_878], %gather3A_875 {strides = array<i32>} : memref<32x64xf32, #tpu.memory_space<vmem>>, vector<16xf32>,
    %get3A_880 = arith.constant 17 : i32
    %get3A_881 = arith.index_cast %get3A_880 : i32 to index
    %get3A_882 = arith.constant 32 : index
    %get3A_883 = tpu.vector_load %arg5[%get3A_881, %get3A_882] {strides = array<i32>} : memref<32x64xi32, #tpu.memory_space<vmem>>, vector<16xi32>,
    %gather3A_884 = tpu.vector_load_idx %arg6[%get3A_883] : memref<100000xf32, #tpu.memory_space<vmem>>[vector<16xi32>], vector<16xf32>,
    %swap3A_885 = arith.constant 17 : i32
    %swap3A_886 = arith.index_cast %swap3A_885 : i32 to index
    %swap3A_887 = arith.constant 32 : index
    %swap3A_888 = tpu.vector_load %arg7[%swap3A_886, %swap3A_887] {strides = array<i32>} : memref<32x64xf32, #tpu.memory_space<vmem>>, vector<16xf32>,
    tpu.vector_store %arg7[%swap3A_886, %swap3A_887], %gather3A_884 {strides = array<i32>} : memref<32x64xf32, #tpu.memory_space<vmem>>, vector<16xf32>,
    %get3A_889 = arith.constant 17 : i32
    %get3A_890 = arith.index_cast %get3A_889 : i32 to index
    %get3A_891 = arith.constant 48 : index
    %get3A_892 = tpu.vector_load %arg5[%get3A_890, %get3A_891] {strides = array<i32>} : memref<32x64xi32, #tpu.memory_space<vmem>>, vector<16xi32>,
    %gather3A_893 = tpu.vector_load_idx %arg6[%get3A_892] : memref<100000xf32, #tpu.memory_space<vmem>>[vector<16xi32>], vector<16xf32>,
    %swap3A_894 = arith.constant 17 : i32
    %swap3A_895 = arith.index_cast %swap3A_894 : i32 to index
    %swap3A_896 = arith.constant 48 : index
    %swap3A_897 = tpu.vector_load %arg7[%swap3A_895, %swap3A_896] {strides = array<i32>} : memref<32x64xf32, #tpu.memory_space<vmem>>, vector<16xf32>,
    tpu.vector_store %arg7[%swap3A_895, %swap3A_896], %gather3A_893 {strides = array<i32>} : memref<32x64xf32, #tpu.memory_space<vmem>>, vector<16xf32>,
    %add3A_898 = arith.constant 18 : i32
    %add3A_899 = arith.addi %mul3A_2, %add3A_898 : i32
    %dma_start3A_900 = arith.constant 0 : i32
    %dma_start3A_901 = tpu.memref_slice %arg2[%add3A_899, %dma_start3A_900] : memref<1024x100000xf32, #tpu.memory_space<hbm>> -> memref<1x100000xf32, #tpu.memory_space<hbm>>
    %dma_start3A_902 = tpu.memref_squeeze %dma_start3A_901 : memref<1x100000xf32, #tpu.memory_space<hbm>> -> memref<100000xf32, #tpu.memory_space<hbm>>
    %dma_start3A_903 = arith.constant 0 : i32
    %dma_start3A_904 = tpu.memref_slice %arg2[%add3A_899, %dma_start3A_903] : memref<1024x100000xf32, #tpu.memory_space<hbm>> -> memref<1x100000xf32, #tpu.memory_space<hbm>>
    %dma_start3A_905 = tpu.memref_squeeze %dma_start3A_904 : memref<1x100000xf32, #tpu.memory_space<hbm>> -> memref<100000xf32, #tpu.memory_space<hbm>>
    tpu.enqueue_dma source(%dma_start3A_905 : memref<100000xf32, #tpu.memory_space<hbm>>) target(%arg6 : memref<100000xf32, #tpu.memory_space<vmem>>) target_semaphore(%arg8 : memref<!tpu.dma_semaphore, #tpu.memory_space<semaphore_mem>>)
    %dma_wait3A_906 = arith.constant 0 : i32
    %dma_wait3A_907 = tpu.memref_slice %arg2[%add3A_899, %dma_wait3A_906] : memref<1024x100000xf32, #tpu.memory_space<hbm>> -> memref<1x100000xf32, #tpu.memory_space<hbm>>
    %dma_wait3A_908 = tpu.memref_squeeze %dma_wait3A_907 : memref<1x100000xf32, #tpu.memory_space<hbm>> -> memref<100000xf32, #tpu.memory_space<hbm>>
    %dma_wait3A_909 = arith.constant 0 : i32
    %dma_wait3A_910 = tpu.memref_slice %arg2[%add3A_899, %dma_wait3A_909] : memref<1024x100000xf32, #tpu.memory_space<hbm>> -> memref<1x100000xf32, #tpu.memory_space<hbm>>
    %dma_wait3A_911 = tpu.memref_squeeze %dma_wait3A_910 : memref<1x100000xf32, #tpu.memory_space<hbm>> -> memref<100000xf32, #tpu.memory_space<hbm>>
    tpu.wait_dma2 semaphore(%arg8 : memref<!tpu.dma_semaphore, #tpu.memory_space<semaphore_mem>>) src(%dma_wait3A_911 : memref<100000xf32, #tpu.memory_space<hbm>>) dst(%arg6 : memref<100000xf32, #tpu.memory_space<vmem>>)
    %get3A_912 = arith.constant 18 : i32
    %get3A_913 = arith.index_cast %get3A_912 : i32 to index
    %get3A_914 = arith.constant 0 : index
    %get3A_915 = tpu.vector_load %arg5[%get3A_913, %get3A_914] {strides = array<i32>} : memref<32x64xi32, #tpu.memory_space<vmem>>, vector<16xi32>,
    %gather3A_916 = tpu.vector_load_idx %arg6[%get3A_915] : memref<100000xf32, #tpu.memory_space<vmem>>[vector<16xi32>], vector<16xf32>,
    %swap3A_917 = arith.constant 18 : i32
    %swap3A_918 = arith.index_cast %swap3A_917 : i32 to index
    %swap3A_919 = arith.constant 0 : index
    %swap3A_920 = tpu.vector_load %arg7[%swap3A_918, %swap3A_919] {strides = array<i32>} : memref<32x64xf32, #tpu.memory_space<vmem>>, vector<16xf32>,
    tpu.vector_store %arg7[%swap3A_918, %swap3A_919], %gather3A_916 {strides = array<i32>} : memref<32x64xf32, #tpu.memory_space<vmem>>, vector<16xf32>,
    %get3A_921 = arith.constant 18 : i32
    %get3A_922 = arith.index_cast %get3A_921 : i32 to index
    %get3A_923 = arith.constant 16 : index
    %get3A_924 = tpu.vector_load %arg5[%get3A_922, %get3A_923] {strides = array<i32>} : memref<32x64xi32, #tpu.memory_space<vmem>>, vector<16xi32>,
    %gather3A_925 = tpu.vector_load_idx %arg6[%get3A_924] : memref<100000xf32, #tpu.memory_space<vmem>>[vector<16xi32>], vector<16xf32>,
    %swap3A_926 = arith.constant 18 : i32
    %swap3A_927 = arith.index_cast %swap3A_926 : i32 to index
    %swap3A_928 = arith.constant 16 : index
    %swap3A_929 = tpu.vector_load %arg7[%swap3A_927, %swap3A_928] {strides = array<i32>} : memref<32x64xf32, #tpu.memory_space<vmem>>, vector<16xf32>,
    tpu.vector_store %arg7[%swap3A_927, %swap3A_928], %gather3A_925 {strides = array<i32>} : memref<32x64xf32, #tpu.memory_space<vmem>>, vector<16xf32>,
    %get3A_930 = arith.constant 18 : i32
    %get3A_931 = arith.index_cast %get3A_930 : i32 to index
    %get3A_932 = arith.constant 32 : index
    %get3A_933 = tpu.vector_load %arg5[%get3A_931, %get3A_932] {strides = array<i32>} : memref<32x64xi32, #tpu.memory_space<vmem>>, vector<16xi32>,
    %gather3A_934 = tpu.vector_load_idx %arg6[%get3A_933] : memref<100000xf32, #tpu.memory_space<vmem>>[vector<16xi32>], vector<16xf32>,
    %swap3A_935 = arith.constant 18 : i32
    %swap3A_936 = arith.index_cast %swap3A_935 : i32 to index
    %swap3A_937 = arith.constant 32 : index
    %swap3A_938 = tpu.vector_load %arg7[%swap3A_936, %swap3A_937] {strides = array<i32>} : memref<32x64xf32, #tpu.memory_space<vmem>>, vector<16xf32>,
    tpu.vector_store %arg7[%swap3A_936, %swap3A_937], %gather3A_934 {strides = array<i32>} : memref<32x64xf32, #tpu.memory_space<vmem>>, vector<16xf32>,
    %get3A_939 = arith.constant 18 : i32
    %get3A_940 = arith.index_cast %get3A_939 : i32 to index
    %get3A_941 = arith.constant 48 : index
    %get3A_942 = tpu.vector_load %arg5[%get3A_940, %get3A_941] {strides = array<i32>} : memref<32x64xi32, #tpu.memory_space<vmem>>, vector<16xi32>,
    %gather3A_943 = tpu.vector_load_idx %arg6[%get3A_942] : memref<100000xf32, #tpu.memory_space<vmem>>[vector<16xi32>], vector<16xf32>,
    %swap3A_944 = arith.constant 18 : i32
    %swap3A_945 = arith.index_cast %swap3A_944 : i32 to index
    %swap3A_946 = arith.constant 48 : index
    %swap3A_947 = tpu.vector_load %arg7[%swap3A_945, %swap3A_946] {strides = array<i32>} : memref<32x64xf32, #tpu.memory_space<vmem>>, vector<16xf32>,
    tpu.vector_store %arg7[%swap3A_945, %swap3A_946], %gather3A_943 {strides = array<i32>} : memref<32x64xf32, #tpu.memory_space<vmem>>, vector<16xf32>,
    %add3A_948 = arith.constant 19 : i32
    %add3A_949 = arith.addi %mul3A_2, %add3A_948 : i32
    %dma_start3A_950 = arith.constant 0 : i32
    %dma_start3A_951 = tpu.memref_slice %arg2[%add3A_949, %dma_start3A_950] : memref<1024x100000xf32, #tpu.memory_space<hbm>> -> memref<1x100000xf32, #tpu.memory_space<hbm>>
    %dma_start3A_952 = tpu.memref_squeeze %dma_start3A_951 : memref<1x100000xf32, #tpu.memory_space<hbm>> -> memref<100000xf32, #tpu.memory_space<hbm>>
    %dma_start3A_953 = arith.constant 0 : i32
    %dma_start3A_954 = tpu.memref_slice %arg2[%add3A_949, %dma_start3A_953] : memref<1024x100000xf32, #tpu.memory_space<hbm>> -> memref<1x100000xf32, #tpu.memory_space<hbm>>
    %dma_start3A_955 = tpu.memref_squeeze %dma_start3A_954 : memref<1x100000xf32, #tpu.memory_space<hbm>> -> memref<100000xf32, #tpu.memory_space<hbm>>
    tpu.enqueue_dma source(%dma_start3A_955 : memref<100000xf32, #tpu.memory_space<hbm>>) target(%arg6 : memref<100000xf32, #tpu.memory_space<vmem>>) target_semaphore(%arg8 : memref<!tpu.dma_semaphore, #tpu.memory_space<semaphore_mem>>)
    %dma_wait3A_956 = arith.constant 0 : i32
    %dma_wait3A_957 = tpu.memref_slice %arg2[%add3A_949, %dma_wait3A_956] : memref<1024x100000xf32, #tpu.memory_space<hbm>> -> memref<1x100000xf32, #tpu.memory_space<hbm>>
    %dma_wait3A_958 = tpu.memref_squeeze %dma_wait3A_957 : memref<1x100000xf32, #tpu.memory_space<hbm>> -> memref<100000xf32, #tpu.memory_space<hbm>>
    %dma_wait3A_959 = arith.constant 0 : i32
    %dma_wait3A_960 = tpu.memref_slice %arg2[%add3A_949, %dma_wait3A_959] : memref<1024x100000xf32, #tpu.memory_space<hbm>> -> memref<1x100000xf32, #tpu.memory_space<hbm>>
    %dma_wait3A_961 = tpu.memref_squeeze %dma_wait3A_960 : memref<1x100000xf32, #tpu.memory_space<hbm>> -> memref<100000xf32, #tpu.memory_space<hbm>>
    tpu.wait_dma2 semaphore(%arg8 : memref<!tpu.dma_semaphore, #tpu.memory_space<semaphore_mem>>) src(%dma_wait3A_961 : memref<100000xf32, #tpu.memory_space<hbm>>) dst(%arg6 : memref<100000xf32, #tpu.memory_space<vmem>>)
    %get3A_962 = arith.constant 19 : i32
    %get3A_963 = arith.index_cast %get3A_962 : i32 to index
    %get3A_964 = arith.constant 0 : index
    %get3A_965 = tpu.vector_load %arg5[%get3A_963, %get3A_964] {strides = array<i32>} : memref<32x64xi32, #tpu.memory_space<vmem>>, vector<16xi32>,
    %gather3A_966 = tpu.vector_load_idx %arg6[%get3A_965] : memref<100000xf32, #tpu.memory_space<vmem>>[vector<16xi32>], vector<16xf32>,
    %swap3A_967 = arith.constant 19 : i32
    %swap3A_968 = arith.index_cast %swap3A_967 : i32 to index
    %swap3A_969 = arith.constant 0 : index
    %swap3A_970 = tpu.vector_load %arg7[%swap3A_968, %swap3A_969] {strides = array<i32>} : memref<32x64xf32, #tpu.memory_space<vmem>>, vector<16xf32>,
    tpu.vector_store %arg7[%swap3A_968, %swap3A_969], %gather3A_966 {strides = array<i32>} : memref<32x64xf32, #tpu.memory_space<vmem>>, vector<16xf32>,
    %get3A_971 = arith.constant 19 : i32
    %get3A_972 = arith.index_cast %get3A_971 : i32 to index
    %get3A_973 = arith.constant 16 : index
    %get3A_974 = tpu.vector_load %arg5[%get3A_972, %get3A_973] {strides = array<i32>} : memref<32x64xi32, #tpu.memory_space<vmem>>, vector<16xi32>,
    %gather3A_975 = tpu.vector_load_idx %arg6[%get3A_974] : memref<100000xf32, #tpu.memory_space<vmem>>[vector<16xi32>], vector<16xf32>,
    %swap3A_976 = arith.constant 19 : i32
    %swap3A_977 = arith.index_cast %swap3A_976 : i32 to index
    %swap3A_978 = arith.constant 16 : index
    %swap3A_979 = tpu.vector_load %arg7[%swap3A_977, %swap3A_978] {strides = array<i32>} : memref<32x64xf32, #tpu.memory_space<vmem>>, vector<16xf32>,
    tpu.vector_store %arg7[%swap3A_977, %swap3A_978], %gather3A_975 {strides = array<i32>} : memref<32x64xf32, #tpu.memory_space<vmem>>, vector<16xf32>,
    %get3A_980 = arith.constant 19 : i32
    %get3A_981 = arith.index_cast %get3A_980 : i32 to index
    %get3A_982 = arith.constant 32 : index
    %get3A_983 = tpu.vector_load %arg5[%get3A_981, %get3A_982] {strides = array<i32>} : memref<32x64xi32, #tpu.memory_space<vmem>>, vector<16xi32>,
    %gather3A_984 = tpu.vector_load_idx %arg6[%get3A_983] : memref<100000xf32, #tpu.memory_space<vmem>>[vector<16xi32>], vector<16xf32>,
    %swap3A_985 = arith.constant 19 : i32
    %swap3A_986 = arith.index_cast %swap3A_985 : i32 to index
    %swap3A_987 = arith.constant 32 : index
    %swap3A_988 = tpu.vector_load %arg7[%swap3A_986, %swap3A_987] {strides = array<i32>} : memref<32x64xf32, #tpu.memory_space<vmem>>, vector<16xf32>,
    tpu.vector_store %arg7[%swap3A_986, %swap3A_987], %gather3A_984 {strides = array<i32>} : memref<32x64xf32, #tpu.memory_space<vmem>>, vector<16xf32>,
    %get3A_989 = arith.constant 19 : i32
    %get3A_990 = arith.index_cast %get3A_989 : i32 to index
    %get3A_991 = arith.constant 48 : index
    %get3A_992 = tpu.vector_load %arg5[%get3A_990, %get3A_991] {strides = array<i32>} : memref<32x64xi32, #tpu.memory_space<vmem>>, vector<16xi32>,
    %gather3A_993 = tpu.vector_load_idx %arg6[%get3A_992] : memref<100000xf32, #tpu.memory_space<vmem>>[vector<16xi32>], vector<16xf32>,
    %swap3A_994 = arith.constant 19 : i32
    %swap3A_995 = arith.index_cast %swap3A_994 : i32 to index
    %swap3A_996 = arith.constant 48 : index
    %swap3A_997 = tpu.vector_load %arg7[%swap3A_995, %swap3A_996] {strides = array<i32>} : memref<32x64xf32, #tpu.memory_space<vmem>>, vector<16xf32>,
    tpu.vector_store %arg7[%swap3A_995, %swap3A_996], %gather3A_993 {strides = array<i32>} : memref<32x64xf32, #tpu.memory_space<vmem>>, vector<16xf32>,
    %add3A_998 = arith.constant 20 : i32
    %add3A_999 = arith.addi %mul3A_2, %add3A_998 : i32
    %dma_start3A_1000 = arith.constant 0 : i32
    %dma_start3A_1001 = tpu.memref_slice %arg2[%add3A_999, %dma_start3A_1000] : memref<1024x100000xf32, #tpu.memory_space<hbm>> -> memref<1x100000xf32, #tpu.memory_space<hbm>>
    %dma_start3A_1002 = tpu.memref_squeeze %dma_start3A_1001 : memref<1x100000xf32, #tpu.memory_space<hbm>> -> memref<100000xf32, #tpu.memory_space<hbm>>
    %dma_start3A_1003 = arith.constant 0 : i32
    %dma_start3A_1004 = tpu.memref_slice %arg2[%add3A_999, %dma_start3A_1003] : memref<1024x100000xf32, #tpu.memory_space<hbm>> -> memref<1x100000xf32, #tpu.memory_space<hbm>>
    %dma_start3A_1005 = tpu.memref_squeeze %dma_start3A_1004 : memref<1x100000xf32, #tpu.memory_space<hbm>> -> memref<100000xf32, #tpu.memory_space<hbm>>
    tpu.enqueue_dma source(%dma_start3A_1005 : memref<100000xf32, #tpu.memory_space<hbm>>) target(%arg6 : memref<100000xf32, #tpu.memory_space<vmem>>) target_semaphore(%arg8 : memref<!tpu.dma_semaphore, #tpu.memory_space<semaphore_mem>>)
    %dma_wait3A_1006 = arith.constant 0 : i32
    %dma_wait3A_1007 = tpu.memref_slice %arg2[%add3A_999, %dma_wait3A_1006] : memref<1024x100000xf32, #tpu.memory_space<hbm>> -> memref<1x100000xf32, #tpu.memory_space<hbm>>
    %dma_wait3A_1008 = tpu.memref_squeeze %dma_wait3A_1007 : memref<1x100000xf32, #tpu.memory_space<hbm>> -> memref<100000xf32, #tpu.memory_space<hbm>>
    %dma_wait3A_1009 = arith.constant 0 : i32
    %dma_wait3A_1010 = tpu.memref_slice %arg2[%add3A_999, %dma_wait3A_1009] : memref<1024x100000xf32, #tpu.memory_space<hbm>> -> memref<1x100000xf32, #tpu.memory_space<hbm>>
    %dma_wait3A_1011 = tpu.memref_squeeze %dma_wait3A_1010 : memref<1x100000xf32, #tpu.memory_space<hbm>> -> memref<100000xf32, #tpu.memory_space<hbm>>
    tpu.wait_dma2 semaphore(%arg8 : memref<!tpu.dma_semaphore, #tpu.memory_space<semaphore_mem>>) src(%dma_wait3A_1011 : memref<100000xf32, #tpu.memory_space<hbm>>) dst(%arg6 : memref<100000xf32, #tpu.memory_space<vmem>>)
    %get3A_1012 = arith.constant 20 : i32
    %get3A_1013 = arith.index_cast %get3A_1012 : i32 to index
    %get3A_1014 = arith.constant 0 : index
    %get3A_1015 = tpu.vector_load %arg5[%get3A_1013, %get3A_1014] {strides = array<i32>} : memref<32x64xi32, #tpu.memory_space<vmem>>, vector<16xi32>,
    %gather3A_1016 = tpu.vector_load_idx %arg6[%get3A_1015] : memref<100000xf32, #tpu.memory_space<vmem>>[vector<16xi32>], vector<16xf32>,
    %swap3A_1017 = arith.constant 20 : i32
    %swap3A_1018 = arith.index_cast %swap3A_1017 : i32 to index
    %swap3A_1019 = arith.constant 0 : index
    %swap3A_1020 = tpu.vector_load %arg7[%swap3A_1018, %swap3A_1019] {strides = array<i32>} : memref<32x64xf32, #tpu.memory_space<vmem>>, vector<16xf32>,
    tpu.vector_store %arg7[%swap3A_1018, %swap3A_1019], %gather3A_1016 {strides = array<i32>} : memref<32x64xf32, #tpu.memory_space<vmem>>, vector<16xf32>,
    %get3A_1021 = arith.constant 20 : i32
    %get3A_1022 = arith.index_cast %get3A_1021 : i32 to index
    %get3A_1023 = arith.constant 16 : index
    %get3A_1024 = tpu.vector_load %arg5[%get3A_1022, %get3A_1023] {strides = array<i32>} : memref<32x64xi32, #tpu.memory_space<vmem>>, vector<16xi32>,
    %gather3A_1025 = tpu.vector_load_idx %arg6[%get3A_1024] : memref<100000xf32, #tpu.memory_space<vmem>>[vector<16xi32>], vector<16xf32>,
    %swap3A_1026 = arith.constant 20 : i32
    %swap3A_1027 = arith.index_cast %swap3A_1026 : i32 to index
    %swap3A_1028 = arith.constant 16 : index
    %swap3A_1029 = tpu.vector_load %arg7[%swap3A_1027, %swap3A_1028] {strides = array<i32>} : memref<32x64xf32, #tpu.memory_space<vmem>>, vector<16xf32>,
    tpu.vector_store %arg7[%swap3A_1027, %swap3A_1028], %gather3A_1025 {strides = array<i32>} : memref<32x64xf32, #tpu.memory_space<vmem>>, vector<16xf32>,
    %get3A_1030 = arith.constant 20 : i32
    %get3A_1031 = arith.index_cast %get3A_1030 : i32 to index
    %get3A_1032 = arith.constant 32 : index
    %get3A_1033 = tpu.vector_load %arg5[%get3A_1031, %get3A_1032] {strides = array<i32>} : memref<32x64xi32, #tpu.memory_space<vmem>>, vector<16xi32>,
    %gather3A_1034 = tpu.vector_load_idx %arg6[%get3A_1033] : memref<100000xf32, #tpu.memory_space<vmem>>[vector<16xi32>], vector<16xf32>,
    %swap3A_1035 = arith.constant 20 : i32
    %swap3A_1036 = arith.index_cast %swap3A_1035 : i32 to index
    %swap3A_1037 = arith.constant 32 : index
    %swap3A_1038 = tpu.vector_load %arg7[%swap3A_1036, %swap3A_1037] {strides = array<i32>} : memref<32x64xf32, #tpu.memory_space<vmem>>, vector<16xf32>,
    tpu.vector_store %arg7[%swap3A_1036, %swap3A_1037], %gather3A_1034 {strides = array<i32>} : memref<32x64xf32, #tpu.memory_space<vmem>>, vector<16xf32>,
    %get3A_1039 = arith.constant 20 : i32
    %get3A_1040 = arith.index_cast %get3A_1039 : i32 to index
    %get3A_1041 = arith.constant 48 : index
    %get3A_1042 = tpu.vector_load %arg5[%get3A_1040, %get3A_1041] {strides = array<i32>} : memref<32x64xi32, #tpu.memory_space<vmem>>, vector<16xi32>,
    %gather3A_1043 = tpu.vector_load_idx %arg6[%get3A_1042] : memref<100000xf32, #tpu.memory_space<vmem>>[vector<16xi32>], vector<16xf32>,
    %swap3A_1044 = arith.constant 20 : i32
    %swap3A_1045 = arith.index_cast %swap3A_1044 : i32 to index
    %swap3A_1046 = arith.constant 48 : index
    %swap3A_1047 = tpu.vector_load %arg7[%swap3A_1045, %swap3A_1046] {strides = array<i32>} : memref<32x64xf32, #tpu.memory_space<vmem>>, vector<16xf32>,
    tpu.vector_store %arg7[%swap3A_1045, %swap3A_1046], %gather3A_1043 {strides = array<i32>} : memref<32x64xf32, #tpu.memory_space<vmem>>, vector<16xf32>,
    %add3A_1048 = arith.constant 21 : i32
    %add3A_1049 = arith.addi %mul3A_2, %add3A_1048 : i32
    %dma_start3A_1050 = arith.constant 0 : i32
    %dma_start3A_1051 = tpu.memref_slice %arg2[%add3A_1049, %dma_start3A_1050] : memref<1024x100000xf32, #tpu.memory_space<hbm>> -> memref<1x100000xf32, #tpu.memory_space<hbm>>
    %dma_start3A_1052 = tpu.memref_squeeze %dma_start3A_1051 : memref<1x100000xf32, #tpu.memory_space<hbm>> -> memref<100000xf32, #tpu.memory_space<hbm>>
    %dma_start3A_1053 = arith.constant 0 : i32
    %dma_start3A_1054 = tpu.memref_slice %arg2[%add3A_1049, %dma_start3A_1053] : memref<1024x100000xf32, #tpu.memory_space<hbm>> -> memref<1x100000xf32, #tpu.memory_space<hbm>>
    %dma_start3A_1055 = tpu.memref_squeeze %dma_start3A_1054 : memref<1x100000xf32, #tpu.memory_space<hbm>> -> memref<100000xf32, #tpu.memory_space<hbm>>
    tpu.enqueue_dma source(%dma_start3A_1055 : memref<100000xf32, #tpu.memory_space<hbm>>) target(%arg6 : memref<100000xf32, #tpu.memory_space<vmem>>) target_semaphore(%arg8 : memref<!tpu.dma_semaphore, #tpu.memory_space<semaphore_mem>>)
    %dma_wait3A_1056 = arith.constant 0 : i32
    %dma_wait3A_1057 = tpu.memref_slice %arg2[%add3A_1049, %dma_wait3A_1056] : memref<1024x100000xf32, #tpu.memory_space<hbm>> -> memref<1x100000xf32, #tpu.memory_space<hbm>>
    %dma_wait3A_1058 = tpu.memref_squeeze %dma_wait3A_1057 : memref<1x100000xf32, #tpu.memory_space<hbm>> -> memref<100000xf32, #tpu.memory_space<hbm>>
    %dma_wait3A_1059 = arith.constant 0 : i32
    %dma_wait3A_1060 = tpu.memref_slice %arg2[%add3A_1049, %dma_wait3A_1059] : memref<1024x100000xf32, #tpu.memory_space<hbm>> -> memref<1x100000xf32, #tpu.memory_space<hbm>>
    %dma_wait3A_1061 = tpu.memref_squeeze %dma_wait3A_1060 : memref<1x100000xf32, #tpu.memory_space<hbm>> -> memref<100000xf32, #tpu.memory_space<hbm>>
    tpu.wait_dma2 semaphore(%arg8 : memref<!tpu.dma_semaphore, #tpu.memory_space<semaphore_mem>>) src(%dma_wait3A_1061 : memref<100000xf32, #tpu.memory_space<hbm>>) dst(%arg6 : memref<100000xf32, #tpu.memory_space<vmem>>)
    %get3A_1062 = arith.constant 21 : i32
    %get3A_1063 = arith.index_cast %get3A_1062 : i32 to index
    %get3A_1064 = arith.constant 0 : index
    %get3A_1065 = tpu.vector_load %arg5[%get3A_1063, %get3A_1064] {strides = array<i32>} : memref<32x64xi32, #tpu.memory_space<vmem>>, vector<16xi32>,
    %gather3A_1066 = tpu.vector_load_idx %arg6[%get3A_1065] : memref<100000xf32, #tpu.memory_space<vmem>>[vector<16xi32>], vector<16xf32>,
    %swap3A_1067 = arith.constant 21 : i32
    %swap3A_1068 = arith.index_cast %swap3A_1067 : i32 to index
    %swap3A_1069 = arith.constant 0 : index
    %swap3A_1070 = tpu.vector_load %arg7[%swap3A_1068, %swap3A_1069] {strides = array<i32>} : memref<32x64xf32, #tpu.memory_space<vmem>>, vector<16xf32>,
    tpu.vector_store %arg7[%swap3A_1068, %swap3A_1069], %gather3A_1066 {strides = array<i32>} : memref<32x64xf32, #tpu.memory_space<vmem>>, vector<16xf32>,
    %get3A_1071 = arith.constant 21 : i32
    %get3A_1072 = arith.index_cast %get3A_1071 : i32 to index
    %get3A_1073 = arith.constant 16 : index
    %get3A_1074 = tpu.vector_load %arg5[%get3A_1072, %get3A_1073] {strides = array<i32>} : memref<32x64xi32, #tpu.memory_space<vmem>>, vector<16xi32>,
    %gather3A_1075 = tpu.vector_load_idx %arg6[%get3A_1074] : memref<100000xf32, #tpu.memory_space<vmem>>[vector<16xi32>], vector<16xf32>,
    %swap3A_1076 = arith.constant 21 : i32
    %swap3A_1077 = arith.index_cast %swap3A_1076 : i32 to index
    %swap3A_1078 = arith.constant 16 : index
    %swap3A_1079 = tpu.vector_load %arg7[%swap3A_1077, %swap3A_1078] {strides = array<i32>} : memref<32x64xf32, #tpu.memory_space<vmem>>, vector<16xf32>,
    tpu.vector_store %arg7[%swap3A_1077, %swap3A_1078], %gather3A_1075 {strides = array<i32>} : memref<32x64xf32, #tpu.memory_space<vmem>>, vector<16xf32>,
    %get3A_1080 = arith.constant 21 : i32
    %get3A_1081 = arith.index_cast %get3A_1080 : i32 to index
    %get3A_1082 = arith.constant 32 : index
    %get3A_1083 = tpu.vector_load %arg5[%get3A_1081, %get3A_1082] {strides = array<i32>} : memref<32x64xi32, #tpu.memory_space<vmem>>, vector<16xi32>,
    %gather3A_1084 = tpu.vector_load_idx %arg6[%get3A_1083] : memref<100000xf32, #tpu.memory_space<vmem>>[vector<16xi32>], vector<16xf32>,
    %swap3A_1085 = arith.constant 21 : i32
    %swap3A_1086 = arith.index_cast %swap3A_1085 : i32 to index
    %swap3A_1087 = arith.constant 32 : index
    %swap3A_1088 = tpu.vector_load %arg7[%swap3A_1086, %swap3A_1087] {strides = array<i32>} : memref<32x64xf32, #tpu.memory_space<vmem>>, vector<16xf32>,
    tpu.vector_store %arg7[%swap3A_1086, %swap3A_1087], %gather3A_1084 {strides = array<i32>} : memref<32x64xf32, #tpu.memory_space<vmem>>, vector<16xf32>,
    %get3A_1089 = arith.constant 21 : i32
    %get3A_1090 = arith.index_cast %get3A_1089 : i32 to index
    %get3A_1091 = arith.constant 48 : index
    %get3A_1092 = tpu.vector_load %arg5[%get3A_1090, %get3A_1091] {strides = array<i32>} : memref<32x64xi32, #tpu.memory_space<vmem>>, vector<16xi32>,
    %gather3A_1093 = tpu.vector_load_idx %arg6[%get3A_1092] : memref<100000xf32, #tpu.memory_space<vmem>>[vector<16xi32>], vector<16xf32>,
    %swap3A_1094 = arith.constant 21 : i32
    %swap3A_1095 = arith.index_cast %swap3A_1094 : i32 to index
    %swap3A_1096 = arith.constant 48 : index
    %swap3A_1097 = tpu.vector_load %arg7[%swap3A_1095, %swap3A_1096] {strides = array<i32>} : memref<32x64xf32, #tpu.memory_space<vmem>>, vector<16xf32>,
    tpu.vector_store %arg7[%swap3A_1095, %swap3A_1096], %gather3A_1093 {strides = array<i32>} : memref<32x64xf32, #tpu.memory_space<vmem>>, vector<16xf32>,
    %add3A_1098 = arith.constant 22 : i32
    %add3A_1099 = arith.addi %mul3A_2, %add3A_1098 : i32
    %dma_start3A_1100 = arith.constant 0 : i32
    %dma_start3A_1101 = tpu.memref_slice %arg2[%add3A_1099, %dma_start3A_1100] : memref<1024x100000xf32, #tpu.memory_space<hbm>> -> memref<1x100000xf32, #tpu.memory_space<hbm>>
    %dma_start3A_1102 = tpu.memref_squeeze %dma_start3A_1101 : memref<1x100000xf32, #tpu.memory_space<hbm>> -> memref<100000xf32, #tpu.memory_space<hbm>>
    %dma_start3A_1103 = arith.constant 0 : i32
    %dma_start3A_1104 = tpu.memref_slice %arg2[%add3A_1099, %dma_start3A_1103] : memref<1024x100000xf32, #tpu.memory_space<hbm>> -> memref<1x100000xf32, #tpu.memory_space<hbm>>
    %dma_start3A_1105 = tpu.memref_squeeze %dma_start3A_1104 : memref<1x100000xf32, #tpu.memory_space<hbm>> -> memref<100000xf32, #tpu.memory_space<hbm>>
    tpu.enqueue_dma source(%dma_start3A_1105 : memref<100000xf32, #tpu.memory_space<hbm>>) target(%arg6 : memref<100000xf32, #tpu.memory_space<vmem>>) target_semaphore(%arg8 : memref<!tpu.dma_semaphore, #tpu.memory_space<semaphore_mem>>)
    %dma_wait3A_1106 = arith.constant 0 : i32
    %dma_wait3A_1107 = tpu.memref_slice %arg2[%add3A_1099, %dma_wait3A_1106] : memref<1024x100000xf32, #tpu.memory_space<hbm>> -> memref<1x100000xf32, #tpu.memory_space<hbm>>
    %dma_wait3A_1108 = tpu.memref_squeeze %dma_wait3A_1107 : memref<1x100000xf32, #tpu.memory_space<hbm>> -> memref<100000xf32, #tpu.memory_space<hbm>>
    %dma_wait3A_1109 = arith.constant 0 : i32
    %dma_wait3A_1110 = tpu.memref_slice %arg2[%add3A_1099, %dma_wait3A_1109] : memref<1024x100000xf32, #tpu.memory_space<hbm>> -> memref<1x100000xf32, #tpu.memory_space<hbm>>
    %dma_wait3A_1111 = tpu.memref_squeeze %dma_wait3A_1110 : memref<1x100000xf32, #tpu.memory_space<hbm>> -> memref<100000xf32, #tpu.memory_space<hbm>>
    tpu.wait_dma2 semaphore(%arg8 : memref<!tpu.dma_semaphore, #tpu.memory_space<semaphore_mem>>) src(%dma_wait3A_1111 : memref<100000xf32, #tpu.memory_space<hbm>>) dst(%arg6 : memref<100000xf32, #tpu.memory_space<vmem>>)
    %get3A_1112 = arith.constant 22 : i32
    %get3A_1113 = arith.index_cast %get3A_1112 : i32 to index
    %get3A_1114 = arith.constant 0 : index
    %get3A_1115 = tpu.vector_load %arg5[%get3A_1113, %get3A_1114] {strides = array<i32>} : memref<32x64xi32, #tpu.memory_space<vmem>>, vector<16xi32>,
    %gather3A_1116 = tpu.vector_load_idx %arg6[%get3A_1115] : memref<100000xf32, #tpu.memory_space<vmem>>[vector<16xi32>], vector<16xf32>,
    %swap3A_1117 = arith.constant 22 : i32
    %swap3A_1118 = arith.index_cast %swap3A_1117 : i32 to index
    %swap3A_1119 = arith.constant 0 : index
    %swap3A_1120 = tpu.vector_load %arg7[%swap3A_1118, %swap3A_1119] {strides = array<i32>} : memref<32x64xf32, #tpu.memory_space<vmem>>, vector<16xf32>,
    tpu.vector_store %arg7[%swap3A_1118, %swap3A_1119], %gather3A_1116 {strides = array<i32>} : memref<32x64xf32, #tpu.memory_space<vmem>>, vector<16xf32>,
    %get3A_1121 = arith.constant 22 : i32
    %get3A_1122 = arith.index_cast %get3A_1121 : i32 to index
    %get3A_1123 = arith.constant 16 : index
    %get3A_1124 = tpu.vector_load %arg5[%get3A_1122, %get3A_1123] {strides = array<i32>} : memref<32x64xi32, #tpu.memory_space<vmem>>, vector<16xi32>,
    %gather3A_1125 = tpu.vector_load_idx %arg6[%get3A_1124] : memref<100000xf32, #tpu.memory_space<vmem>>[vector<16xi32>], vector<16xf32>,
    %swap3A_1126 = arith.constant 22 : i32
    %swap3A_1127 = arith.index_cast %swap3A_1126 : i32 to index
    %swap3A_1128 = arith.constant 16 : index
    %swap3A_1129 = tpu.vector_load %arg7[%swap3A_1127, %swap3A_1128] {strides = array<i32>} : memref<32x64xf32, #tpu.memory_space<vmem>>, vector<16xf32>,
    tpu.vector_store %arg7[%swap3A_1127, %swap3A_1128], %gather3A_1125 {strides = array<i32>} : memref<32x64xf32, #tpu.memory_space<vmem>>, vector<16xf32>,
    %get3A_1130 = arith.constant 22 : i32
    %get3A_1131 = arith.index_cast %get3A_1130 : i32 to index
    %get3A_1132 = arith.constant 32 : index
    %get3A_1133 = tpu.vector_load %arg5[%get3A_1131, %get3A_1132] {strides = array<i32>} : memref<32x64xi32, #tpu.memory_space<vmem>>, vector<16xi32>,
    %gather3A_1134 = tpu.vector_load_idx %arg6[%get3A_1133] : memref<100000xf32, #tpu.memory_space<vmem>>[vector<16xi32>], vector<16xf32>,
    %swap3A_1135 = arith.constant 22 : i32
    %swap3A_1136 = arith.index_cast %swap3A_1135 : i32 to index
    %swap3A_1137 = arith.constant 32 : index
    %swap3A_1138 = tpu.vector_load %arg7[%swap3A_1136, %swap3A_1137] {strides = array<i32>} : memref<32x64xf32, #tpu.memory_space<vmem>>, vector<16xf32>,
    tpu.vector_store %arg7[%swap3A_1136, %swap3A_1137], %gather3A_1134 {strides = array<i32>} : memref<32x64xf32, #tpu.memory_space<vmem>>, vector<16xf32>,
    %get3A_1139 = arith.constant 22 : i32
    %get3A_1140 = arith.index_cast %get3A_1139 : i32 to index
    %get3A_1141 = arith.constant 48 : index
    %get3A_1142 = tpu.vector_load %arg5[%get3A_1140, %get3A_1141] {strides = array<i32>} : memref<32x64xi32, #tpu.memory_space<vmem>>, vector<16xi32>,
    %gather3A_1143 = tpu.vector_load_idx %arg6[%get3A_1142] : memref<100000xf32, #tpu.memory_space<vmem>>[vector<16xi32>], vector<16xf32>,
    %swap3A_1144 = arith.constant 22 : i32
    %swap3A_1145 = arith.index_cast %swap3A_1144 : i32 to index
    %swap3A_1146 = arith.constant 48 : index
    %swap3A_1147 = tpu.vector_load %arg7[%swap3A_1145, %swap3A_1146] {strides = array<i32>} : memref<32x64xf32, #tpu.memory_space<vmem>>, vector<16xf32>,
    tpu.vector_store %arg7[%swap3A_1145, %swap3A_1146], %gather3A_1143 {strides = array<i32>} : memref<32x64xf32, #tpu.memory_space<vmem>>, vector<16xf32>,
    %add3A_1148 = arith.constant 23 : i32
    %add3A_1149 = arith.addi %mul3A_2, %add3A_1148 : i32
    %dma_start3A_1150 = arith.constant 0 : i32
    %dma_start3A_1151 = tpu.memref_slice %arg2[%add3A_1149, %dma_start3A_1150] : memref<1024x100000xf32, #tpu.memory_space<hbm>> -> memref<1x100000xf32, #tpu.memory_space<hbm>>
    %dma_start3A_1152 = tpu.memref_squeeze %dma_start3A_1151 : memref<1x100000xf32, #tpu.memory_space<hbm>> -> memref<100000xf32, #tpu.memory_space<hbm>>
    %dma_start3A_1153 = arith.constant 0 : i32
    %dma_start3A_1154 = tpu.memref_slice %arg2[%add3A_1149, %dma_start3A_1153] : memref<1024x100000xf32, #tpu.memory_space<hbm>> -> memref<1x100000xf32, #tpu.memory_space<hbm>>
    %dma_start3A_1155 = tpu.memref_squeeze %dma_start3A_1154 : memref<1x100000xf32, #tpu.memory_space<hbm>> -> memref<100000xf32, #tpu.memory_space<hbm>>
    tpu.enqueue_dma source(%dma_start3A_1155 : memref<100000xf32, #tpu.memory_space<hbm>>) target(%arg6 : memref<100000xf32, #tpu.memory_space<vmem>>) target_semaphore(%arg8 : memref<!tpu.dma_semaphore, #tpu.memory_space<semaphore_mem>>)
    %dma_wait3A_1156 = arith.constant 0 : i32
    %dma_wait3A_1157 = tpu.memref_slice %arg2[%add3A_1149, %dma_wait3A_1156] : memref<1024x100000xf32, #tpu.memory_space<hbm>> -> memref<1x100000xf32, #tpu.memory_space<hbm>>
    %dma_wait3A_1158 = tpu.memref_squeeze %dma_wait3A_1157 : memref<1x100000xf32, #tpu.memory_space<hbm>> -> memref<100000xf32, #tpu.memory_space<hbm>>
    %dma_wait3A_1159 = arith.constant 0 : i32
    %dma_wait3A_1160 = tpu.memref_slice %arg2[%add3A_1149, %dma_wait3A_1159] : memref<1024x100000xf32, #tpu.memory_space<hbm>> -> memref<1x100000xf32, #tpu.memory_space<hbm>>
    %dma_wait3A_1161 = tpu.memref_squeeze %dma_wait3A_1160 : memref<1x100000xf32, #tpu.memory_space<hbm>> -> memref<100000xf32, #tpu.memory_space<hbm>>
    tpu.wait_dma2 semaphore(%arg8 : memref<!tpu.dma_semaphore, #tpu.memory_space<semaphore_mem>>) src(%dma_wait3A_1161 : memref<100000xf32, #tpu.memory_space<hbm>>) dst(%arg6 : memref<100000xf32, #tpu.memory_space<vmem>>)
    %get3A_1162 = arith.constant 23 : i32
    %get3A_1163 = arith.index_cast %get3A_1162 : i32 to index
    %get3A_1164 = arith.constant 0 : index
    %get3A_1165 = tpu.vector_load %arg5[%get3A_1163, %get3A_1164] {strides = array<i32>} : memref<32x64xi32, #tpu.memory_space<vmem>>, vector<16xi32>,
    %gather3A_1166 = tpu.vector_load_idx %arg6[%get3A_1165] : memref<100000xf32, #tpu.memory_space<vmem>>[vector<16xi32>], vector<16xf32>,
    %swap3A_1167 = arith.constant 23 : i32
    %swap3A_1168 = arith.index_cast %swap3A_1167 : i32 to index
    %swap3A_1169 = arith.constant 0 : index
    %swap3A_1170 = tpu.vector_load %arg7[%swap3A_1168, %swap3A_1169] {strides = array<i32>} : memref<32x64xf32, #tpu.memory_space<vmem>>, vector<16xf32>,
    tpu.vector_store %arg7[%swap3A_1168, %swap3A_1169], %gather3A_1166 {strides = array<i32>} : memref<32x64xf32, #tpu.memory_space<vmem>>, vector<16xf32>,
    %get3A_1171 = arith.constant 23 : i32
    %get3A_1172 = arith.index_cast %get3A_1171 : i32 to index
    %get3A_1173 = arith.constant 16 : index
    %get3A_1174 = tpu.vector_load %arg5[%get3A_1172, %get3A_1173] {strides = array<i32>} : memref<32x64xi32, #tpu.memory_space<vmem>>, vector<16xi32>,
    %gather3A_1175 = tpu.vector_load_idx %arg6[%get3A_1174] : memref<100000xf32, #tpu.memory_space<vmem>>[vector<16xi32>], vector<16xf32>,
    %swap3A_1176 = arith.constant 23 : i32
    %swap3A_1177 = arith.index_cast %swap3A_1176 : i32 to index
    %swap3A_1178 = arith.constant 16 : index
    %swap3A_1179 = tpu.vector_load %arg7[%swap3A_1177, %swap3A_1178] {strides = array<i32>} : memref<32x64xf32, #tpu.memory_space<vmem>>, vector<16xf32>,
    tpu.vector_store %arg7[%swap3A_1177, %swap3A_1178], %gather3A_1175 {strides = array<i32>} : memref<32x64xf32, #tpu.memory_space<vmem>>, vector<16xf32>,
    %get3A_1180 = arith.constant 23 : i32
    %get3A_1181 = arith.index_cast %get3A_1180 : i32 to index
    %get3A_1182 = arith.constant 32 : index
    %get3A_1183 = tpu.vector_load %arg5[%get3A_1181, %get3A_1182] {strides = array<i32>} : memref<32x64xi32, #tpu.memory_space<vmem>>, vector<16xi32>,
    %gather3A_1184 = tpu.vector_load_idx %arg6[%get3A_1183] : memref<100000xf32, #tpu.memory_space<vmem>>[vector<16xi32>], vector<16xf32>,
    %swap3A_1185 = arith.constant 23 : i32
    %swap3A_1186 = arith.index_cast %swap3A_1185 : i32 to index
    %swap3A_1187 = arith.constant 32 : index
    %swap3A_1188 = tpu.vector_load %arg7[%swap3A_1186, %swap3A_1187] {strides = array<i32>} : memref<32x64xf32, #tpu.memory_space<vmem>>, vector<16xf32>,
    tpu.vector_store %arg7[%swap3A_1186, %swap3A_1187], %gather3A_1184 {strides = array<i32>} : memref<32x64xf32, #tpu.memory_space<vmem>>, vector<16xf32>,
    %get3A_1189 = arith.constant 23 : i32
    %get3A_1190 = arith.index_cast %get3A_1189 : i32 to index
    %get3A_1191 = arith.constant 48 : index
    %get3A_1192 = tpu.vector_load %arg5[%get3A_1190, %get3A_1191] {strides = array<i32>} : memref<32x64xi32, #tpu.memory_space<vmem>>, vector<16xi32>,
    %gather3A_1193 = tpu.vector_load_idx %arg6[%get3A_1192] : memref<100000xf32, #tpu.memory_space<vmem>>[vector<16xi32>], vector<16xf32>,
    %swap3A_1194 = arith.constant 23 : i32
    %swap3A_1195 = arith.index_cast %swap3A_1194 : i32 to index
    %swap3A_1196 = arith.constant 48 : index
    %swap3A_1197 = tpu.vector_load %arg7[%swap3A_1195, %swap3A_1196] {strides = array<i32>} : memref<32x64xf32, #tpu.memory_space<vmem>>, vector<16xf32>,
    tpu.vector_store %arg7[%swap3A_1195, %swap3A_1196], %gather3A_1193 {strides = array<i32>} : memref<32x64xf32, #tpu.memory_space<vmem>>, vector<16xf32>,
    %add3A_1198 = arith.constant 24 : i32
    %add3A_1199 = arith.addi %mul3A_2, %add3A_1198 : i32
    %dma_start3A_1200 = arith.constant 0 : i32
    %dma_start3A_1201 = tpu.memref_slice %arg2[%add3A_1199, %dma_start3A_1200] : memref<1024x100000xf32, #tpu.memory_space<hbm>> -> memref<1x100000xf32, #tpu.memory_space<hbm>>
    %dma_start3A_1202 = tpu.memref_squeeze %dma_start3A_1201 : memref<1x100000xf32, #tpu.memory_space<hbm>> -> memref<100000xf32, #tpu.memory_space<hbm>>
    %dma_start3A_1203 = arith.constant 0 : i32
    %dma_start3A_1204 = tpu.memref_slice %arg2[%add3A_1199, %dma_start3A_1203] : memref<1024x100000xf32, #tpu.memory_space<hbm>> -> memref<1x100000xf32, #tpu.memory_space<hbm>>
    %dma_start3A_1205 = tpu.memref_squeeze %dma_start3A_1204 : memref<1x100000xf32, #tpu.memory_space<hbm>> -> memref<100000xf32, #tpu.memory_space<hbm>>
    tpu.enqueue_dma source(%dma_start3A_1205 : memref<100000xf32, #tpu.memory_space<hbm>>) target(%arg6 : memref<100000xf32, #tpu.memory_space<vmem>>) target_semaphore(%arg8 : memref<!tpu.dma_semaphore, #tpu.memory_space<semaphore_mem>>)
    %dma_wait3A_1206 = arith.constant 0 : i32
    %dma_wait3A_1207 = tpu.memref_slice %arg2[%add3A_1199, %dma_wait3A_1206] : memref<1024x100000xf32, #tpu.memory_space<hbm>> -> memref<1x100000xf32, #tpu.memory_space<hbm>>
    %dma_wait3A_1208 = tpu.memref_squeeze %dma_wait3A_1207 : memref<1x100000xf32, #tpu.memory_space<hbm>> -> memref<100000xf32, #tpu.memory_space<hbm>>
    %dma_wait3A_1209 = arith.constant 0 : i32
    %dma_wait3A_1210 = tpu.memref_slice %arg2[%add3A_1199, %dma_wait3A_1209] : memref<1024x100000xf32, #tpu.memory_space<hbm>> -> memref<1x100000xf32, #tpu.memory_space<hbm>>
    %dma_wait3A_1211 = tpu.memref_squeeze %dma_wait3A_1210 : memref<1x100000xf32, #tpu.memory_space<hbm>> -> memref<100000xf32, #tpu.memory_space<hbm>>
    tpu.wait_dma2 semaphore(%arg8 : memref<!tpu.dma_semaphore, #tpu.memory_space<semaphore_mem>>) src(%dma_wait3A_1211 : memref<100000xf32, #tpu.memory_space<hbm>>) dst(%arg6 : memref<100000xf32, #tpu.memory_space<vmem>>)
    %get3A_1212 = arith.constant 24 : i32
    %get3A_1213 = arith.index_cast %get3A_1212 : i32 to index
    %get3A_1214 = arith.constant 0 : index
    %get3A_1215 = tpu.vector_load %arg5[%get3A_1213, %get3A_1214] {strides = array<i32>} : memref<32x64xi32, #tpu.memory_space<vmem>>, vector<16xi32>,
    %gather3A_1216 = tpu.vector_load_idx %arg6[%get3A_1215] : memref<100000xf32, #tpu.memory_space<vmem>>[vector<16xi32>], vector<16xf32>,
    %swap3A_1217 = arith.constant 24 : i32
    %swap3A_1218 = arith.index_cast %swap3A_1217 : i32 to index
    %swap3A_1219 = arith.constant 0 : index
    %swap3A_1220 = tpu.vector_load %arg7[%swap3A_1218, %swap3A_1219] {strides = array<i32>} : memref<32x64xf32, #tpu.memory_space<vmem>>, vector<16xf32>,
    tpu.vector_store %arg7[%swap3A_1218, %swap3A_1219], %gather3A_1216 {strides = array<i32>} : memref<32x64xf32, #tpu.memory_space<vmem>>, vector<16xf32>,
    %get3A_1221 = arith.constant 24 : i32
    %get3A_1222 = arith.index_cast %get3A_1221 : i32 to index
    %get3A_1223 = arith.constant 16 : index
    %get3A_1224 = tpu.vector_load %arg5[%get3A_1222, %get3A_1223] {strides = array<i32>} : memref<32x64xi32, #tpu.memory_space<vmem>>, vector<16xi32>,
    %gather3A_1225 = tpu.vector_load_idx %arg6[%get3A_1224] : memref<100000xf32, #tpu.memory_space<vmem>>[vector<16xi32>], vector<16xf32>,
    %swap3A_1226 = arith.constant 24 : i32
    %swap3A_1227 = arith.index_cast %swap3A_1226 : i32 to index
    %swap3A_1228 = arith.constant 16 : index
    %swap3A_1229 = tpu.vector_load %arg7[%swap3A_1227, %swap3A_1228] {strides = array<i32>} : memref<32x64xf32, #tpu.memory_space<vmem>>, vector<16xf32>,
    tpu.vector_store %arg7[%swap3A_1227, %swap3A_1228], %gather3A_1225 {strides = array<i32>} : memref<32x64xf32, #tpu.memory_space<vmem>>, vector<16xf32>,
    %get3A_1230 = arith.constant 24 : i32
    %get3A_1231 = arith.index_cast %get3A_1230 : i32 to index
    %get3A_1232 = arith.constant 32 : index
    %get3A_1233 = tpu.vector_load %arg5[%get3A_1231, %get3A_1232] {strides = array<i32>} : memref<32x64xi32, #tpu.memory_space<vmem>>, vector<16xi32>,
    %gather3A_1234 = tpu.vector_load_idx %arg6[%get3A_1233] : memref<100000xf32, #tpu.memory_space<vmem>>[vector<16xi32>], vector<16xf32>,
    %swap3A_1235 = arith.constant 24 : i32
    %swap3A_1236 = arith.index_cast %swap3A_1235 : i32 to index
    %swap3A_1237 = arith.constant 32 : index
    %swap3A_1238 = tpu.vector_load %arg7[%swap3A_1236, %swap3A_1237] {strides = array<i32>} : memref<32x64xf32, #tpu.memory_space<vmem>>, vector<16xf32>,
    tpu.vector_store %arg7[%swap3A_1236, %swap3A_1237], %gather3A_1234 {strides = array<i32>} : memref<32x64xf32, #tpu.memory_space<vmem>>, vector<16xf32>,
    %get3A_1239 = arith.constant 24 : i32
    %get3A_1240 = arith.index_cast %get3A_1239 : i32 to index
    %get3A_1241 = arith.constant 48 : index
    %get3A_1242 = tpu.vector_load %arg5[%get3A_1240, %get3A_1241] {strides = array<i32>} : memref<32x64xi32, #tpu.memory_space<vmem>>, vector<16xi32>,
    %gather3A_1243 = tpu.vector_load_idx %arg6[%get3A_1242] : memref<100000xf32, #tpu.memory_space<vmem>>[vector<16xi32>], vector<16xf32>,
    %swap3A_1244 = arith.constant 24 : i32
    %swap3A_1245 = arith.index_cast %swap3A_1244 : i32 to index
    %swap3A_1246 = arith.constant 48 : index
    %swap3A_1247 = tpu.vector_load %arg7[%swap3A_1245, %swap3A_1246] {strides = array<i32>} : memref<32x64xf32, #tpu.memory_space<vmem>>, vector<16xf32>,
    tpu.vector_store %arg7[%swap3A_1245, %swap3A_1246], %gather3A_1243 {strides = array<i32>} : memref<32x64xf32, #tpu.memory_space<vmem>>, vector<16xf32>,
    %add3A_1248 = arith.constant 25 : i32
    %add3A_1249 = arith.addi %mul3A_2, %add3A_1248 : i32
    %dma_start3A_1250 = arith.constant 0 : i32
    %dma_start3A_1251 = tpu.memref_slice %arg2[%add3A_1249, %dma_start3A_1250] : memref<1024x100000xf32, #tpu.memory_space<hbm>> -> memref<1x100000xf32, #tpu.memory_space<hbm>>
    %dma_start3A_1252 = tpu.memref_squeeze %dma_start3A_1251 : memref<1x100000xf32, #tpu.memory_space<hbm>> -> memref<100000xf32, #tpu.memory_space<hbm>>
    %dma_start3A_1253 = arith.constant 0 : i32
    %dma_start3A_1254 = tpu.memref_slice %arg2[%add3A_1249, %dma_start3A_1253] : memref<1024x100000xf32, #tpu.memory_space<hbm>> -> memref<1x100000xf32, #tpu.memory_space<hbm>>
    %dma_start3A_1255 = tpu.memref_squeeze %dma_start3A_1254 : memref<1x100000xf32, #tpu.memory_space<hbm>> -> memref<100000xf32, #tpu.memory_space<hbm>>
    tpu.enqueue_dma source(%dma_start3A_1255 : memref<100000xf32, #tpu.memory_space<hbm>>) target(%arg6 : memref<100000xf32, #tpu.memory_space<vmem>>) target_semaphore(%arg8 : memref<!tpu.dma_semaphore, #tpu.memory_space<semaphore_mem>>)
    %dma_wait3A_1256 = arith.constant 0 : i32
    %dma_wait3A_1257 = tpu.memref_slice %arg2[%add3A_1249, %dma_wait3A_1256] : memref<1024x100000xf32, #tpu.memory_space<hbm>> -> memref<1x100000xf32, #tpu.memory_space<hbm>>
    %dma_wait3A_1258 = tpu.memref_squeeze %dma_wait3A_1257 : memref<1x100000xf32, #tpu.memory_space<hbm>> -> memref<100000xf32, #tpu.memory_space<hbm>>
    %dma_wait3A_1259 = arith.constant 0 : i32
    %dma_wait3A_1260 = tpu.memref_slice %arg2[%add3A_1249, %dma_wait3A_1259] : memref<1024x100000xf32, #tpu.memory_space<hbm>> -> memref<1x100000xf32, #tpu.memory_space<hbm>>
    %dma_wait3A_1261 = tpu.memref_squeeze %dma_wait3A_1260 : memref<1x100000xf32, #tpu.memory_space<hbm>> -> memref<100000xf32, #tpu.memory_space<hbm>>
    tpu.wait_dma2 semaphore(%arg8 : memref<!tpu.dma_semaphore, #tpu.memory_space<semaphore_mem>>) src(%dma_wait3A_1261 : memref<100000xf32, #tpu.memory_space<hbm>>) dst(%arg6 : memref<100000xf32, #tpu.memory_space<vmem>>)
    %get3A_1262 = arith.constant 25 : i32
    %get3A_1263 = arith.index_cast %get3A_1262 : i32 to index
    %get3A_1264 = arith.constant 0 : index
    %get3A_1265 = tpu.vector_load %arg5[%get3A_1263, %get3A_1264] {strides = array<i32>} : memref<32x64xi32, #tpu.memory_space<vmem>>, vector<16xi32>,
    %gather3A_1266 = tpu.vector_load_idx %arg6[%get3A_1265] : memref<100000xf32, #tpu.memory_space<vmem>>[vector<16xi32>], vector<16xf32>,
    %swap3A_1267 = arith.constant 25 : i32
    %swap3A_1268 = arith.index_cast %swap3A_1267 : i32 to index
    %swap3A_1269 = arith.constant 0 : index
    %swap3A_1270 = tpu.vector_load %arg7[%swap3A_1268, %swap3A_1269] {strides = array<i32>} : memref<32x64xf32, #tpu.memory_space<vmem>>, vector<16xf32>,
    tpu.vector_store %arg7[%swap3A_1268, %swap3A_1269], %gather3A_1266 {strides = array<i32>} : memref<32x64xf32, #tpu.memory_space<vmem>>, vector<16xf32>,
    %get3A_1271 = arith.constant 25 : i32
    %get3A_1272 = arith.index_cast %get3A_1271 : i32 to index
    %get3A_1273 = arith.constant 16 : index
    %get3A_1274 = tpu.vector_load %arg5[%get3A_1272, %get3A_1273] {strides = array<i32>} : memref<32x64xi32, #tpu.memory_space<vmem>>, vector<16xi32>,
    %gather3A_1275 = tpu.vector_load_idx %arg6[%get3A_1274] : memref<100000xf32, #tpu.memory_space<vmem>>[vector<16xi32>], vector<16xf32>,
    %swap3A_1276 = arith.constant 25 : i32
    %swap3A_1277 = arith.index_cast %swap3A_1276 : i32 to index
    %swap3A_1278 = arith.constant 16 : index
    %swap3A_1279 = tpu.vector_load %arg7[%swap3A_1277, %swap3A_1278] {strides = array<i32>} : memref<32x64xf32, #tpu.memory_space<vmem>>, vector<16xf32>,
    tpu.vector_store %arg7[%swap3A_1277, %swap3A_1278], %gather3A_1275 {strides = array<i32>} : memref<32x64xf32, #tpu.memory_space<vmem>>, vector<16xf32>,
    %get3A_1280 = arith.constant 25 : i32
    %get3A_1281 = arith.index_cast %get3A_1280 : i32 to index
    %get3A_1282 = arith.constant 32 : index
    %get3A_1283 = tpu.vector_load %arg5[%get3A_1281, %get3A_1282] {strides = array<i32>} : memref<32x64xi32, #tpu.memory_space<vmem>>, vector<16xi32>,
    %gather3A_1284 = tpu.vector_load_idx %arg6[%get3A_1283] : memref<100000xf32, #tpu.memory_space<vmem>>[vector<16xi32>], vector<16xf32>,
    %swap3A_1285 = arith.constant 25 : i32
    %swap3A_1286 = arith.index_cast %swap3A_1285 : i32 to index
    %swap3A_1287 = arith.constant 32 : index
    %swap3A_1288 = tpu.vector_load %arg7[%swap3A_1286, %swap3A_1287] {strides = array<i32>} : memref<32x64xf32, #tpu.memory_space<vmem>>, vector<16xf32>,
    tpu.vector_store %arg7[%swap3A_1286, %swap3A_1287], %gather3A_1284 {strides = array<i32>} : memref<32x64xf32, #tpu.memory_space<vmem>>, vector<16xf32>,
    %get3A_1289 = arith.constant 25 : i32
    %get3A_1290 = arith.index_cast %get3A_1289 : i32 to index
    %get3A_1291 = arith.constant 48 : index
    %get3A_1292 = tpu.vector_load %arg5[%get3A_1290, %get3A_1291] {strides = array<i32>} : memref<32x64xi32, #tpu.memory_space<vmem>>, vector<16xi32>,
    %gather3A_1293 = tpu.vector_load_idx %arg6[%get3A_1292] : memref<100000xf32, #tpu.memory_space<vmem>>[vector<16xi32>], vector<16xf32>,
    %swap3A_1294 = arith.constant 25 : i32
    %swap3A_1295 = arith.index_cast %swap3A_1294 : i32 to index
    %swap3A_1296 = arith.constant 48 : index
    %swap3A_1297 = tpu.vector_load %arg7[%swap3A_1295, %swap3A_1296] {strides = array<i32>} : memref<32x64xf32, #tpu.memory_space<vmem>>, vector<16xf32>,
    tpu.vector_store %arg7[%swap3A_1295, %swap3A_1296], %gather3A_1293 {strides = array<i32>} : memref<32x64xf32, #tpu.memory_space<vmem>>, vector<16xf32>,
    %add3A_1298 = arith.constant 26 : i32
    %add3A_1299 = arith.addi %mul3A_2, %add3A_1298 : i32
    %dma_start3A_1300 = arith.constant 0 : i32
    %dma_start3A_1301 = tpu.memref_slice %arg2[%add3A_1299, %dma_start3A_1300] : memref<1024x100000xf32, #tpu.memory_space<hbm>> -> memref<1x100000xf32, #tpu.memory_space<hbm>>
    %dma_start3A_1302 = tpu.memref_squeeze %dma_start3A_1301 : memref<1x100000xf32, #tpu.memory_space<hbm>> -> memref<100000xf32, #tpu.memory_space<hbm>>
    %dma_start3A_1303 = arith.constant 0 : i32
    %dma_start3A_1304 = tpu.memref_slice %arg2[%add3A_1299, %dma_start3A_1303] : memref<1024x100000xf32, #tpu.memory_space<hbm>> -> memref<1x100000xf32, #tpu.memory_space<hbm>>
    %dma_start3A_1305 = tpu.memref_squeeze %dma_start3A_1304 : memref<1x100000xf32, #tpu.memory_space<hbm>> -> memref<100000xf32, #tpu.memory_space<hbm>>
    tpu.enqueue_dma source(%dma_start3A_1305 : memref<100000xf32, #tpu.memory_space<hbm>>) target(%arg6 : memref<100000xf32, #tpu.memory_space<vmem>>) target_semaphore(%arg8 : memref<!tpu.dma_semaphore, #tpu.memory_space<semaphore_mem>>)
    %dma_wait3A_1306 = arith.constant 0 : i32
    %dma_wait3A_1307 = tpu.memref_slice %arg2[%add3A_1299, %dma_wait3A_1306] : memref<1024x100000xf32, #tpu.memory_space<hbm>> -> memref<1x100000xf32, #tpu.memory_space<hbm>>
    %dma_wait3A_1308 = tpu.memref_squeeze %dma_wait3A_1307 : memref<1x100000xf32, #tpu.memory_space<hbm>> -> memref<100000xf32, #tpu.memory_space<hbm>>
    %dma_wait3A_1309 = arith.constant 0 : i32
    %dma_wait3A_1310 = tpu.memref_slice %arg2[%add3A_1299, %dma_wait3A_1309] : memref<1024x100000xf32, #tpu.memory_space<hbm>> -> memref<1x100000xf32, #tpu.memory_space<hbm>>
    %dma_wait3A_1311 = tpu.memref_squeeze %dma_wait3A_1310 : memref<1x100000xf32, #tpu.memory_space<hbm>> -> memref<100000xf32, #tpu.memory_space<hbm>>
    tpu.wait_dma2 semaphore(%arg8 : memref<!tpu.dma_semaphore, #tpu.memory_space<semaphore_mem>>) src(%dma_wait3A_1311 : memref<100000xf32, #tpu.memory_space<hbm>>) dst(%arg6 : memref<100000xf32, #tpu.memory_space<vmem>>)
    %get3A_1312 = arith.constant 26 : i32
    %get3A_1313 = arith.index_cast %get3A_1312 : i32 to index
    %get3A_1314 = arith.constant 0 : index
    %get3A_1315 = tpu.vector_load %arg5[%get3A_1313, %get3A_1314] {strides = array<i32>} : memref<32x64xi32, #tpu.memory_space<vmem>>, vector<16xi32>,
    %gather3A_1316 = tpu.vector_load_idx %arg6[%get3A_1315] : memref<100000xf32, #tpu.memory_space<vmem>>[vector<16xi32>], vector<16xf32>,
    %swap3A_1317 = arith.constant 26 : i32
    %swap3A_1318 = arith.index_cast %swap3A_1317 : i32 to index
    %swap3A_1319 = arith.constant 0 : index
    %swap3A_1320 = tpu.vector_load %arg7[%swap3A_1318, %swap3A_1319] {strides = array<i32>} : memref<32x64xf32, #tpu.memory_space<vmem>>, vector<16xf32>,
    tpu.vector_store %arg7[%swap3A_1318, %swap3A_1319], %gather3A_1316 {strides = array<i32>} : memref<32x64xf32, #tpu.memory_space<vmem>>, vector<16xf32>,
    %get3A_1321 = arith.constant 26 : i32
    %get3A_1322 = arith.index_cast %get3A_1321 : i32 to index
    %get3A_1323 = arith.constant 16 : index
    %get3A_1324 = tpu.vector_load %arg5[%get3A_1322, %get3A_1323] {strides = array<i32>} : memref<32x64xi32, #tpu.memory_space<vmem>>, vector<16xi32>,
    %gather3A_1325 = tpu.vector_load_idx %arg6[%get3A_1324] : memref<100000xf32, #tpu.memory_space<vmem>>[vector<16xi32>], vector<16xf32>,
    %swap3A_1326 = arith.constant 26 : i32
    %swap3A_1327 = arith.index_cast %swap3A_1326 : i32 to index
    %swap3A_1328 = arith.constant 16 : index
    %swap3A_1329 = tpu.vector_load %arg7[%swap3A_1327, %swap3A_1328] {strides = array<i32>} : memref<32x64xf32, #tpu.memory_space<vmem>>, vector<16xf32>,
    tpu.vector_store %arg7[%swap3A_1327, %swap3A_1328], %gather3A_1325 {strides = array<i32>} : memref<32x64xf32, #tpu.memory_space<vmem>>, vector<16xf32>,
    %get3A_1330 = arith.constant 26 : i32
    %get3A_1331 = arith.index_cast %get3A_1330 : i32 to index
    %get3A_1332 = arith.constant 32 : index
    %get3A_1333 = tpu.vector_load %arg5[%get3A_1331, %get3A_1332] {strides = array<i32>} : memref<32x64xi32, #tpu.memory_space<vmem>>, vector<16xi32>,
    %gather3A_1334 = tpu.vector_load_idx %arg6[%get3A_1333] : memref<100000xf32, #tpu.memory_space<vmem>>[vector<16xi32>], vector<16xf32>,
    %swap3A_1335 = arith.constant 26 : i32
    %swap3A_1336 = arith.index_cast %swap3A_1335 : i32 to index
    %swap3A_1337 = arith.constant 32 : index
    %swap3A_1338 = tpu.vector_load %arg7[%swap3A_1336, %swap3A_1337] {strides = array<i32>} : memref<32x64xf32, #tpu.memory_space<vmem>>, vector<16xf32>,
    tpu.vector_store %arg7[%swap3A_1336, %swap3A_1337], %gather3A_1334 {strides = array<i32>} : memref<32x64xf32, #tpu.memory_space<vmem>>, vector<16xf32>,
    %get3A_1339 = arith.constant 26 : i32
    %get3A_1340 = arith.index_cast %get3A_1339 : i32 to index
    %get3A_1341 = arith.constant 48 : index
    %get3A_1342 = tpu.vector_load %arg5[%get3A_1340, %get3A_1341] {strides = array<i32>} : memref<32x64xi32, #tpu.memory_space<vmem>>, vector<16xi32>,
    %gather3A_1343 = tpu.vector_load_idx %arg6[%get3A_1342] : memref<100000xf32, #tpu.memory_space<vmem>>[vector<16xi32>], vector<16xf32>,
    %swap3A_1344 = arith.constant 26 : i32
    %swap3A_1345 = arith.index_cast %swap3A_1344 : i32 to index
    %swap3A_1346 = arith.constant 48 : index
    %swap3A_1347 = tpu.vector_load %arg7[%swap3A_1345, %swap3A_1346] {strides = array<i32>} : memref<32x64xf32, #tpu.memory_space<vmem>>, vector<16xf32>,
    tpu.vector_store %arg7[%swap3A_1345, %swap3A_1346], %gather3A_1343 {strides = array<i32>} : memref<32x64xf32, #tpu.memory_space<vmem>>, vector<16xf32>,
    %add3A_1348 = arith.constant 27 : i32
    %add3A_1349 = arith.addi %mul3A_2, %add3A_1348 : i32
    %dma_start3A_1350 = arith.constant 0 : i32
    %dma_start3A_1351 = tpu.memref_slice %arg2[%add3A_1349, %dma_start3A_1350] : memref<1024x100000xf32, #tpu.memory_space<hbm>> -> memref<1x100000xf32, #tpu.memory_space<hbm>>
    %dma_start3A_1352 = tpu.memref_squeeze %dma_start3A_1351 : memref<1x100000xf32, #tpu.memory_space<hbm>> -> memref<100000xf32, #tpu.memory_space<hbm>>
    %dma_start3A_1353 = arith.constant 0 : i32
    %dma_start3A_1354 = tpu.memref_slice %arg2[%add3A_1349, %dma_start3A_1353] : memref<1024x100000xf32, #tpu.memory_space<hbm>> -> memref<1x100000xf32, #tpu.memory_space<hbm>>
    %dma_start3A_1355 = tpu.memref_squeeze %dma_start3A_1354 : memref<1x100000xf32, #tpu.memory_space<hbm>> -> memref<100000xf32, #tpu.memory_space<hbm>>
    tpu.enqueue_dma source(%dma_start3A_1355 : memref<100000xf32, #tpu.memory_space<hbm>>) target(%arg6 : memref<100000xf32, #tpu.memory_space<vmem>>) target_semaphore(%arg8 : memref<!tpu.dma_semaphore, #tpu.memory_space<semaphore_mem>>)
    %dma_wait3A_1356 = arith.constant 0 : i32
    %dma_wait3A_1357 = tpu.memref_slice %arg2[%add3A_1349, %dma_wait3A_1356] : memref<1024x100000xf32, #tpu.memory_space<hbm>> -> memref<1x100000xf32, #tpu.memory_space<hbm>>
    %dma_wait3A_1358 = tpu.memref_squeeze %dma_wait3A_1357 : memref<1x100000xf32, #tpu.memory_space<hbm>> -> memref<100000xf32, #tpu.memory_space<hbm>>
    %dma_wait3A_1359 = arith.constant 0 : i32
    %dma_wait3A_1360 = tpu.memref_slice %arg2[%add3A_1349, %dma_wait3A_1359] : memref<1024x100000xf32, #tpu.memory_space<hbm>> -> memref<1x100000xf32, #tpu.memory_space<hbm>>
    %dma_wait3A_1361 = tpu.memref_squeeze %dma_wait3A_1360 : memref<1x100000xf32, #tpu.memory_space<hbm>> -> memref<100000xf32, #tpu.memory_space<hbm>>
    tpu.wait_dma2 semaphore(%arg8 : memref<!tpu.dma_semaphore, #tpu.memory_space<semaphore_mem>>) src(%dma_wait3A_1361 : memref<100000xf32, #tpu.memory_space<hbm>>) dst(%arg6 : memref<100000xf32, #tpu.memory_space<vmem>>)
    %get3A_1362 = arith.constant 27 : i32
    %get3A_1363 = arith.index_cast %get3A_1362 : i32 to index
    %get3A_1364 = arith.constant 0 : index
    %get3A_1365 = tpu.vector_load %arg5[%get3A_1363, %get3A_1364] {strides = array<i32>} : memref<32x64xi32, #tpu.memory_space<vmem>>, vector<16xi32>,
    %gather3A_1366 = tpu.vector_load_idx %arg6[%get3A_1365] : memref<100000xf32, #tpu.memory_space<vmem>>[vector<16xi32>], vector<16xf32>,
    %swap3A_1367 = arith.constant 27 : i32
    %swap3A_1368 = arith.index_cast %swap3A_1367 : i32 to index
    %swap3A_1369 = arith.constant 0 : index
    %swap3A_1370 = tpu.vector_load %arg7[%swap3A_1368, %swap3A_1369] {strides = array<i32>} : memref<32x64xf32, #tpu.memory_space<vmem>>, vector<16xf32>,
    tpu.vector_store %arg7[%swap3A_1368, %swap3A_1369], %gather3A_1366 {strides = array<i32>} : memref<32x64xf32, #tpu.memory_space<vmem>>, vector<16xf32>,
    %get3A_1371 = arith.constant 27 : i32
    %get3A_1372 = arith.index_cast %get3A_1371 : i32 to index
    %get3A_1373 = arith.constant 16 : index
    %get3A_1374 = tpu.vector_load %arg5[%get3A_1372, %get3A_1373] {strides = array<i32>} : memref<32x64xi32, #tpu.memory_space<vmem>>, vector<16xi32>,
    %gather3A_1375 = tpu.vector_load_idx %arg6[%get3A_1374] : memref<100000xf32, #tpu.memory_space<vmem>>[vector<16xi32>], vector<16xf32>,
    %swap3A_1376 = arith.constant 27 : i32
    %swap3A_1377 = arith.index_cast %swap3A_1376 : i32 to index
    %swap3A_1378 = arith.constant 16 : index
    %swap3A_1379 = tpu.vector_load %arg7[%swap3A_1377, %swap3A_1378] {strides = array<i32>} : memref<32x64xf32, #tpu.memory_space<vmem>>, vector<16xf32>,
    tpu.vector_store %arg7[%swap3A_1377, %swap3A_1378], %gather3A_1375 {strides = array<i32>} : memref<32x64xf32, #tpu.memory_space<vmem>>, vector<16xf32>,
    %get3A_1380 = arith.constant 27 : i32
    %get3A_1381 = arith.index_cast %get3A_1380 : i32 to index
    %get3A_1382 = arith.constant 32 : index
    %get3A_1383 = tpu.vector_load %arg5[%get3A_1381, %get3A_1382] {strides = array<i32>} : memref<32x64xi32, #tpu.memory_space<vmem>>, vector<16xi32>,
    %gather3A_1384 = tpu.vector_load_idx %arg6[%get3A_1383] : memref<100000xf32, #tpu.memory_space<vmem>>[vector<16xi32>], vector<16xf32>,
    %swap3A_1385 = arith.constant 27 : i32
    %swap3A_1386 = arith.index_cast %swap3A_1385 : i32 to index
    %swap3A_1387 = arith.constant 32 : index
    %swap3A_1388 = tpu.vector_load %arg7[%swap3A_1386, %swap3A_1387] {strides = array<i32>} : memref<32x64xf32, #tpu.memory_space<vmem>>, vector<16xf32>,
    tpu.vector_store %arg7[%swap3A_1386, %swap3A_1387], %gather3A_1384 {strides = array<i32>} : memref<32x64xf32, #tpu.memory_space<vmem>>, vector<16xf32>,
    %get3A_1389 = arith.constant 27 : i32
    %get3A_1390 = arith.index_cast %get3A_1389 : i32 to index
    %get3A_1391 = arith.constant 48 : index
    %get3A_1392 = tpu.vector_load %arg5[%get3A_1390, %get3A_1391] {strides = array<i32>} : memref<32x64xi32, #tpu.memory_space<vmem>>, vector<16xi32>,
    %gather3A_1393 = tpu.vector_load_idx %arg6[%get3A_1392] : memref<100000xf32, #tpu.memory_space<vmem>>[vector<16xi32>], vector<16xf32>,
    %swap3A_1394 = arith.constant 27 : i32
    %swap3A_1395 = arith.index_cast %swap3A_1394 : i32 to index
    %swap3A_1396 = arith.constant 48 : index
    %swap3A_1397 = tpu.vector_load %arg7[%swap3A_1395, %swap3A_1396] {strides = array<i32>} : memref<32x64xf32, #tpu.memory_space<vmem>>, vector<16xf32>,
    tpu.vector_store %arg7[%swap3A_1395, %swap3A_1396], %gather3A_1393 {strides = array<i32>} : memref<32x64xf32, #tpu.memory_space<vmem>>, vector<16xf32>,
    %add3A_1398 = arith.constant 28 : i32
    %add3A_1399 = arith.addi %mul3A_2, %add3A_1398 : i32
    %dma_start3A_1400 = arith.constant 0 : i32
    %dma_start3A_1401 = tpu.memref_slice %arg2[%add3A_1399, %dma_start3A_1400] : memref<1024x100000xf32, #tpu.memory_space<hbm>> -> memref<1x100000xf32, #tpu.memory_space<hbm>>
    %dma_start3A_1402 = tpu.memref_squeeze %dma_start3A_1401 : memref<1x100000xf32, #tpu.memory_space<hbm>> -> memref<100000xf32, #tpu.memory_space<hbm>>
    %dma_start3A_1403 = arith.constant 0 : i32
    %dma_start3A_1404 = tpu.memref_slice %arg2[%add3A_1399, %dma_start3A_1403] : memref<1024x100000xf32, #tpu.memory_space<hbm>> -> memref<1x100000xf32, #tpu.memory_space<hbm>>
    %dma_start3A_1405 = tpu.memref_squeeze %dma_start3A_1404 : memref<1x100000xf32, #tpu.memory_space<hbm>> -> memref<100000xf32, #tpu.memory_space<hbm>>
    tpu.enqueue_dma source(%dma_start3A_1405 : memref<100000xf32, #tpu.memory_space<hbm>>) target(%arg6 : memref<100000xf32, #tpu.memory_space<vmem>>) target_semaphore(%arg8 : memref<!tpu.dma_semaphore, #tpu.memory_space<semaphore_mem>>)
    %dma_wait3A_1406 = arith.constant 0 : i32
    %dma_wait3A_1407 = tpu.memref_slice %arg2[%add3A_1399, %dma_wait3A_1406] : memref<1024x100000xf32, #tpu.memory_space<hbm>> -> memref<1x100000xf32, #tpu.memory_space<hbm>>
    %dma_wait3A_1408 = tpu.memref_squeeze %dma_wait3A_1407 : memref<1x100000xf32, #tpu.memory_space<hbm>> -> memref<100000xf32, #tpu.memory_space<hbm>>
    %dma_wait3A_1409 = arith.constant 0 : i32
    %dma_wait3A_1410 = tpu.memref_slice %arg2[%add3A_1399, %dma_wait3A_1409] : memref<1024x100000xf32, #tpu.memory_space<hbm>> -> memref<1x100000xf32, #tpu.memory_space<hbm>>
    %dma_wait3A_1411 = tpu.memref_squeeze %dma_wait3A_1410 : memref<1x100000xf32, #tpu.memory_space<hbm>> -> memref<100000xf32, #tpu.memory_space<hbm>>
    tpu.wait_dma2 semaphore(%arg8 : memref<!tpu.dma_semaphore, #tpu.memory_space<semaphore_mem>>) src(%dma_wait3A_1411 : memref<100000xf32, #tpu.memory_space<hbm>>) dst(%arg6 : memref<100000xf32, #tpu.memory_space<vmem>>)
    %get3A_1412 = arith.constant 28 : i32
    %get3A_1413 = arith.index_cast %get3A_1412 : i32 to index
    %get3A_1414 = arith.constant 0 : index
    %get3A_1415 = tpu.vector_load %arg5[%get3A_1413, %get3A_1414] {strides = array<i32>} : memref<32x64xi32, #tpu.memory_space<vmem>>, vector<16xi32>,
    %gather3A_1416 = tpu.vector_load_idx %arg6[%get3A_1415] : memref<100000xf32, #tpu.memory_space<vmem>>[vector<16xi32>], vector<16xf32>,
    %swap3A_1417 = arith.constant 28 : i32
    %swap3A_1418 = arith.index_cast %swap3A_1417 : i32 to index
    %swap3A_1419 = arith.constant 0 : index
    %swap3A_1420 = tpu.vector_load %arg7[%swap3A_1418, %swap3A_1419] {strides = array<i32>} : memref<32x64xf32, #tpu.memory_space<vmem>>, vector<16xf32>,
    tpu.vector_store %arg7[%swap3A_1418, %swap3A_1419], %gather3A_1416 {strides = array<i32>} : memref<32x64xf32, #tpu.memory_space<vmem>>, vector<16xf32>,
    %get3A_1421 = arith.constant 28 : i32
    %get3A_1422 = arith.index_cast %get3A_1421 : i32 to index
    %get3A_1423 = arith.constant 16 : index
    %get3A_1424 = tpu.vector_load %arg5[%get3A_1422, %get3A_1423] {strides = array<i32>} : memref<32x64xi32, #tpu.memory_space<vmem>>, vector<16xi32>,
    %gather3A_1425 = tpu.vector_load_idx %arg6[%get3A_1424] : memref<100000xf32, #tpu.memory_space<vmem>>[vector<16xi32>], vector<16xf32>,
    %swap3A_1426 = arith.constant 28 : i32
    %swap3A_1427 = arith.index_cast %swap3A_1426 : i32 to index
    %swap3A_1428 = arith.constant 16 : index
    %swap3A_1429 = tpu.vector_load %arg7[%swap3A_1427, %swap3A_1428] {strides = array<i32>} : memref<32x64xf32, #tpu.memory_space<vmem>>, vector<16xf32>,
    tpu.vector_store %arg7[%swap3A_1427, %swap3A_1428], %gather3A_1425 {strides = array<i32>} : memref<32x64xf32, #tpu.memory_space<vmem>>, vector<16xf32>,
    %get3A_1430 = arith.constant 28 : i32
    %get3A_1431 = arith.index_cast %get3A_1430 : i32 to index
    %get3A_1432 = arith.constant 32 : index
    %get3A_1433 = tpu.vector_load %arg5[%get3A_1431, %get3A_1432] {strides = array<i32>} : memref<32x64xi32, #tpu.memory_space<vmem>>, vector<16xi32>,
    %gather3A_1434 = tpu.vector_load_idx %arg6[%get3A_1433] : memref<100000xf32, #tpu.memory_space<vmem>>[vector<16xi32>], vector<16xf32>,
    %swap3A_1435 = arith.constant 28 : i32
    %swap3A_1436 = arith.index_cast %swap3A_1435 : i32 to index
    %swap3A_1437 = arith.constant 32 : index
    %swap3A_1438 = tpu.vector_load %arg7[%swap3A_1436, %swap3A_1437] {strides = array<i32>} : memref<32x64xf32, #tpu.memory_space<vmem>>, vector<16xf32>,
    tpu.vector_store %arg7[%swap3A_1436, %swap3A_1437], %gather3A_1434 {strides = array<i32>} : memref<32x64xf32, #tpu.memory_space<vmem>>, vector<16xf32>,
    %get3A_1439 = arith.constant 28 : i32
    %get3A_1440 = arith.index_cast %get3A_1439 : i32 to index
    %get3A_1441 = arith.constant 48 : index
    %get3A_1442 = tpu.vector_load %arg5[%get3A_1440, %get3A_1441] {strides = array<i32>} : memref<32x64xi32, #tpu.memory_space<vmem>>, vector<16xi32>,
    %gather3A_1443 = tpu.vector_load_idx %arg6[%get3A_1442] : memref<100000xf32, #tpu.memory_space<vmem>>[vector<16xi32>], vector<16xf32>,
    %swap3A_1444 = arith.constant 28 : i32
    %swap3A_1445 = arith.index_cast %swap3A_1444 : i32 to index
    %swap3A_1446 = arith.constant 48 : index
    %swap3A_1447 = tpu.vector_load %arg7[%swap3A_1445, %swap3A_1446] {strides = array<i32>} : memref<32x64xf32, #tpu.memory_space<vmem>>, vector<16xf32>,
    tpu.vector_store %arg7[%swap3A_1445, %swap3A_1446], %gather3A_1443 {strides = array<i32>} : memref<32x64xf32, #tpu.memory_space<vmem>>, vector<16xf32>,
    %add3A_1448 = arith.constant 29 : i32
    %add3A_1449 = arith.addi %mul3A_2, %add3A_1448 : i32
    %dma_start3A_1450 = arith.constant 0 : i32
    %dma_start3A_1451 = tpu.memref_slice %arg2[%add3A_1449, %dma_start3A_1450] : memref<1024x100000xf32, #tpu.memory_space<hbm>> -> memref<1x100000xf32, #tpu.memory_space<hbm>>
    %dma_start3A_1452 = tpu.memref_squeeze %dma_start3A_1451 : memref<1x100000xf32, #tpu.memory_space<hbm>> -> memref<100000xf32, #tpu.memory_space<hbm>>
    %dma_start3A_1453 = arith.constant 0 : i32
    %dma_start3A_1454 = tpu.memref_slice %arg2[%add3A_1449, %dma_start3A_1453] : memref<1024x100000xf32, #tpu.memory_space<hbm>> -> memref<1x100000xf32, #tpu.memory_space<hbm>>
    %dma_start3A_1455 = tpu.memref_squeeze %dma_start3A_1454 : memref<1x100000xf32, #tpu.memory_space<hbm>> -> memref<100000xf32, #tpu.memory_space<hbm>>
    tpu.enqueue_dma source(%dma_start3A_1455 : memref<100000xf32, #tpu.memory_space<hbm>>) target(%arg6 : memref<100000xf32, #tpu.memory_space<vmem>>) target_semaphore(%arg8 : memref<!tpu.dma_semaphore, #tpu.memory_space<semaphore_mem>>)
    %dma_wait3A_1456 = arith.constant 0 : i32
    %dma_wait3A_1457 = tpu.memref_slice %arg2[%add3A_1449, %dma_wait3A_1456] : memref<1024x100000xf32, #tpu.memory_space<hbm>> -> memref<1x100000xf32, #tpu.memory_space<hbm>>
    %dma_wait3A_1458 = tpu.memref_squeeze %dma_wait3A_1457 : memref<1x100000xf32, #tpu.memory_space<hbm>> -> memref<100000xf32, #tpu.memory_space<hbm>>
    %dma_wait3A_1459 = arith.constant 0 : i32
    %dma_wait3A_1460 = tpu.memref_slice %arg2[%add3A_1449, %dma_wait3A_1459] : memref<1024x100000xf32, #tpu.memory_space<hbm>> -> memref<1x100000xf32, #tpu.memory_space<hbm>>
    %dma_wait3A_1461 = tpu.memref_squeeze %dma_wait3A_1460 : memref<1x100000xf32, #tpu.memory_space<hbm>> -> memref<100000xf32, #tpu.memory_space<hbm>>
    tpu.wait_dma2 semaphore(%arg8 : memref<!tpu.dma_semaphore, #tpu.memory_space<semaphore_mem>>) src(%dma_wait3A_1461 : memref<100000xf32, #tpu.memory_space<hbm>>) dst(%arg6 : memref<100000xf32, #tpu.memory_space<vmem>>)
    %get3A_1462 = arith.constant 29 : i32
    %get3A_1463 = arith.index_cast %get3A_1462 : i32 to index
    %get3A_1464 = arith.constant 0 : index
    %get3A_1465 = tpu.vector_load %arg5[%get3A_1463, %get3A_1464] {strides = array<i32>} : memref<32x64xi32, #tpu.memory_space<vmem>>, vector<16xi32>,
    %gather3A_1466 = tpu.vector_load_idx %arg6[%get3A_1465] : memref<100000xf32, #tpu.memory_space<vmem>>[vector<16xi32>], vector<16xf32>,
    %swap3A_1467 = arith.constant 29 : i32
    %swap3A_1468 = arith.index_cast %swap3A_1467 : i32 to index
    %swap3A_1469 = arith.constant 0 : index
    %swap3A_1470 = tpu.vector_load %arg7[%swap3A_1468, %swap3A_1469] {strides = array<i32>} : memref<32x64xf32, #tpu.memory_space<vmem>>, vector<16xf32>,
    tpu.vector_store %arg7[%swap3A_1468, %swap3A_1469], %gather3A_1466 {strides = array<i32>} : memref<32x64xf32, #tpu.memory_space<vmem>>, vector<16xf32>,
    %get3A_1471 = arith.constant 29 : i32
    %get3A_1472 = arith.index_cast %get3A_1471 : i32 to index
    %get3A_1473 = arith.constant 16 : index
    %get3A_1474 = tpu.vector_load %arg5[%get3A_1472, %get3A_1473] {strides = array<i32>} : memref<32x64xi32, #tpu.memory_space<vmem>>, vector<16xi32>,
    %gather3A_1475 = tpu.vector_load_idx %arg6[%get3A_1474] : memref<100000xf32, #tpu.memory_space<vmem>>[vector<16xi32>], vector<16xf32>,
    %swap3A_1476 = arith.constant 29 : i32
    %swap3A_1477 = arith.index_cast %swap3A_1476 : i32 to index
    %swap3A_1478 = arith.constant 16 : index
    %swap3A_1479 = tpu.vector_load %arg7[%swap3A_1477, %swap3A_1478] {strides = array<i32>} : memref<32x64xf32, #tpu.memory_space<vmem>>, vector<16xf32>,
    tpu.vector_store %arg7[%swap3A_1477, %swap3A_1478], %gather3A_1475 {strides = array<i32>} : memref<32x64xf32, #tpu.memory_space<vmem>>, vector<16xf32>,
    %get3A_1480 = arith.constant 29 : i32
    %get3A_1481 = arith.index_cast %get3A_1480 : i32 to index
    %get3A_1482 = arith.constant 32 : index
    %get3A_1483 = tpu.vector_load %arg5[%get3A_1481, %get3A_1482] {strides = array<i32>} : memref<32x64xi32, #tpu.memory_space<vmem>>, vector<16xi32>,
    %gather3A_1484 = tpu.vector_load_idx %arg6[%get3A_1483] : memref<100000xf32, #tpu.memory_space<vmem>>[vector<16xi32>], vector<16xf32>,
    %swap3A_1485 = arith.constant 29 : i32
    %swap3A_1486 = arith.index_cast %swap3A_1485 : i32 to index
    %swap3A_1487 = arith.constant 32 : index
    %swap3A_1488 = tpu.vector_load %arg7[%swap3A_1486, %swap3A_1487] {strides = array<i32>} : memref<32x64xf32, #tpu.memory_space<vmem>>, vector<16xf32>,
    tpu.vector_store %arg7[%swap3A_1486, %swap3A_1487], %gather3A_1484 {strides = array<i32>} : memref<32x64xf32, #tpu.memory_space<vmem>>, vector<16xf32>,
    %get3A_1489 = arith.constant 29 : i32
    %get3A_1490 = arith.index_cast %get3A_1489 : i32 to index
    %get3A_1491 = arith.constant 48 : index
    %get3A_1492 = tpu.vector_load %arg5[%get3A_1490, %get3A_1491] {strides = array<i32>} : memref<32x64xi32, #tpu.memory_space<vmem>>, vector<16xi32>,
    %gather3A_1493 = tpu.vector_load_idx %arg6[%get3A_1492] : memref<100000xf32, #tpu.memory_space<vmem>>[vector<16xi32>], vector<16xf32>,
    %swap3A_1494 = arith.constant 29 : i32
    %swap3A_1495 = arith.index_cast %swap3A_1494 : i32 to index
    %swap3A_1496 = arith.constant 48 : index
    %swap3A_1497 = tpu.vector_load %arg7[%swap3A_1495, %swap3A_1496] {strides = array<i32>} : memref<32x64xf32, #tpu.memory_space<vmem>>, vector<16xf32>,
    tpu.vector_store %arg7[%swap3A_1495, %swap3A_1496], %gather3A_1493 {strides = array<i32>} : memref<32x64xf32, #tpu.memory_space<vmem>>, vector<16xf32>,
    %add3A_1498 = arith.constant 30 : i32
    %add3A_1499 = arith.addi %mul3A_2, %add3A_1498 : i32
    %dma_start3A_1500 = arith.constant 0 : i32
    %dma_start3A_1501 = tpu.memref_slice %arg2[%add3A_1499, %dma_start3A_1500] : memref<1024x100000xf32, #tpu.memory_space<hbm>> -> memref<1x100000xf32, #tpu.memory_space<hbm>>
    %dma_start3A_1502 = tpu.memref_squeeze %dma_start3A_1501 : memref<1x100000xf32, #tpu.memory_space<hbm>> -> memref<100000xf32, #tpu.memory_space<hbm>>
    %dma_start3A_1503 = arith.constant 0 : i32
    %dma_start3A_1504 = tpu.memref_slice %arg2[%add3A_1499, %dma_start3A_1503] : memref<1024x100000xf32, #tpu.memory_space<hbm>> -> memref<1x100000xf32, #tpu.memory_space<hbm>>
    %dma_start3A_1505 = tpu.memref_squeeze %dma_start3A_1504 : memref<1x100000xf32, #tpu.memory_space<hbm>> -> memref<100000xf32, #tpu.memory_space<hbm>>
    tpu.enqueue_dma source(%dma_start3A_1505 : memref<100000xf32, #tpu.memory_space<hbm>>) target(%arg6 : memref<100000xf32, #tpu.memory_space<vmem>>) target_semaphore(%arg8 : memref<!tpu.dma_semaphore, #tpu.memory_space<semaphore_mem>>)
    %dma_wait3A_1506 = arith.constant 0 : i32
    %dma_wait3A_1507 = tpu.memref_slice %arg2[%add3A_1499, %dma_wait3A_1506] : memref<1024x100000xf32, #tpu.memory_space<hbm>> -> memref<1x100000xf32, #tpu.memory_space<hbm>>
    %dma_wait3A_1508 = tpu.memref_squeeze %dma_wait3A_1507 : memref<1x100000xf32, #tpu.memory_space<hbm>> -> memref<100000xf32, #tpu.memory_space<hbm>>
    %dma_wait3A_1509 = arith.constant 0 : i32
    %dma_wait3A_1510 = tpu.memref_slice %arg2[%add3A_1499, %dma_wait3A_1509] : memref<1024x100000xf32, #tpu.memory_space<hbm>> -> memref<1x100000xf32, #tpu.memory_space<hbm>>
    %dma_wait3A_1511 = tpu.memref_squeeze %dma_wait3A_1510 : memref<1x100000xf32, #tpu.memory_space<hbm>> -> memref<100000xf32, #tpu.memory_space<hbm>>
    tpu.wait_dma2 semaphore(%arg8 : memref<!tpu.dma_semaphore, #tpu.memory_space<semaphore_mem>>) src(%dma_wait3A_1511 : memref<100000xf32, #tpu.memory_space<hbm>>) dst(%arg6 : memref<100000xf32, #tpu.memory_space<vmem>>)
    %get3A_1512 = arith.constant 30 : i32
    %get3A_1513 = arith.index_cast %get3A_1512 : i32 to index
    %get3A_1514 = arith.constant 0 : index
    %get3A_1515 = tpu.vector_load %arg5[%get3A_1513, %get3A_1514] {strides = array<i32>} : memref<32x64xi32, #tpu.memory_space<vmem>>, vector<16xi32>,
    %gather3A_1516 = tpu.vector_load_idx %arg6[%get3A_1515] : memref<100000xf32, #tpu.memory_space<vmem>>[vector<16xi32>], vector<16xf32>,
    %swap3A_1517 = arith.constant 30 : i32
    %swap3A_1518 = arith.index_cast %swap3A_1517 : i32 to index
    %swap3A_1519 = arith.constant 0 : index
    %swap3A_1520 = tpu.vector_load %arg7[%swap3A_1518, %swap3A_1519] {strides = array<i32>} : memref<32x64xf32, #tpu.memory_space<vmem>>, vector<16xf32>,
    tpu.vector_store %arg7[%swap3A_1518, %swap3A_1519], %gather3A_1516 {strides = array<i32>} : memref<32x64xf32, #tpu.memory_space<vmem>>, vector<16xf32>,
    %get3A_1521 = arith.constant 30 : i32
    %get3A_1522 = arith.index_cast %get3A_1521 : i32 to index
    %get3A_1523 = arith.constant 16 : index
    %get3A_1524 = tpu.vector_load %arg5[%get3A_1522, %get3A_1523] {strides = array<i32>} : memref<32x64xi32, #tpu.memory_space<vmem>>, vector<16xi32>,
    %gather3A_1525 = tpu.vector_load_idx %arg6[%get3A_1524] : memref<100000xf32, #tpu.memory_space<vmem>>[vector<16xi32>], vector<16xf32>,
    %swap3A_1526 = arith.constant 30 : i32
    %swap3A_1527 = arith.index_cast %swap3A_1526 : i32 to index
    %swap3A_1528 = arith.constant 16 : index
    %swap3A_1529 = tpu.vector_load %arg7[%swap3A_1527, %swap3A_1528] {strides = array<i32>} : memref<32x64xf32, #tpu.memory_space<vmem>>, vector<16xf32>,
    tpu.vector_store %arg7[%swap3A_1527, %swap3A_1528], %gather3A_1525 {strides = array<i32>} : memref<32x64xf32, #tpu.memory_space<vmem>>, vector<16xf32>,
    %get3A_1530 = arith.constant 30 : i32
    %get3A_1531 = arith.index_cast %get3A_1530 : i32 to index
    %get3A_1532 = arith.constant 32 : index
    %get3A_1533 = tpu.vector_load %arg5[%get3A_1531, %get3A_1532] {strides = array<i32>} : memref<32x64xi32, #tpu.memory_space<vmem>>, vector<16xi32>,
    %gather3A_1534 = tpu.vector_load_idx %arg6[%get3A_1533] : memref<100000xf32, #tpu.memory_space<vmem>>[vector<16xi32>], vector<16xf32>,
    %swap3A_1535 = arith.constant 30 : i32
    %swap3A_1536 = arith.index_cast %swap3A_1535 : i32 to index
    %swap3A_1537 = arith.constant 32 : index
    %swap3A_1538 = tpu.vector_load %arg7[%swap3A_1536, %swap3A_1537] {strides = array<i32>} : memref<32x64xf32, #tpu.memory_space<vmem>>, vector<16xf32>,
    tpu.vector_store %arg7[%swap3A_1536, %swap3A_1537], %gather3A_1534 {strides = array<i32>} : memref<32x64xf32, #tpu.memory_space<vmem>>, vector<16xf32>,
    %get3A_1539 = arith.constant 30 : i32
    %get3A_1540 = arith.index_cast %get3A_1539 : i32 to index
    %get3A_1541 = arith.constant 48 : index
    %get3A_1542 = tpu.vector_load %arg5[%get3A_1540, %get3A_1541] {strides = array<i32>} : memref<32x64xi32, #tpu.memory_space<vmem>>, vector<16xi32>,
    %gather3A_1543 = tpu.vector_load_idx %arg6[%get3A_1542] : memref<100000xf32, #tpu.memory_space<vmem>>[vector<16xi32>], vector<16xf32>,
    %swap3A_1544 = arith.constant 30 : i32
    %swap3A_1545 = arith.index_cast %swap3A_1544 : i32 to index
    %swap3A_1546 = arith.constant 48 : index
    %swap3A_1547 = tpu.vector_load %arg7[%swap3A_1545, %swap3A_1546] {strides = array<i32>} : memref<32x64xf32, #tpu.memory_space<vmem>>, vector<16xf32>,
    tpu.vector_store %arg7[%swap3A_1545, %swap3A_1546], %gather3A_1543 {strides = array<i32>} : memref<32x64xf32, #tpu.memory_space<vmem>>, vector<16xf32>,
    %add3A_1548 = arith.constant 31 : i32
    %add3A_1549 = arith.addi %mul3A_2, %add3A_1548 : i32
    %dma_start3A_1550 = arith.constant 0 : i32
    %dma_start3A_1551 = tpu.memref_slice %arg2[%add3A_1549, %dma_start3A_1550] : memref<1024x100000xf32, #tpu.memory_space<hbm>> -> memref<1x100000xf32, #tpu.memory_space<hbm>>
    %dma_start3A_1552 = tpu.memref_squeeze %dma_start3A_1551 : memref<1x100000xf32, #tpu.memory_space<hbm>> -> memref<100000xf32, #tpu.memory_space<hbm>>
    %dma_start3A_1553 = arith.constant 0 : i32
    %dma_start3A_1554 = tpu.memref_slice %arg2[%add3A_1549, %dma_start3A_1553] : memref<1024x100000xf32, #tpu.memory_space<hbm>> -> memref<1x100000xf32, #tpu.memory_space<hbm>>
    %dma_start3A_1555 = tpu.memref_squeeze %dma_start3A_1554 : memref<1x100000xf32, #tpu.memory_space<hbm>> -> memref<100000xf32, #tpu.memory_space<hbm>>
    tpu.enqueue_dma source(%dma_start3A_1555 : memref<100000xf32, #tpu.memory_space<hbm>>) target(%arg6 : memref<100000xf32, #tpu.memory_space<vmem>>) target_semaphore(%arg8 : memref<!tpu.dma_semaphore, #tpu.memory_space<semaphore_mem>>)
    %dma_wait3A_1556 = arith.constant 0 : i32
    %dma_wait3A_1557 = tpu.memref_slice %arg2[%add3A_1549, %dma_wait3A_1556] : memref<1024x100000xf32, #tpu.memory_space<hbm>> -> memref<1x100000xf32, #tpu.memory_space<hbm>>
    %dma_wait3A_1558 = tpu.memref_squeeze %dma_wait3A_1557 : memref<1x100000xf32, #tpu.memory_space<hbm>> -> memref<100000xf32, #tpu.memory_space<hbm>>
    %dma_wait3A_1559 = arith.constant 0 : i32
    %dma_wait3A_1560 = tpu.memref_slice %arg2[%add3A_1549, %dma_wait3A_1559] : memref<1024x100000xf32, #tpu.memory_space<hbm>> -> memref<1x100000xf32, #tpu.memory_space<hbm>>
    %dma_wait3A_1561 = tpu.memref_squeeze %dma_wait3A_1560 : memref<1x100000xf32, #tpu.memory_space<hbm>> -> memref<100000xf32, #tpu.memory_space<hbm>>
    tpu.wait_dma2 semaphore(%arg8 : memref<!tpu.dma_semaphore, #tpu.memory_space<semaphore_mem>>) src(%dma_wait3A_1561 : memref<100000xf32, #tpu.memory_space<hbm>>) dst(%arg6 : memref<100000xf32, #tpu.memory_space<vmem>>)
    %get3A_1562 = arith.constant 31 : i32
    %get3A_1563 = arith.index_cast %get3A_1562 : i32 to index
    %get3A_1564 = arith.constant 0 : index
    %get3A_1565 = tpu.vector_load %arg5[%get3A_1563, %get3A_1564] {strides = array<i32>} : memref<32x64xi32, #tpu.memory_space<vmem>>, vector<16xi32>,
    %gather3A_1566 = tpu.vector_load_idx %arg6[%get3A_1565] : memref<100000xf32, #tpu.memory_space<vmem>>[vector<16xi32>], vector<16xf32>,
    %swap3A_1567 = arith.constant 31 : i32
    %swap3A_1568 = arith.index_cast %swap3A_1567 : i32 to index
    %swap3A_1569 = arith.constant 0 : index
    %swap3A_1570 = tpu.vector_load %arg7[%swap3A_1568, %swap3A_1569] {strides = array<i32>} : memref<32x64xf32, #tpu.memory_space<vmem>>, vector<16xf32>,
    tpu.vector_store %arg7[%swap3A_1568, %swap3A_1569], %gather3A_1566 {strides = array<i32>} : memref<32x64xf32, #tpu.memory_space<vmem>>, vector<16xf32>,
    %get3A_1571 = arith.constant 31 : i32
    %get3A_1572 = arith.index_cast %get3A_1571 : i32 to index
    %get3A_1573 = arith.constant 16 : index
    %get3A_1574 = tpu.vector_load %arg5[%get3A_1572, %get3A_1573] {strides = array<i32>} : memref<32x64xi32, #tpu.memory_space<vmem>>, vector<16xi32>,
    %gather3A_1575 = tpu.vector_load_idx %arg6[%get3A_1574] : memref<100000xf32, #tpu.memory_space<vmem>>[vector<16xi32>], vector<16xf32>,
    %swap3A_1576 = arith.constant 31 : i32
    %swap3A_1577 = arith.index_cast %swap3A_1576 : i32 to index
    %swap3A_1578 = arith.constant 16 : index
    %swap3A_1579 = tpu.vector_load %arg7[%swap3A_1577, %swap3A_1578] {strides = array<i32>} : memref<32x64xf32, #tpu.memory_space<vmem>>, vector<16xf32>,
    tpu.vector_store %arg7[%swap3A_1577, %swap3A_1578], %gather3A_1575 {strides = array<i32>} : memref<32x64xf32, #tpu.memory_space<vmem>>, vector<16xf32>,
    %get3A_1580 = arith.constant 31 : i32
    %get3A_1581 = arith.index_cast %get3A_1580 : i32 to index
    %get3A_1582 = arith.constant 32 : index
    %get3A_1583 = tpu.vector_load %arg5[%get3A_1581, %get3A_1582] {strides = array<i32>} : memref<32x64xi32, #tpu.memory_space<vmem>>, vector<16xi32>,
    %gather3A_1584 = tpu.vector_load_idx %arg6[%get3A_1583] : memref<100000xf32, #tpu.memory_space<vmem>>[vector<16xi32>], vector<16xf32>,
    %swap3A_1585 = arith.constant 31 : i32
    %swap3A_1586 = arith.index_cast %swap3A_1585 : i32 to index
    %swap3A_1587 = arith.constant 32 : index
    %swap3A_1588 = tpu.vector_load %arg7[%swap3A_1586, %swap3A_1587] {strides = array<i32>} : memref<32x64xf32, #tpu.memory_space<vmem>>, vector<16xf32>,
    tpu.vector_store %arg7[%swap3A_1586, %swap3A_1587], %gather3A_1584 {strides = array<i32>} : memref<32x64xf32, #tpu.memory_space<vmem>>, vector<16xf32>,
    %get3A_1589 = arith.constant 31 : i32
    %get3A_1590 = arith.index_cast %get3A_1589 : i32 to index
    %get3A_1591 = arith.constant 48 : index
    %get3A_1592 = tpu.vector_load %arg5[%get3A_1590, %get3A_1591] {strides = array<i32>} : memref<32x64xi32, #tpu.memory_space<vmem>>, vector<16xi32>,
    %gather3A_1593 = tpu.vector_load_idx %arg6[%get3A_1592] : memref<100000xf32, #tpu.memory_space<vmem>>[vector<16xi32>], vector<16xf32>,
    %swap3A_1594 = arith.constant 31 : i32
    %swap3A_1595 = arith.index_cast %swap3A_1594 : i32 to index
    %swap3A_1596 = arith.constant 48 : index
    %swap3A_1597 = tpu.vector_load %arg7[%swap3A_1595, %swap3A_1596] {strides = array<i32>} : memref<32x64xf32, #tpu.memory_space<vmem>>, vector<16xf32>,
    tpu.vector_store %arg7[%swap3A_1595, %swap3A_1596], %gather3A_1593 {strides = array<i32>} : memref<32x64xf32, #tpu.memory_space<vmem>>, vector<16xf32>,
    "tpu.region"() ({
      %run_scoped3A = tpu.sem_alloc : memref<!tpu.dma_semaphore, #tpu.memory_space<semaphore_mem>>
      %dma_start3A_1598 = arith.constant 0 : i32
      %dma_start3A_1599 = arith.constant 0 : i32
      %dma_start3A_1600 = tpu.memref_slice %arg4[%add3A, %dma_start3A_1598, %dma_start3A_1599] : memref<32x32x64xf32, #tpu.memory_space<hbm>> -> memref<1x32x64xf32, #tpu.memory_space<hbm>>
      %dma_start3A_1601 = tpu.memref_squeeze %dma_start3A_1600 : memref<1x32x64xf32, #tpu.memory_space<hbm>> -> memref<32x64xf32, #tpu.memory_space<hbm>>
      %dma_start3A_1602 = arith.constant 0 : i32
      %dma_start3A_1603 = arith.constant 0 : i32
      %dma_start3A_1604 = tpu.memref_slice %arg4[%add3A, %dma_start3A_1602, %dma_start3A_1603] : memref<32x32x64xf32, #tpu.memory_space<hbm>> -> memref<1x32x64xf32, #tpu.memory_space<hbm>>
      %dma_start3A_1605 = tpu.memref_squeeze %dma_start3A_1604 : memref<1x32x64xf32, #tpu.memory_space<hbm>> -> memref<32x64xf32, #tpu.memory_space<hbm>>
      tpu.enqueue_dma source(%arg7 : memref<32x64xf32, #tpu.memory_space<vmem>>) target(%dma_start3A_1605 : memref<32x64xf32, #tpu.memory_space<hbm>>) target_semaphore(%run_scoped3A : memref<!tpu.dma_semaphore, #tpu.memory_space<semaphore_mem>>)
      %dma_wait3A_1606 = arith.constant 0 : i32
      %dma_wait3A_1607 = arith.constant 0 : i32
      %dma_wait3A_1608 = tpu.memref_slice %arg4[%add3A, %dma_wait3A_1606, %dma_wait3A_1607] : memref<32x32x64xf32, #tpu.memory_space<hbm>> -> memref<1x32x64xf32, #tpu.memory_space<hbm>>
      %dma_wait3A_1609 = tpu.memref_squeeze %dma_wait3A_1608 : memref<1x32x64xf32, #tpu.memory_space<hbm>> -> memref<32x64xf32, #tpu.memory_space<hbm>>
      %dma_wait3A_1610 = arith.constant 0 : i32
      %dma_wait3A_1611 = arith.constant 0 : i32
      %dma_wait3A_1612 = tpu.memref_slice %arg4[%add3A, %dma_wait3A_1610, %dma_wait3A_1611] : memref<32x32x64xf32, #tpu.memory_space<hbm>> -> memref<1x32x64xf32, #tpu.memory_space<hbm>>
      %dma_wait3A_1613 = tpu.memref_squeeze %dma_wait3A_1612 : memref<1x32x64xf32, #tpu.memory_space<hbm>> -> memref<32x64xf32, #tpu.memory_space<hbm>>
      tpu.wait_dma2 semaphore(%run_scoped3A : memref<!tpu.dma_semaphore, #tpu.memory_space<semaphore_mem>>) src(%arg7 : memref<32x64xf32, #tpu.memory_space<vmem>>) dst(%dma_wait3A_1613 : memref<32x64xf32, #tpu.memory_space<hbm>>)
      tpu.yield
    }) : () -> ()
    return
  }
}

module attributes {stable_mosaic.version = 14 : i64} {
  func.func @_lse_body(%arg0: i32, %arg1: memref<32x100000xf32, #tpu.memory_space<vmem>>, %arg2: memref<32x1xf32, #tpu.memory_space<vmem>>) attributes {dimension_semantics = [#tpu.dimension_semantics<arbitrary>], iteration_bounds = array<i64: 32>, scalar_prefetch = 0 : i64, scratch_operands = 0 : i64, tpu.core_type = #tpu.core_type<tc>, window_params = [{transform_indices = @transform_0, window_bounds = array<i64: 32, 100000>}, {transform_indices = @transform_1, window_bounds = array<i64: 32, 1>}]} {
    %get3A = arith.constant 0 : index
    %get3A_0 = arith.constant 0 : index
    %get3A_1 = vector.load %arg1[%get3A, %get3A_0] : memref<32x100000xf32, #tpu.memory_space<vmem>>, vector<32x100000xf32>
    %reduce_max3A = arith.constant dense<0xFF800000> : vector<32xf32>
    %reduce_max3A_2 = vector.multi_reduction <maximumf>, %get3A_1, %reduce_max3A [1] : vector<32x100000xf32> to vector<32xf32>
    %broadcast_in_dim3A = vector.shape_cast %reduce_max3A_2 : vector<32xf32> to vector<32x1xf32>
    %max3A = arith.constant 0.000000e+00 : f32
    %max3A_3 = vector.broadcast %max3A : f32 to vector<32x1xf32>
    %max3A_4 = arith.maximumf %broadcast_in_dim3A, %max3A_3 : vector<32x1xf32>
    %sub3A = vector.broadcast %max3A_4 : vector<32x1xf32> to vector<32x100000xf32>
    %sub3A_5 = arith.subf %get3A_1, %sub3A : vector<32x100000xf32>
    %exp3A = math.exp %sub3A_5 : vector<32x100000xf32>
    %reduce_sum3A = arith.constant dense<0.000000e+00> : vector<32xf32>
    %reduce_sum3A_6 = vector.multi_reduction <add>, %exp3A, %reduce_sum3A [1] : vector<32x100000xf32> to vector<32xf32>
    %broadcast_in_dim3A_7 = vector.shape_cast %reduce_sum3A_6 : vector<32xf32> to vector<32x1xf32>
    %neg3A = arith.constant 0.000000e+00 : f32
    %neg3A_8 = vector.broadcast %neg3A : f32 to vector<32x1xf32>
    %neg3A_9 = arith.subf %neg3A_8, %max3A_4 : vector<32x1xf32>
    %exp3A_10 = math.exp %neg3A_9 : vector<32x1xf32>
    %add3A = arith.addf %broadcast_in_dim3A_7, %exp3A_10 : vector<32x1xf32>
    %log3A = math.log %add3A : vector<32x1xf32>
    %add3A_11 = arith.addf %max3A_4, %log3A : vector<32x1xf32>
    %swap3A = arith.constant 0 : index
    %swap3A_12 = arith.constant 0 : index
    %swap3A_13 = vector.load %arg2[%swap3A, %swap3A_12] : memref<32x1xf32, #tpu.memory_space<vmem>>, vector<32x1xf32>
    tpu.vector_store %arg2[%swap3A, %swap3A_12], %add3A_11 {strides = array<i32>} : memref<32x1xf32, #tpu.memory_space<vmem>>, vector<32x1xf32>,
    return
  }
  func.func @transform_0(%arg0: i32) -> (i32, i32) {
    %c0_i32 = arith.constant 0 : i32
    %c0_i32_0 = arith.constant 0 : i32
    return %arg0, %c0_i32 : i32, i32
  }
  func.func @transform_1(%arg0: i32) -> (i32, i32) {
    %c0_i32 = arith.constant 0 : i32
    %c0_i32_0 = arith.constant 0 : i32
    return %arg0, %c0_i32 : i32, i32
  }
}

module attributes {stable_mosaic.version = 14 : i64} {
  func.func @_combine_body(%arg0: memref<1024x1xf32, #tpu.memory_space<vmem>>, %arg1: memref<1024x64xf32, #tpu.memory_space<vmem>>, %arg2: memref<1024x1xf32, #tpu.memory_space<vmem>>) attributes {dimension_semantics = [], scalar_prefetch = 0 : i64, scratch_operands = 0 : i64, tpu.core_type = #tpu.core_type<tc>} {
    %get3A = arith.constant 0 : index
    %get3A_0 = arith.constant 0 : index
    %get3A_1 = vector.load %arg0[%get3A, %get3A_0] : memref<1024x1xf32, #tpu.memory_space<vmem>>, vector<1024x1xf32>
    %get3A_2 = arith.constant 0 : index
    %get3A_3 = arith.constant 0 : index
    %get3A_4 = vector.load %arg1[%get3A_2, %get3A_3] : memref<1024x64xf32, #tpu.memory_space<vmem>>, vector<1024x50xf32>
    %neg3A = arith.constant 0.000000e+00 : f32
    %neg3A_5 = vector.broadcast %neg3A : f32 to vector<1024x50xf32>
    %neg3A_6 = arith.subf %neg3A_5, %get3A_4 : vector<1024x50xf32>
    %reduce_max3A = arith.constant dense<0xFF800000> : vector<1024xf32>
    %reduce_max3A_7 = vector.multi_reduction <maximumf>, %neg3A_6, %reduce_max3A [1] : vector<1024x50xf32> to vector<1024xf32>
    %broadcast_in_dim3A = vector.shape_cast %reduce_max3A_7 : vector<1024xf32> to vector<1024x1xf32>
    %max3A = arith.constant 0.000000e+00 : f32
    %max3A_8 = vector.broadcast %max3A : f32 to vector<1024x1xf32>
    %max3A_9 = arith.maximumf %broadcast_in_dim3A, %max3A_8 : vector<1024x1xf32>
    %neg3A_10 = arith.constant 0.000000e+00 : f32
    %neg3A_11 = vector.broadcast %neg3A_10 : f32 to vector<1024x50xf32>
    %neg3A_12 = arith.subf %neg3A_11, %get3A_4 : vector<1024x50xf32>
    %sub3A = vector.broadcast %max3A_9 : vector<1024x1xf32> to vector<1024x50xf32>
    %sub3A_13 = arith.subf %neg3A_12, %sub3A : vector<1024x50xf32>
    %exp3A = math.exp %sub3A_13 : vector<1024x50xf32>
    %reduce_sum3A = arith.constant dense<0.000000e+00> : vector<1024xf32>
    %reduce_sum3A_14 = vector.multi_reduction <add>, %exp3A, %reduce_sum3A [1] : vector<1024x50xf32> to vector<1024xf32>
    %broadcast_in_dim3A_15 = vector.shape_cast %reduce_sum3A_14 : vector<1024xf32> to vector<1024x1xf32>
    %neg3A_16 = arith.constant 0.000000e+00 : f32
    %neg3A_17 = vector.broadcast %neg3A_16 : f32 to vector<1024x1xf32>
    %neg3A_18 = arith.subf %neg3A_17, %max3A_9 : vector<1024x1xf32>
    %exp3A_19 = math.exp %neg3A_18 : vector<1024x1xf32>
    %add3A = arith.addf %broadcast_in_dim3A_15, %exp3A_19 : vector<1024x1xf32>
    %log3A = math.log %add3A : vector<1024x1xf32>
    %add3A_20 = arith.addf %max3A_9, %log3A : vector<1024x1xf32>
    %reduce_max3A_21 = arith.constant dense<0xFF800000> : vector<1024xf32>
    %reduce_max3A_22 = vector.multi_reduction <maximumf>, %get3A_4, %reduce_max3A_21 [1] : vector<1024x50xf32> to vector<1024xf32>
    %broadcast_in_dim3A_23 = vector.shape_cast %reduce_max3A_22 : vector<1024xf32> to vector<1024x1xf32>
    %sub3A_24 = vector.broadcast %broadcast_in_dim3A_23 : vector<1024x1xf32> to vector<1024x50xf32>
    %sub3A_25 = arith.subf %get3A_4, %sub3A_24 : vector<1024x50xf32>
    %exp3A_26 = math.exp %sub3A_25 : vector<1024x50xf32>
    %reduce_sum3A_27 = arith.constant dense<0.000000e+00> : vector<1024xf32>
    %reduce_sum3A_28 = vector.multi_reduction <add>, %exp3A_26, %reduce_sum3A_27 [1] : vector<1024x50xf32> to vector<1024xf32>
    %broadcast_in_dim3A_29 = vector.shape_cast %reduce_sum3A_28 : vector<1024xf32> to vector<1024x1xf32>
    %log3A_30 = math.log %broadcast_in_dim3A_29 : vector<1024x1xf32>
    %add3A_31 = arith.addf %broadcast_in_dim3A_23, %log3A_30 : vector<1024x1xf32>
    %sub3A_32 = arith.subf %add3A_31, %get3A_1 : vector<1024x1xf32>
    %exp3A_33 = math.exp %sub3A_32 : vector<1024x1xf32>
    %sub3A_34 = arith.constant 1.000000e+00 : f32
    %sub3A_35 = vector.broadcast %sub3A_34 : f32 to vector<1024x1xf32>
    %sub3A_36 = arith.subf %sub3A_35, %exp3A_33 : vector<1024x1xf32>
    %jit3A = arith.constant 1.000000e-07 : f32
    %jit3A_37 = arith.constant 1.000000e+00 : f32
    %max3A_38 = vector.broadcast %jit3A : f32 to vector<1024x1xf32>
    %max3A_39 = arith.maximumf %max3A_38, %sub3A_36 : vector<1024x1xf32>
    %min3A = vector.broadcast %jit3A_37 : f32 to vector<1024x1xf32>
    %min3A_40 = arith.minimumf %min3A, %max3A_39 : vector<1024x1xf32>
    %add3A_41 = arith.addf %add3A_20, %get3A_1 : vector<1024x1xf32>
    %log3A_42 = math.log %min3A_40 : vector<1024x1xf32>
    %add3A_43 = arith.addf %add3A_41, %log3A_42 : vector<1024x1xf32>
    %swap3A = arith.constant 0 : index
    %swap3A_44 = arith.constant 0 : index
    %swap3A_45 = vector.load %arg2[%swap3A, %swap3A_44] : memref<1024x1xf32, #tpu.memory_space<vmem>>, vector<1024x1xf32>
    tpu.vector_store %arg2[%swap3A, %swap3A_44], %add3A_43 {strides = array<i32>} : memref<1024x1xf32, #tpu.memory_space<vmem>>, vector<1024x1xf32>,
    return
  }
}

</mosaic_0001>

<sc_bundles>
// kernel: kernel.5.cloned.1.call-start
scs
__scs_entry_jumppad:
0x0: {  	(pc) =	sbr.rel $0x88, $3  }
0x1: {  	(tag) =	ssettag $0x0;
	lr =	simm.s32 $0x1  }
0x2: {  	[smem:$0x3F9F] =	sst lr;
	_ =	strace $0xD0000000  }
0x3: {  	_ = 	snop  }
0x4: {  	_ = 	snop  }
0x5: {  	_ = 	snop  }
0x6: {  	_ = 	snop  }
0x7: {  	_ = 	snop  }
__scs_overlays_trampoline_lowered:
0x8: {  	[smem:$0x3FAE] =	sst s0  }
0x9: {  	[smem:$0x3FAF] =	sst s1  }
0xa: {  	[smem:$0x3FB0] =	sst s2  }
0xb: {  	[smem:$0x3FB1] =	sst s3  }
0xc: {  	[smem:$0x3FB2] =	sst s4  }
0xd: {  	[smem:$0x3FB3] =	sst s5  }
0xe: {  	[smem:$0x3FB4] =	sst s6  }
0xf: {  	[smem:$0x3FB5] =	sst s7  }
0x10: {  	[smem:$0x3FB6] =	sst s8  }
0x11: {  	[smem:$0x3FB7] =	sst s9;
	s0 =	simm.s32 @!p0 $0x0  }
0x12: {  	s1 =	sld [smem:$0x3F9D];
	s0 =	simm.s32 @p0 $0x1  }
0x13: {  	[smem:$0x3FB8] =	sst s0;
	s0 =	simm.s32 @!p1 $0x0  }
0x14: {  	s2 =	sld [smem:$0x3F9C];
	s0 =	simm.s32 @p1 $0x1  }
0x15: {  	[smem:$0x3FB9] =	sst s0;
	s0 =	simm.s32 @!p2 $0x0  }
0x16: {  	s3 =	sld [smem:$0x3FDB];
	s0 =	simm.s32 @p2 $0x1  }
0x17: {  	s4 =	simm.s32 $0x1BF5;
	[smem:$0x3FBB] =	sst s0  }
0x18: {  	s0 =	sld [smem:$0x3F9E];
	_ =	swait.ge [sflag:s4], $0x0  }
0x19: {  	s7 =	sld [smem:$0x3F9F]  }
0x1a: {  	s8 =	sadd.s32 $0xFFFFE003, lr  }
0x1b: {  	s9 =	sadd.s32 $0xFFFFFEF7, lr;
	s5 =	simm.s32 $0xFFFFFFFF;
	p2 =	slt.u32 s8, $0xFFFFF086  }
0x1c: {  	p1 =	slt.u32 s9, $0xF7A;
	s5 =	simm.s32 @!p2 $0x0  }
0x1d: {  	s5 =	simm.s32 @p1 $0x1;
	p0 =	seq.s32 s7, s2  }
0x1e: {  	s7 =	smul.u32 @!p0 $0xF7A, s2;
	p2 =	seq.s32 @!p0 s5, $0x0  }
0x1f: {  	s9 =	smul.u32 $0xF7A, s1;
	s8 =	simm.s32 @!p0 $0x1BF5;
	p2 =	por !p2, p0  }
0x20: {  	[sflag:s8] =	ssyncset.s32 @!p0 $0xFFFFF086;
	s6 =	sadd.s32 @!p0 s3, s7;
	s7 =	simm.s32 @!p0 $0x108  }
0x21: {  	s3 =	sadd.s32 s3, s9;
	s6 =	sadd.s32 @!p0 $0x88, s6;
	s7 =	simm.s32 @p2 $0x1082  }
0x22: {  	[simem:s7], [sflag:s8] =	dma.local @!p0 [hbm:s6], $0xF7A  }
0x23: {  	s9 =	sor.u32 $0xD0000000, s2;
	s6 =	simm.s32 $0x108;
	_ =	swait.ge @!p0 [sflag:s8], $0x0  }
0x24: {  	s3 =	sadd.s32 $0x88, s3;
	s6 =	simm.s32 @!p1 $0x1082;
	[sflag:s4] =	ssyncset.s32 $0xFFFFF086  }
0x25: {  	[simem:s6], [sflag:s4] =	dma.local [hbm:s3], $0xF7A  }
0x26: {  	[smem:$0x3F9F] =	sst s1;
	(tag) =	ssettag s2;
	_ =	strace s9  }
0x27: {  	s1 =	sld [smem:$0x3FAF]  }
0x28: {  	s2 =	sld [smem:$0x3FB0]  }
0x29: {  	s4 =	sld [smem:$0x3FB2]  }
0x2a: {  	p0 =	seq.s32 s5, $0x0;
	s5 =	sld [smem:$0x3FB3]  }
0x2b: {  	s6 =	sld [smem:$0x3FB4]  }
0x2c: {  	s7 =	sld [smem:$0x3FB5]  }
0x2d: {  	s3 =	simm.s32 $0x108;
	s8 =	sld [smem:$0x3FB6]  }
0x2e: {  	s3 =	simm.s32 @!p0 $0x1082;
	s9 =	sld [smem:$0x3FB7]  }
0x2f: {  	lr =	sadd.s32 s0, s3;
	s0 =	sld [smem:$0x3FAE]  }
0x30: {  	s3 =	sld [smem:$0x3FB1]  }
0x31: {  	[smem:$0x3FBA] =	sst s10  }
0x32: {  	s10 =	sld [smem:$0x3FB8];
	_ =	sdelay $0x3  }
0x33: {  	p0 =	seq.s32 s10, $0x1;
	s10 =	sld [smem:$0x3FBA];
	_ =	sdelay $0x3  }
0x34: {  	[smem:$0x3FBA] =	sst s10  }
0x35: {  	s10 =	sld [smem:$0x3FB9];
	_ =	sdelay $0x3  }
0x36: {  	p1 =	seq.s32 s10, $0x1;
	s10 =	sld [smem:$0x3FBA];
	_ =	sdelay $0x3  }
0x37: {  	[smem:$0x3FBA] =	sst s10  }
0x38: {  	s10 =	sld [smem:$0x3FBB]  }
0x39: {  	_ = 	snop;
	(pc) =	sbr.ind lr, $3  }
0x3a: {  	_ = 	snop  }
0x3b: {  	_ = 	snop  }
0x3c: {  	p2 =	seq.s32 s10, $0x1;
	s10 =	sld [smem:$0x3FBA]  }
0x3d: {  	_ =	shalt  }
0x3e: {  	_ =	shalt  }
0x3f: {  	_ =	shalt  }
0x40: {  	_ =	shalt  }
0x41: {  	_ =	shalt  }
0x42: {  	_ =	shalt  }
0x43: {  	_ =	shalt  }
0x44: {  	_ =	shalt  }
0x45: {  	_ =	shalt  }
0x46: {  	_ =	shalt  }
0x47: {  	_ =	shalt  }
0x48: {  	_ =	shalt  }
0x49: {  	_ =	shalt  }
0x4a: {  	_ =	shalt  }
0x4b: {  	_ =	shalt  }
0x4c: {  	_ =	shalt  }
0x4d: {  	_ =	shalt  }
0x4e: {  	_ =	shalt  }
0x4f: {  	_ =	shalt  }
0x50: {  	_ =	shalt  }
0x51: {  	_ =	shalt  }
0x52: {  	_ =	shalt  }
0x53: {  	_ =	shalt  }
0x54: {  	_ =	shalt  }
0x55: {  	_ =	shalt  }
0x56: {  	_ =	shalt  }
0x57: {  	_ =	shalt  }
0x58: {  	_ =	shalt  }
0x59: {  	_ =	shalt  }
0x5a: {  	_ =	shalt  }
0x5b: {  	_ =	shalt  }
0x5c: {  	_ =	shalt  }
0x5d: {  	_ =	shalt  }
0x5e: {  	_ =	shalt  }
0x5f: {  	_ =	shalt  }
0x60: {  	_ =	shalt  }
0x61: {  	_ =	shalt  }
0x62: {  	_ =	shalt  }
0x63: {  	_ =	shalt  }
0x64: {  	_ =	shalt  }
0x65: {  	_ =	shalt  }
0x66: {  	_ =	shalt  }
0x67: {  	_ =	shalt  }
0x68: {  	_ =	shalt  }
0x69: {  	_ =	shalt  }
0x6a: {  	_ =	shalt  }
0x6b: {  	_ =	shalt  }
0x6c: {  	_ =	shalt  }
0x6d: {  	_ =	shalt  }
0x6e: {  	_ =	shalt  }
0x6f: {  	_ =	shalt  }
0x70: {  	_ =	shalt  }
0x71: {  	_ =	shalt  }
0x72: {  	_ =	shalt  }
0x73: {  	_ =	shalt  }
0x74: {  	_ =	shalt  }
0x75: {  	_ =	shalt  }
0x76: {  	_ =	shalt  }
0x77: {  	_ =	shalt  }
0x78: {  	_ =	shalt  }
0x79: {  	_ =	shalt  }
0x7a: {  	_ =	shalt  }
0x7b: {  	_ =	shalt  }
0x7c: {  	_ =	shalt  }
0x7d: {  	_ =	shalt  }
0x7e: {  	_ =	shalt  }
0x7f: {  	_ =	shalt  }
0x80: {  	_ =	shalt  }
0x81: {  	_ =	shalt  }
0x82: {  	_ =	shalt  }
0x83: {  	_ =	shalt  }
0x84: {  	_ =	shalt  }
0x85: {  	_ =	shalt  }
0x86: {  	_ =	shalt  }
0x87: {  	_ =	shalt  }
.Lfunc_end0:
.L_simem_size_0:
called_computation_lowered:
.L_overlay_start_0:
0x88: {  	s2 =	sld [smem:$0x3FD9]  }
0x89: {  	s3 =	sld [smem:$0x3FFE];
	_ =	sdelay $0x1  }
0x8a: {  	s1 =	srdreg.scid  }
0x8b: {  	s0 =	sand.u32 $0x1, s1  }
0x8c: {  	s16 =	sshll.u32 s0, $0xA;
	s2 =	sadd.s32 s3, s2  }
0x8d: {  	s2 =	sadd.s32 s2, s16  }
0x8e: {  	[smem:$0x3FC6] =	sst s2  }
0x8f: {  	_ = 	snop  }
0x90: {  	(tm) =	ssettm $0x1  }
0x91: {  	s17 =	sld [smem:$0x3FFB];
	_ =	sdelay $0x3  }
0x92: {  	_ =	strace s17  }
0x93: {  	s2 =	sld [smem:$0x3FFC];
	_ =	sdelay $0x3  }
0x94: {  	_ =	strace s2  }
0x95: {  	s2 =	sld [smem:$0x3FFD];
	_ =	sdelay $0x3  }
0x96: {  	_ =	strace s2  }
0x97: {  	_ =	strace $0x8FFFFFFF  }
0x98: {  	s18 =	sld [smem:$0x3FDB];
	_ =	sdelay $0x1  }
0x99: {  	s19 =	simm.s32 $_scs_section_size  }
0x9a: {  	s4 =	simm.s32 $_size__tile_overlayer_lowered;
	s5 =	simm.s32 $_tile_overlayer_lowered  }
0x9b: {  	s22 =	simm.s32 $0x1BFF;
	s21 =	sshll.u32 s5, $0x1;
	s2 =	sadd.s32 s19, s18  }
0x9c: {  	s6 =	simm.s32 $0x0;
	s20 =	sshll.u32 s4, $0x1;
	s4 =	sadd.s32 s21, s2  }
0x9d: {  	[timem:s6], [sflag:s22] =	dma.local [hbm:s4], s20  }
0x9e: {  	_ =	swait.ge [sflag:s22], s20  }
0x9f: {  	s3 =	ssub.s32 $0x0, s20;
	[sflag:s22] =	ssyncset.done $0x0  }
0xa0: {  	[sflag:s22] =	ssyncadd.s32 s3;
	_ =	sdelay $0x1  }
0xa1: {  	s23 =	simm.s32 $0x1B8B  }
0xa2: {  	_ =	swait.ge [sflag:s23], $0x1  }
0xa3: {  	[sflag:s23] =	ssyncset.done $0x0  }
0xa4: {  	s25 =	simm.s32 $0x1B8E;
	s24 =	sld [smem:$0x3FFE];
	[sflag:s23] =	ssyncadd.s32 $0xFFFFFFFF  }
0xa5: {  	s26 =	simm.s32 $execute0_lowered;
	[smem:$0x3FD2] =	sst s25  }
0xa6: {  	s4 =	sshll.u32 s26, $0x1;
	_ =	strace $0x80000046;
	[dreg:$0x1] =	wrdreg $0xFFFFFFFF  }
0xa7: {  	s28 =	simm.s32 $_size_execute0_lowered;
	s2 =	sadd.s32 s2, s4;
	[dreg:$0x0] =	wrdreg $0x0  }
0xa8: {  	s4 =	sshll.u32 s28, $0x1;
	[dreg:$0x2] =	wrdreg s2  }
0xa9: {  	[dreg:$0x3] =	wrdreg s4  }
0xaa: {  	[dreg:$0x4] =	wrdreg $0xC0  }
0xab: {  	_ =	task [dreg:s6], $0x5FFFF  }
0xac: {  	[dreg:$0x1] =	wrdreg $0xFFFFFFFF  }
0xad: {  	[dreg:$0x0] =	wrdreg $0x60  }
0xae: {  	[dreg:$0x2] =	wrdreg s24  }
0xaf: {  	[dreg:$0x3] =	wrdreg $0x9  }
0xb0: {  	_ =	task.clear_ibuf [dreg:s6], $0x4FFFF;
	_ =	strace $0x90000046  }
0xb1: {  	s29 =	simm.s32 $0x9;
	_ =	strace $0x80000048  }
0xb2: {  	_ =	swait.ge [sflag:s29], $0x1  }
0xb3: {  	[sflag:s29] =	ssyncadd.s32 $0xFFFFFFFF  }
0xb4: {  	_ =	strace $0x90000048  }
0xb5: {  	_ =	sfence  }
0xb6: {  	s30 =	sld [smem:$0x0];
	_ =	sdelay $0x2  }
0xb7: {  	s31 =	sshll.u32 s1, $0xD;
	s1 =	sshrl.u32 s1, $0x2  }
0xb8: {  	s3 =	sand.u32 $0x4000, s31;
	s1 =	sadd.s32 s1, s30  }
0xb9: {  	s0 =	sor.u32 s3, s0;
	s1 =	sshll.u32 s1, $0x11  }
0xba: {  	s0 =	sor.u32 s1, s0  }
0xbb: {  	s0 =	sadd.s32 $0x8F2B, s0  }
0xbc: {  	[sflag:s0] =	ssyncadd.remote.s32 $0x1  }
0xbd: {  	_ =	sfence.sel $0xFFFF  }
0xbe: {  	[dreg:$0x0] =	wrdreg $0xFFFFFFFF;
	(pc) =	sbr.abs _section_cstart, $3  }
0xbf: {  	[dreg:$0x1] =	wrdreg $0xFFFFFFFF  }
0xc0: {  	_ =	task.clear_ibuf [dreg:s6], $0x2FFFF;
	_ =	strace $0x9FFFFFFF  }
0xc1: {  	(tm) =	ssettm $0x7FFFFFFF  }
tec
execute0_lowered:
.L_overlay_start_1:
0x0: {  	(tag) =	ssettag $0x1  }
0x1: {  	s1 =	srdreg.scid  }
0x2: {  	s0 =	stileid.u32;
	s3 =	rddreg [dreg:$0x0]  }
0x3: {  	s28 =	simm.s32 $0x80;
	s29 =	simm.s32 $0x400;
	s30 =	simm.s32 $0x1000  }
0x4: {  	s31 =	simm.s32 $0x1;
	s1 =	sand.u32 $0x1, s1;
	s2 =	sshll.u32 s0, $0x1  }
0x5: {  	s7 =	sadd.s32 $0x400, s3;
	s4 =	sor.u32 s1, s2;
	s2 =	simm.s32 $0x0  }
0x6: {  	s1 =	ssub.s32 $0x2, s1;
	s5 =	sshll.u32 s4, $0x9;
	s6 =	smul.u32 $0x61C00, s4  }
0x7: {  	[smem:$0x7FF] =	sst s2;
	s4 =	smul.u32 $0x30E000, s4;
	s24 =	sadd.s32 s5, s3  }
0x8: {  	s25 =	sshrl.u32 s1, $0x1;
	s5 =	sadd.s32 $0xC38400, s24;
	s3 =	sadd.s32 s7, s6  }
0x9: {  	_ =	strace $0x80000047;
	[dreg:$0x2] =	wrdreg s5;
	s14 =	sadd.s32 $0x10, s3  }
0xa: {  	s1 =	ssub.s32 s1, s25;
	s15 =	sadd.s32 $0x20, s3;
	[dreg:$0x3] =	wrdreg s14  }
0xb: {  	s4 =	sshrl.u32 s4, $0x3;
	s16 =	sadd.s32 $0x30, s3;
	[dreg:$0x4] =	wrdreg s15  }
0xc: {  	s24 =	sadd.s32 $0xC3C400, s24;
	s17 =	sadd.s32 $0x40, s3;
	[dreg:$0x5] =	wrdreg s16  }
0xd: {  	s25 =	smax.u32 s1, $0x1;
	s18 =	sadd.s32 $0x50, s3;
	[dreg:$0x6] =	wrdreg s17  }
0xe: {  	s1 =	simm.s32 $0x19700;
	s19 =	sadd.s32 $0x60, s3;
	[dreg:$0x7] =	wrdreg s18  }
0xf: {  	s20 =	sadd.s32 $0x70, s3;
	s23 =	sadd.s32 s7, s4;
	[dreg:$0x8] =	wrdreg s19  }
0x10: {  	[dreg:$0x9] =	wrdreg s20;
	s4 =	sadd.s32 $0x18700, s23;
	s21 =	sadd.s32 $0x18710, s23  }
0x11: {  	s22 =	sadd.s32 $0x18720, s23;
	s26 =	sadd.s32 $0x18730, s23;
	s5 =	sadd.s32 $0x18750, s23  }
0x12: {  	s6 =	sadd.s32 $0x18760, s23;
	s7 =	sadd.s32 $0x18770, s23;
	s8 =	sadd.s32 $0x30E00, s23  }
0x13: {  	s9 =	sadd.s32 $0x30E10, s23;
	s10 =	sadd.s32 $0x30E20, s23;
	s11 =	sadd.s32 $0x30E30, s23  }
0x14: {  	s12 =	sadd.s32 $0x30E40, s23;
	s13 =	sadd.s32 $0x30E50, s23;
	s14 =	sadd.s32 $0x30E60, s23  }
0x15: {  	s15 =	sadd.s32 $0x30E70, s23;
	s16 =	sadd.s32 $0x49500, s23;
	[dreg:$0xa] =	wrdreg s4  }
0x16: {  	s17 =	sadd.s32 $0x49510, s23;
	s18 =	sadd.s32 $0x49520, s23;
	[dreg:$0xb] =	wrdreg s21  }
0x17: {  	s19 =	sadd.s32 $0x49530, s23;
	s20 =	sadd.s32 $0x49540, s23;
	[dreg:$0xc] =	wrdreg s22  }
0x18: {  	[dreg:$0xd] =	wrdreg s26;
	s4 =	sadd.s32 $0x18740, s23;
	s21 =	sadd.s32 $0x49550, s23  }
0x19: {  	s22 =	sadd.s32 $0x49560, s23;
	s23 =	sadd.s32 $0x49570, s23;
	s26 =	simm.s32 $0x2  }
.LBB2_1:
0x1a: {  	s0 =	rddreg [dreg:$0x2]  }
0x1b: {  	[tilespmem:s2], [sflag:$0x2] =	stream.linear.gather [hbm4b:s0+s2], $0x1000, $0x38;
	[tilespmem:$0x1A700] =	vst v63  }
0x1c: {  	_ =	swait.ge [sflag:s26], $0x1000  }
0x1d: {  	[sflag:s26] =	ssyncset.done $0x0  }
0x1e: {  	[sflag:s26] =	ssyncadd.s32 $0xFFFFF000  }
0x1f: {  	[tilespmem:s30], [sflag:$0x1] =	stream.strided.gather [hbm4b:s3+s28], $0x18700, s29, s28, $0x38;
	[tilespmem:$0x1A700] =	vst v63  }
0x20: {  	_ =	swait.ge [sflag:s31], $0x18700  }
0x21: {  	[sflag:s31] =	ssyncset.done $0x0  }
0x22: {  	[sflag:s31] =	ssyncadd.s32 $0xFFFE7900  }
0x23: {  	v0 =	vld [tilespmem:$0x0];
	_ =	sdelay $0x5  }
0x24: {  	v1 =	vld [tilespmem:$0x10];
	_ =	sdelay $0x1  }
0x25: {  	v0 =	vld.idx.msk [tilespmem:v0+s30+$0x0], $0xffff;
	_ =	sdelay $0x3  }
0x26: {  	v2 =	vld [tilespmem:$0x20]  }
0x27: {  	[tilespmem:$0x19700] =	vst v0  }
0x28: {  	v0 =	vld.idx.msk [tilespmem:v1+s30+$0x0], $0xffff;
	_ =	sdelay $0x3  }
0x29: {  	v59 =	vld [tilespmem:$0x30]  }
0x2a: {  	[tilespmem:$0x19710] =	vst v0  }
0x2b: {  	v0 =	vld.idx.msk [tilespmem:v2+s30+$0x0], $0xffff;
	_ =	sdelay $0x4  }
0x2c: {  	[tilespmem:$0x19720] =	vst v0  }
0x2d: {  	v0 =	vld.idx.msk [tilespmem:v59+s30+$0x0], $0xffff;
	_ =	sdelay $0x4  }
0x2e: {  	s0 =	rddreg [dreg:$0x3];
	[tilespmem:$0x19730] =	vst v0  }
0x2f: {  	[tilespmem:s30], [sflag:$0x1] =	stream.strided.gather [hbm4b:s0+s28], $0x18700, s29, s28, $0x38;
	[tilespmem:$0x1A700] =	vst v63  }
0x30: {  	_ =	swait.ge [sflag:s31], $0x18700  }
0x31: {  	[sflag:s31] =	ssyncset.done $0x0  }
0x32: {  	[sflag:s31] =	ssyncadd.s32 $0xFFFE7900  }
0x33: {  	v60 =	vld [tilespmem:$0x80];
	_ =	sdelay $0x5  }
0x34: {  	v61 =	vld [tilespmem:$0x90];
	_ =	sdelay $0x1  }
0x35: {  	v0 =	vld.idx.msk [tilespmem:v60+s30+$0x0], $0xffff;
	_ =	sdelay $0x3  }
0x36: {  	v62 =	vld [tilespmem:$0xA0]  }
0x37: {  	[tilespmem:$0x19780] =	vst v0  }
0x38: {  	v0 =	vld.idx.msk [tilespmem:v61+s30+$0x0], $0xffff;
	_ =	sdelay $0x3  }
0x39: {  	v63 =	vld [tilespmem:$0xB0]  }
0x3a: {  	[tilespmem:$0x19790] =	vst v0  }
0x3b: {  	v0 =	vld.idx.msk [tilespmem:v62+s30+$0x0], $0xffff;
	_ =	sdelay $0x4  }
0x3c: {  	[tilespmem:$0x197A0] =	vst v0  }
0x3d: {  	v0 =	vld.idx.msk [tilespmem:v63+s30+$0x0], $0xffff;
	_ =	sdelay $0x4  }
0x3e: {  	s0 =	rddreg [dreg:$0x4];
	[tilespmem:$0x197B0] =	vst v0  }
0x3f: {  	[tilespmem:s30], [sflag:$0x1] =	stream.strided.gather [hbm4b:s0+s28], $0x18700, s29, s28, $0x38;
	[tilespmem:$0x1A700] =	vst v63  }
0x40: {  	_ =	swait.ge [sflag:s31], $0x18700  }
0x41: {  	[sflag:s31] =	ssyncset.done $0x0  }
0x42: {  	[sflag:s31] =	ssyncadd.s32 $0xFFFE7900  }
0x43: {  	v4 =	vld [tilespmem:$0x100];
	_ =	sdelay $0x5  }
0x44: {  	v5 =	vld [tilespmem:$0x110];
	_ =	sdelay $0x1  }
0x45: {  	v0 =	vld.idx.msk [tilespmem:v4+s30+$0x0], $0xffff;
	_ =	sdelay $0x3  }
0x46: {  	v6 =	vld [tilespmem:$0x120]  }
0x47: {  	[tilespmem:$0x19800] =	vst v0  }
0x48: {  	v0 =	vld.idx.msk [tilespmem:v5+s30+$0x0], $0xffff;
	_ =	sdelay $0x3  }
0x49: {  	v7 =	vld [tilespmem:$0x130]  }
0x4a: {  	[tilespmem:$0x19810] =	vst v0  }
0x4b: {  	v0 =	vld.idx.msk [tilespmem:v6+s30+$0x0], $0xffff;
	_ =	sdelay $0x4  }
0x4c: {  	[tilespmem:$0x19820] =	vst v0  }
0x4d: {  	v0 =	vld.idx.msk [tilespmem:v7+s30+$0x0], $0xffff;
	_ =	sdelay $0x4  }
0x4e: {  	s0 =	rddreg [dreg:$0x5];
	[tilespmem:$0x19830] =	vst v0  }
0x4f: {  	[tilespmem:s30], [sflag:$0x1] =	stream.strided.gather [hbm4b:s0+s28], $0x18700, s29, s28, $0x38;
	[tilespmem:$0x1A700] =	vst v63  }
0x50: {  	_ =	swait.ge [sflag:s31], $0x18700  }
0x51: {  	[sflag:s31] =	ssyncset.done $0x0  }
0x52: {  	[sflag:s31] =	ssyncadd.s32 $0xFFFE7900  }
0x53: {  	v8 =	vld [tilespmem:$0x180];
	_ =	sdelay $0x5  }
0x54: {  	v9 =	vld [tilespmem:$0x190];
	_ =	sdelay $0x1  }
0x55: {  	v0 =	vld.idx.msk [tilespmem:v8+s30+$0x0], $0xffff;
	_ =	sdelay $0x3  }
0x56: {  	v10 =	vld [tilespmem:$0x1A0]  }
0x57: {  	[tilespmem:$0x19880] =	vst v0  }
0x58: {  	v0 =	vld.idx.msk [tilespmem:v9+s30+$0x0], $0xffff;
	_ =	sdelay $0x3  }
0x59: {  	v11 =	vld [tilespmem:$0x1B0]  }
0x5a: {  	[tilespmem:$0x19890] =	vst v0  }
0x5b: {  	v0 =	vld.idx.msk [tilespmem:v10+s30+$0x0], $0xffff;
	_ =	sdelay $0x4  }
0x5c: {  	[tilespmem:$0x198A0] =	vst v0  }
0x5d: {  	v0 =	vld.idx.msk [tilespmem:v11+s30+$0x0], $0xffff;
	_ =	sdelay $0x4  }
0x5e: {  	s0 =	rddreg [dreg:$0x6];
	[tilespmem:$0x198B0] =	vst v0  }
0x5f: {  	[tilespmem:s30], [sflag:$0x1] =	stream.strided.gather [hbm4b:s0+s28], $0x18700, s29, s28, $0x38;
	[tilespmem:$0x1A700] =	vst v63  }
0x60: {  	_ =	swait.ge [sflag:s31], $0x18700  }
0x61: {  	[sflag:s31] =	ssyncset.done $0x0  }
0x62: {  	[sflag:s31] =	ssyncadd.s32 $0xFFFE7900  }
0x63: {  	v12 =	vld [tilespmem:$0x200];
	_ =	sdelay $0x5  }
0x64: {  	v13 =	vld [tilespmem:$0x210];
	_ =	sdelay $0x1  }
0x65: {  	v0 =	vld.idx.msk [tilespmem:v12+s30+$0x0], $0xffff;
	_ =	sdelay $0x3  }
0x66: {  	v14 =	vld [tilespmem:$0x220]  }
0x67: {  	[tilespmem:$0x19900] =	vst v0  }
0x68: {  	v0 =	vld.idx.msk [tilespmem:v13+s30+$0x0], $0xffff;
	_ =	sdelay $0x3  }
0x69: {  	v15 =	vld [tilespmem:$0x230]  }
0x6a: {  	[tilespmem:$0x19910] =	vst v0  }
0x6b: {  	v0 =	vld.idx.msk [tilespmem:v14+s30+$0x0], $0xffff;
	_ =	sdelay $0x4  }
0x6c: {  	[tilespmem:$0x19920] =	vst v0  }
0x6d: {  	v0 =	vld.idx.msk [tilespmem:v15+s30+$0x0], $0xffff;
	_ =	sdelay $0x4  }
0x6e: {  	s0 =	rddreg [dreg:$0x7];
	[tilespmem:$0x19930] =	vst v0  }
0x6f: {  	[tilespmem:s30], [sflag:$0x1] =	stream.strided.gather [hbm4b:s0+s28], $0x18700, s29, s28, $0x38;
	[tilespmem:$0x1A700] =	vst v63  }
0x70: {  	_ =	swait.ge [sflag:s31], $0x18700  }
0x71: {  	[sflag:s31] =	ssyncset.done $0x0  }
0x72: {  	[sflag:s31] =	ssyncadd.s32 $0xFFFE7900  }
0x73: {  	v16 =	vld [tilespmem:$0x280];
	_ =	sdelay $0x5  }
0x74: {  	v17 =	vld [tilespmem:$0x290];
	_ =	sdelay $0x1  }
0x75: {  	v0 =	vld.idx.msk [tilespmem:v16+s30+$0x0], $0xffff;
	_ =	sdelay $0x3  }
0x76: {  	v18 =	vld [tilespmem:$0x2A0]  }
0x77: {  	[tilespmem:$0x19980] =	vst v0  }
0x78: {  	v0 =	vld.idx.msk [tilespmem:v17+s30+$0x0], $0xffff;
	_ =	sdelay $0x3  }
0x79: {  	v19 =	vld [tilespmem:$0x2B0]  }
0x7a: {  	[tilespmem:$0x19990] =	vst v0  }
0x7b: {  	v0 =	vld.idx.msk [tilespmem:v18+s30+$0x0], $0xffff;
	_ =	sdelay $0x4  }
0x7c: {  	[tilespmem:$0x199A0] =	vst v0  }
0x7d: {  	v0 =	vld.idx.msk [tilespmem:v19+s30+$0x0], $0xffff;
	_ =	sdelay $0x4  }
0x7e: {  	s0 =	rddreg [dreg:$0x8];
	[tilespmem:$0x199B0] =	vst v0  }
0x7f: {  	[tilespmem:s30], [sflag:$0x1] =	stream.strided.gather [hbm4b:s0+s28], $0x18700, s29, s28, $0x38;
	[tilespmem:$0x1A700] =	vst v63  }
0x80: {  	_ =	swait.ge [sflag:s31], $0x18700  }
0x81: {  	[sflag:s31] =	ssyncset.done $0x0  }
0x82: {  	[sflag:s31] =	ssyncadd.s32 $0xFFFE7900  }
0x83: {  	v20 =	vld [tilespmem:$0x300];
	_ =	sdelay $0x5  }
0x84: {  	v21 =	vld [tilespmem:$0x310];
	_ =	sdelay $0x1  }
0x85: {  	v0 =	vld.idx.msk [tilespmem:v20+s30+$0x0], $0xffff;
	_ =	sdelay $0x3  }
0x86: {  	v22 =	vld [tilespmem:$0x320]  }
0x87: {  	[tilespmem:$0x19A00] =	vst v0  }
0x88: {  	v0 =	vld.idx.msk [tilespmem:v21+s30+$0x0], $0xffff;
	_ =	sdelay $0x3  }
0x89: {  	v23 =	vld [tilespmem:$0x330]  }
0x8a: {  	[tilespmem:$0x19A10] =	vst v0  }
0x8b: {  	v0 =	vld.idx.msk [tilespmem:v22+s30+$0x0], $0xffff;
	_ =	sdelay $0x4  }
0x8c: {  	[tilespmem:$0x19A20] =	vst v0  }
0x8d: {  	v0 =	vld.idx.msk [tilespmem:v23+s30+$0x0], $0xffff;
	_ =	sdelay $0x4  }
0x8e: {  	s0 =	rddreg [dreg:$0x9];
	[tilespmem:$0x19A30] =	vst v0  }
0x8f: {  	[tilespmem:s30], [sflag:$0x1] =	stream.strided.gather [hbm4b:s0+s28], $0x18700, s29, s28, $0x38;
	[tilespmem:$0x1A700] =	vst v63  }
0x90: {  	_ =	swait.ge [sflag:s31], $0x18700  }
0x91: {  	[sflag:s31] =	ssyncset.done $0x0  }
0x92: {  	[sflag:s31] =	ssyncadd.s32 $0xFFFE7900  }
0x93: {  	v24 =	vld [tilespmem:$0x380];
	_ =	sdelay $0x5  }
0x94: {  	v25 =	vld [tilespmem:$0x390];
	_ =	sdelay $0x1  }
0x95: {  	v0 =	vld.idx.msk [tilespmem:v24+s30+$0x0], $0xffff;
	_ =	sdelay $0x3  }
0x96: {  	v26 =	vld [tilespmem:$0x3A0]  }
0x97: {  	[tilespmem:$0x19A80] =	vst v0  }
0x98: {  	v0 =	vld.idx.msk [tilespmem:v25+s30+$0x0], $0xffff;
	_ =	sdelay $0x3  }
0x99: {  	v27 =	vld [tilespmem:$0x3B0]  }
0x9a: {  	[tilespmem:$0x19A90] =	vst v0  }
0x9b: {  	v0 =	vld.idx.msk [tilespmem:v26+s30+$0x0], $0xffff;
	_ =	sdelay $0x4  }
0x9c: {  	[tilespmem:$0x19AA0] =	vst v0  }
0x9d: {  	v0 =	vld.idx.msk [tilespmem:v27+s30+$0x0], $0xffff;
	_ =	sdelay $0x4  }
0x9e: {  	s0 =	rddreg [dreg:$0xa];
	[tilespmem:$0x19AB0] =	vst v0  }
0x9f: {  	[tilespmem:s30], [sflag:$0x1] =	stream.strided.gather [hbm4b:s0+s28], $0x18700, s29, s28, $0x38;
	[tilespmem:$0x1A700] =	vst v63  }
0xa0: {  	_ =	swait.ge [sflag:s31], $0x18700  }
0xa1: {  	[sflag:s31] =	ssyncset.done $0x0  }
0xa2: {  	[sflag:s31] =	ssyncadd.s32 $0xFFFE7900  }
0xa3: {  	v28 =	vld [tilespmem:$0x400];
	_ =	sdelay $0x5  }
0xa4: {  	v29 =	vld [tilespmem:$0x410];
	_ =	sdelay $0x1  }
0xa5: {  	v0 =	vld.idx.msk [tilespmem:v28+s30+$0x0], $0xffff;
	_ =	sdelay $0x3  }
0xa6: {  	v30 =	vld [tilespmem:$0x420]  }
0xa7: {  	[tilespmem:$0x19B00] =	vst v0  }
0xa8: {  	v0 =	vld.idx.msk [tilespmem:v29+s30+$0x0], $0xffff;
	_ =	sdelay $0x3  }
0xa9: {  	v31 =	vld [tilespmem:$0x430]  }
0xaa: {  	[tilespmem:$0x19B10] =	vst v0  }
0xab: {  	v0 =	vld.idx.msk [tilespmem:v30+s30+$0x0], $0xffff;
	_ =	sdelay $0x4  }
0xac: {  	[tilespmem:$0x19B20] =	vst v0  }
0xad: {  	v0 =	vld.idx.msk [tilespmem:v31+s30+$0x0], $0xffff;
	_ =	sdelay $0x4  }
0xae: {  	s0 =	rddreg [dreg:$0xb];
	[tilespmem:$0x19B30] =	vst v0  }
0xaf: {  	[tilespmem:s30], [sflag:$0x1] =	stream.strided.gather [hbm4b:s0+s28], $0x18700, s29, s28, $0x38;
	[tilespmem:$0x1A700] =	vst v63  }
0xb0: {  	_ =	swait.ge [sflag:s31], $0x18700  }
0xb1: {  	[sflag:s31] =	ssyncset.done $0x0  }
0xb2: {  	[sflag:s31] =	ssyncadd.s32 $0xFFFE7900  }
0xb3: {  	v32 =	vld [tilespmem:$0x480];
	_ =	sdelay $0x5  }
0xb4: {  	v33 =	vld [tilespmem:$0x490];
	_ =	sdelay $0x1  }
0xb5: {  	v0 =	vld.idx.msk [tilespmem:v32+s30+$0x0], $0xffff;
	_ =	sdelay $0x3  }
0xb6: {  	v34 =	vld [tilespmem:$0x4A0]  }
0xb7: {  	[tilespmem:$0x19B80] =	vst v0  }
0xb8: {  	v0 =	vld.idx.msk [tilespmem:v33+s30+$0x0], $0xffff;
	_ =	sdelay $0x3  }
0xb9: {  	v35 =	vld [tilespmem:$0x4B0]  }
0xba: {  	[tilespmem:$0x19B90] =	vst v0  }
0xbb: {  	v0 =	vld.idx.msk [tilespmem:v34+s30+$0x0], $0xffff;
	_ =	sdelay $0x4  }
0xbc: {  	[tilespmem:$0x19BA0] =	vst v0  }
0xbd: {  	v0 =	vld.idx.msk [tilespmem:v35+s30+$0x0], $0xffff;
	_ =	sdelay $0x4  }
0xbe: {  	s0 =	rddreg [dreg:$0xc];
	[tilespmem:$0x19BB0] =	vst v0  }
0xbf: {  	[tilespmem:s30], [sflag:$0x1] =	stream.strided.gather [hbm4b:s0+s28], $0x18700, s29, s28, $0x38;
	[tilespmem:$0x1A700] =	vst v63  }
0xc0: {  	_ =	swait.ge [sflag:s31], $0x18700  }
0xc1: {  	[sflag:s31] =	ssyncset.done $0x0  }
0xc2: {  	[sflag:s31] =	ssyncadd.s32 $0xFFFE7900  }
0xc3: {  	v36 =	vld [tilespmem:$0x500];
	_ =	sdelay $0x5  }
0xc4: {  	v37 =	vld [tilespmem:$0x510];
	_ =	sdelay $0x1  }
0xc5: {  	v0 =	vld.idx.msk [tilespmem:v36+s30+$0x0], $0xffff;
	_ =	sdelay $0x3  }
0xc6: {  	v38 =	vld [tilespmem:$0x520]  }
0xc7: {  	[tilespmem:$0x19C00] =	vst v0  }
0xc8: {  	v0 =	vld.idx.msk [tilespmem:v37+s30+$0x0], $0xffff;
	_ =	sdelay $0x3  }
0xc9: {  	v39 =	vld [tilespmem:$0x530]  }
0xca: {  	[tilespmem:$0x19C10] =	vst v0  }
0xcb: {  	v0 =	vld.idx.msk [tilespmem:v38+s30+$0x0], $0xffff;
	_ =	sdelay $0x4  }
0xcc: {  	[tilespmem:$0x19C20] =	vst v0  }
0xcd: {  	v0 =	vld.idx.msk [tilespmem:v39+s30+$0x0], $0xffff;
	_ =	sdelay $0x4  }
0xce: {  	s0 =	rddreg [dreg:$0xd];
	[tilespmem:$0x19C30] =	vst v0  }
0xcf: {  	[tilespmem:s30], [sflag:$0x1] =	stream.strided.gather [hbm4b:s0+s28], $0x18700, s29, s28, $0x38;
	[tilespmem:$0x1A700] =	vst v63  }
0xd0: {  	_ =	swait.ge [sflag:s31], $0x18700  }
0xd1: {  	[sflag:s31] =	ssyncset.done $0x0  }
0xd2: {  	[sflag:s31] =	ssyncadd.s32 $0xFFFE7900  }
0xd3: {  	v40 =	vld [tilespmem:$0x580];
	_ =	sdelay $0x5  }
0xd4: {  	v41 =	vld [tilespmem:$0x590];
	_ =	sdelay $0x1  }
0xd5: {  	v0 =	vld.idx.msk [tilespmem:v40+s30+$0x0], $0xffff;
	_ =	sdelay $0x3  }
0xd6: {  	v42 =	vld [tilespmem:$0x5A0]  }
0xd7: {  	[tilespmem:$0x19C80] =	vst v0  }
0xd8: {  	v0 =	vld.idx.msk [tilespmem:v41+s30+$0x0], $0xffff;
	_ =	sdelay $0x3  }
0xd9: {  	v43 =	vld [tilespmem:$0x5B0]  }
0xda: {  	[tilespmem:$0x19C90] =	vst v0  }
0xdb: {  	v0 =	vld.idx.msk [tilespmem:v42+s30+$0x0], $0xffff;
	_ =	sdelay $0x4  }
0xdc: {  	[tilespmem:$0x19CA0] =	vst v0  }
0xdd: {  	v0 =	vld.idx.msk [tilespmem:v43+s30+$0x0], $0xffff;
	_ =	sdelay $0x4  }
0xde: {  	[tilespmem:$0x19CB0] =	vst v0  }
0xdf: {  	[tilespmem:s30], [sflag:$0x1] =	stream.strided.gather [hbm4b:s4+s28], $0x18700, s29, s28, $0x38;
	[tilespmem:$0x1A700] =	vst v63  }
0xe0: {  	_ =	swait.ge [sflag:s31], $0x18700  }
0xe1: {  	[sflag:s31] =	ssyncset.done $0x0  }
0xe2: {  	[sflag:s31] =	ssyncadd.s32 $0xFFFE7900  }
0xe3: {  	v44 =	vld [tilespmem:$0x600];
	_ =	sdelay $0x5  }
0xe4: {  	v45 =	vld [tilespmem:$0x610];
	_ =	sdelay $0x1  }
0xe5: {  	v0 =	vld.idx.msk [tilespmem:v44+s30+$0x0], $0xffff;
	_ =	sdelay $0x3  }
0xe6: {  	v46 =	vld [tilespmem:$0x620]  }
0xe7: {  	[tilespmem:$0x19D00] =	vst v0  }
0xe8: {  	v0 =	vld.idx.msk [tilespmem:v45+s30+$0x0], $0xffff;
	_ =	sdelay $0x3  }
0xe9: {  	v47 =	vld [tilespmem:$0x630]  }
0xea: {  	[tilespmem:$0x19D10] =	vst v0  }
0xeb: {  	v0 =	vld.idx.msk [tilespmem:v46+s30+$0x0], $0xffff;
	_ =	sdelay $0x4  }
0xec: {  	[tilespmem:$0x19D20] =	vst v0  }
0xed: {  	v0 =	vld.idx.msk [tilespmem:v47+s30+$0x0], $0xffff;
	_ =	sdelay $0x4  }
0xee: {  	[tilespmem:$0x19D30] =	vst v0  }
0xef: {  	[tilespmem:s30], [sflag:$0x1] =	stream.strided.gather [hbm4b:s5+s28], $0x18700, s29, s28, $0x38;
	[tilespmem:$0x1A700] =	vst v63  }
0xf0: {  	_ =	swait.ge [sflag:s31], $0x18700  }
0xf1: {  	[sflag:s31] =	ssyncset.done $0x0  }
0xf2: {  	[sflag:s31] =	ssyncadd.s32 $0xFFFE7900  }
0xf3: {  	v48 =	vld [tilespmem:$0x680];
	_ =	sdelay $0x5  }
0xf4: {  	v49 =	vld [tilespmem:$0x690];
	_ =	sdelay $0x1  }
0xf5: {  	v0 =	vld.idx.msk [tilespmem:v48+s30+$0x0], $0xffff;
	_ =	sdelay $0x3  }
0xf6: {  	v50 =	vld [tilespmem:$0x6A0]  }
0xf7: {  	[tilespmem:$0x19D80] =	vst v0  }
0xf8: {  	v0 =	vld.idx.msk [tilespmem:v49+s30+$0x0], $0xffff;
	_ =	sdelay $0x3  }
0xf9: {  	v51 =	vld [tilespmem:$0x6B0]  }
0xfa: {  	[tilespmem:$0x19D90] =	vst v0  }
0xfb: {  	v0 =	vld.idx.msk [tilespmem:v50+s30+$0x0], $0xffff;
	_ =	sdelay $0x4  }
0xfc: {  	[tilespmem:$0x19DA0] =	vst v0  }
0xfd: {  	v0 =	vld.idx.msk [tilespmem:v51+s30+$0x0], $0xffff;
	_ =	sdelay $0x4  }
0xfe: {  	[tilespmem:$0x19DB0] =	vst v0  }
0xff: {  	[tilespmem:s30], [sflag:$0x1] =	stream.strided.gather [hbm4b:s6+s28], $0x18700, s29, s28, $0x38;
	[tilespmem:$0x1A700] =	vst v63  }
0x100: {  	_ =	swait.ge [sflag:s31], $0x18700  }
0x101: {  	[sflag:s31] =	ssyncset.done $0x0  }
0x102: {  	[sflag:s31] =	ssyncadd.s32 $0xFFFE7900  }
0x103: {  	v52 =	vld [tilespmem:$0x700];
	_ =	sdelay $0x5  }
0x104: {  	v53 =	vld [tilespmem:$0x710];
	_ =	sdelay $0x1  }
0x105: {  	v0 =	vld.idx.msk [tilespmem:v52+s30+$0x0], $0xffff;
	_ =	sdelay $0x3  }
0x106: {  	v54 =	vld [tilespmem:$0x720]  }
0x107: {  	[tilespmem:$0x19E00] =	vst v0  }
0x108: {  	v0 =	vld.idx.msk [tilespmem:v53+s30+$0x0], $0xffff;
	_ =	sdelay $0x3  }
0x109: {  	v55 =	vld [tilespmem:$0x730]  }
0x10a: {  	[tilespmem:$0x19E10] =	vst v0  }
0x10b: {  	v0 =	vld.idx.msk [tilespmem:v54+s30+$0x0], $0xffff;
	_ =	sdelay $0x4  }
0x10c: {  	[tilespmem:$0x19E20] =	vst v0  }
0x10d: {  	v0 =	vld.idx.msk [tilespmem:v55+s30+$0x0], $0xffff;
	_ =	sdelay $0x4  }
0x10e: {  	[tilespmem:$0x19E30] =	vst v0  }
0x10f: {  	[tilespmem:s30], [sflag:$0x1] =	stream.strided.gather [hbm4b:s7+s28], $0x18700, s29, s28, $0x38;
	[tilespmem:$0x1A700] =	vst v63  }
0x110: {  	_ =	swait.ge [sflag:s31], $0x18700  }
0x111: {  	[sflag:s31] =	ssyncset.done $0x0  }
0x112: {  	[sflag:s31] =	ssyncadd.s32 $0xFFFE7900  }
0x113: {  	v56 =	vld [tilespmem:$0x780];
	_ =	sdelay $0x5  }
0x114: {  	v57 =	vld [tilespmem:$0x790];
	_ =	sdelay $0x1  }
0x115: {  	v0 =	vld.idx.msk [tilespmem:v56+s30+$0x0], $0xffff;
	_ =	sdelay $0x3  }
0x116: {  	v58 =	vld [tilespmem:$0x7A0]  }
0x117: {  	[tilespmem:$0x19E80] =	vst v0  }
0x118: {  	v0 =	vld.idx.msk [tilespmem:v57+s30+$0x0], $0xffff;
	_ =	sdelay $0x3  }
0x119: {  	v59 =	vld [tilespmem:$0x7B0]  }
0x11a: {  	[tilespmem:$0x19E90] =	vst v0  }
0x11b: {  	v0 =	vld.idx.msk [tilespmem:v58+s30+$0x0], $0xffff;
	_ =	sdelay $0x4  }
0x11c: {  	[tilespmem:$0x19EA0] =	vst v0  }
0x11d: {  	v0 =	vld.idx.msk [tilespmem:v59+s30+$0x0], $0xffff;
	_ =	sdelay $0x4  }
0x11e: {  	[tilespmem:$0x19EB0] =	vst v0  }
0x11f: {  	[tilespmem:s30], [sflag:$0x1] =	stream.strided.gather [hbm4b:s8+s28], $0x18700, s29, s28, $0x38;
	[tilespmem:$0x1A700] =	vst v63  }
0x120: {  	_ =	swait.ge [sflag:s31], $0x18700  }
0x121: {  	[sflag:s31] =	ssyncset.done $0x0  }
0x122: {  	[sflag:s31] =	ssyncadd.s32 $0xFFFE7900  }
0x123: {  	v60 =	vld [tilespmem:$0x800];
	_ =	sdelay $0x5  }
0x124: {  	v61 =	vld [tilespmem:$0x810];
	_ =	sdelay $0x1  }
0x125: {  	v0 =	vld.idx.msk [tilespmem:v60+s30+$0x0], $0xffff;
	_ =	sdelay $0x3  }
0x126: {  	v62 =	vld [tilespmem:$0x820]  }
0x127: {  	[tilespmem:$0x19F00] =	vst v0  }
0x128: {  	v0 =	vld.idx.msk [tilespmem:v61+s30+$0x0], $0xffff;
	_ =	sdelay $0x3  }
0x129: {  	v63 =	vld [tilespmem:$0x830]  }
0x12a: {  	[tilespmem:$0x19F10] =	vst v0  }
0x12b: {  	v0 =	vld.idx.msk [tilespmem:v62+s30+$0x0], $0xffff;
	_ =	sdelay $0x4  }
0x12c: {  	[tilespmem:$0x19F20] =	vst v0  }
0x12d: {  	v0 =	vld.idx.msk [tilespmem:v63+s30+$0x0], $0xffff;
	_ =	sdelay $0x4  }
0x12e: {  	[tilespmem:$0x19F30] =	vst v0  }
0x12f: {  	[tilespmem:s30], [sflag:$0x1] =	stream.strided.gather [hbm4b:s9+s28], $0x18700, s29, s28, $0x38;
	[tilespmem:$0x1A700] =	vst v63  }
0x130: {  	_ =	swait.ge [sflag:s31], $0x18700  }
0x131: {  	[sflag:s31] =	ssyncset.done $0x0  }
0x132: {  	[sflag:s31] =	ssyncadd.s32 $0xFFFE7900  }
0x133: {  	v4 =	vld [tilespmem:$0x880];
	_ =	sdelay $0x5  }
0x134: {  	v5 =	vld [tilespmem:$0x890];
	_ =	sdelay $0x1  }
0x135: {  	v0 =	vld.idx.msk [tilespmem:v4+s30+$0x0], $0xffff;
	_ =	sdelay $0x3  }
0x136: {  	v6 =	vld [tilespmem:$0x8A0]  }
0x137: {  	[tilespmem:$0x19F80] =	vst v0  }
0x138: {  	v0 =	vld.idx.msk [tilespmem:v5+s30+$0x0], $0xffff;
	_ =	sdelay $0x3  }
0x139: {  	v7 =	vld [tilespmem:$0x8B0]  }
0x13a: {  	[tilespmem:$0x19F90] =	vst v0  }
0x13b: {  	v0 =	vld.idx.msk [tilespmem:v6+s30+$0x0], $0xffff;
	_ =	sdelay $0x4  }
0x13c: {  	[tilespmem:$0x19FA0] =	vst v0  }
0x13d: {  	v0 =	vld.idx.msk [tilespmem:v7+s30+$0x0], $0xffff;
	_ =	sdelay $0x4  }
0x13e: {  	[tilespmem:$0x19FB0] =	vst v0  }
0x13f: {  	[tilespmem:s30], [sflag:$0x1] =	stream.strided.gather [hbm4b:s10+s28], $0x18700, s29, s28, $0x38;
	[tilespmem:$0x1A700] =	vst v63  }
0x140: {  	_ =	swait.ge [sflag:s31], $0x18700  }
0x141: {  	[sflag:s31] =	ssyncset.done $0x0  }
0x142: {  	[sflag:s31] =	ssyncadd.s32 $0xFFFE7900  }
0x143: {  	v8 =	vld [tilespmem:$0x900];
	_ =	sdelay $0x5  }
0x144: {  	v9 =	vld [tilespmem:$0x910];
	_ =	sdelay $0x1  }
0x145: {  	v0 =	vld.idx.msk [tilespmem:v8+s30+$0x0], $0xffff;
	_ =	sdelay $0x3  }
0x146: {  	v10 =	vld [tilespmem:$0x920]  }
0x147: {  	[tilespmem:$0x1A000] =	vst v0  }
0x148: {  	v0 =	vld.idx.msk [tilespmem:v9+s30+$0x0], $0xffff;
	_ =	sdelay $0x3  }
0x149: {  	v11 =	vld [tilespmem:$0x930]  }
0x14a: {  	[tilespmem:$0x1A010] =	vst v0  }
0x14b: {  	v0 =	vld.idx.msk [tilespmem:v10+s30+$0x0], $0xffff;
	_ =	sdelay $0x4  }
0x14c: {  	[tilespmem:$0x1A020] =	vst v0  }
0x14d: {  	v0 =	vld.idx.msk [tilespmem:v11+s30+$0x0], $0xffff;
	_ =	sdelay $0x4  }
0x14e: {  	[tilespmem:$0x1A030] =	vst v0  }
0x14f: {  	[tilespmem:s30], [sflag:$0x1] =	stream.strided.gather [hbm4b:s11+s28], $0x18700, s29, s28, $0x38;
	[tilespmem:$0x1A700] =	vst v63  }
0x150: {  	_ =	swait.ge [sflag:s31], $0x18700  }
0x151: {  	[sflag:s31] =	ssyncset.done $0x0  }
0x152: {  	[sflag:s31] =	ssyncadd.s32 $0xFFFE7900  }
0x153: {  	v12 =	vld [tilespmem:$0x980];
	_ =	sdelay $0x5  }
0x154: {  	v13 =	vld [tilespmem:$0x990];
	_ =	sdelay $0x1  }
0x155: {  	v0 =	vld.idx.msk [tilespmem:v12+s30+$0x0], $0xffff;
	_ =	sdelay $0x3  }
0x156: {  	v14 =	vld [tilespmem:$0x9A0]  }
0x157: {  	[tilespmem:$0x1A080] =	vst v0  }
0x158: {  	v0 =	vld.idx.msk [tilespmem:v13+s30+$0x0], $0xffff;
	_ =	sdelay $0x3  }
0x159: {  	v15 =	vld [tilespmem:$0x9B0]  }
0x15a: {  	[tilespmem:$0x1A090] =	vst v0  }
0x15b: {  	v0 =	vld.idx.msk [tilespmem:v14+s30+$0x0], $0xffff;
	_ =	sdelay $0x4  }
0x15c: {  	[tilespmem:$0x1A0A0] =	vst v0  }
0x15d: {  	v0 =	vld.idx.msk [tilespmem:v15+s30+$0x0], $0xffff;
	_ =	sdelay $0x4  }
0x15e: {  	[tilespmem:$0x1A0B0] =	vst v0  }
0x15f: {  	[tilespmem:s30], [sflag:$0x1] =	stream.strided.gather [hbm4b:s12+s28], $0x18700, s29, s28, $0x38;
	[tilespmem:$0x1A700] =	vst v63  }
0x160: {  	_ =	swait.ge [sflag:s31], $0x18700  }
0x161: {  	[sflag:s31] =	ssyncset.done $0x0  }
0x162: {  	[sflag:s31] =	ssyncadd.s32 $0xFFFE7900  }
0x163: {  	v16 =	vld [tilespmem:$0xA00];
	_ =	sdelay $0x5  }
0x164: {  	v17 =	vld [tilespmem:$0xA10];
	_ =	sdelay $0x1  }
0x165: {  	v0 =	vld.idx.msk [tilespmem:v16+s30+$0x0], $0xffff;
	_ =	sdelay $0x3  }
0x166: {  	v18 =	vld [tilespmem:$0xA20]  }
0x167: {  	[tilespmem:$0x1A100] =	vst v0  }
0x168: {  	v0 =	vld.idx.msk [tilespmem:v17+s30+$0x0], $0xffff;
	_ =	sdelay $0x3  }
0x169: {  	v19 =	vld [tilespmem:$0xA30]  }
0x16a: {  	[tilespmem:$0x1A110] =	vst v0  }
0x16b: {  	v0 =	vld.idx.msk [tilespmem:v18+s30+$0x0], $0xffff;
	_ =	sdelay $0x4  }
0x16c: {  	[tilespmem:$0x1A120] =	vst v0  }
0x16d: {  	v0 =	vld.idx.msk [tilespmem:v19+s30+$0x0], $0xffff;
	_ =	sdelay $0x4  }
0x16e: {  	[tilespmem:$0x1A130] =	vst v0  }
0x16f: {  	[tilespmem:s30], [sflag:$0x1] =	stream.strided.gather [hbm4b:s13+s28], $0x18700, s29, s28, $0x38;
	[tilespmem:$0x1A700] =	vst v63  }
0x170: {  	_ =	swait.ge [sflag:s31], $0x18700  }
0x171: {  	[sflag:s31] =	ssyncset.done $0x0  }
0x172: {  	[sflag:s31] =	ssyncadd.s32 $0xFFFE7900  }
0x173: {  	v20 =	vld [tilespmem:$0xA80];
	_ =	sdelay $0x5  }
0x174: {  	v21 =	vld [tilespmem:$0xA90];
	_ =	sdelay $0x1  }
0x175: {  	v0 =	vld.idx.msk [tilespmem:v20+s30+$0x0], $0xffff;
	_ =	sdelay $0x3  }
0x176: {  	v22 =	vld [tilespmem:$0xAA0]  }
0x177: {  	[tilespmem:$0x1A180] =	vst v0  }
0x178: {  	v0 =	vld.idx.msk [tilespmem:v21+s30+$0x0], $0xffff;
	_ =	sdelay $0x3  }
0x179: {  	v23 =	vld [tilespmem:$0xAB0]  }
0x17a: {  	[tilespmem:$0x1A190] =	vst v0  }
0x17b: {  	v0 =	vld.idx.msk [tilespmem:v22+s30+$0x0], $0xffff;
	_ =	sdelay $0x4  }
0x17c: {  	[tilespmem:$0x1A1A0] =	vst v0  }
0x17d: {  	v0 =	vld.idx.msk [tilespmem:v23+s30+$0x0], $0xffff;
	_ =	sdelay $0x4  }
0x17e: {  	[tilespmem:$0x1A1B0] =	vst v0  }
0x17f: {  	[tilespmem:s30], [sflag:$0x1] =	stream.strided.gather [hbm4b:s14+s28], $0x18700, s29, s28, $0x38;
	[tilespmem:$0x1A700] =	vst v63  }
0x180: {  	_ =	swait.ge [sflag:s31], $0x18700  }
0x181: {  	[sflag:s31] =	ssyncset.done $0x0  }
0x182: {  	[sflag:s31] =	ssyncadd.s32 $0xFFFE7900  }
0x183: {  	v24 =	vld [tilespmem:$0xB00];
	_ =	sdelay $0x5  }
0x184: {  	v25 =	vld [tilespmem:$0xB10];
	_ =	sdelay $0x1  }
0x185: {  	v0 =	vld.idx.msk [tilespmem:v24+s30+$0x0], $0xffff;
	_ =	sdelay $0x3  }
0x186: {  	v26 =	vld [tilespmem:$0xB20]  }
0x187: {  	[tilespmem:$0x1A200] =	vst v0  }
0x188: {  	v0 =	vld.idx.msk [tilespmem:v25+s30+$0x0], $0xffff;
	_ =	sdelay $0x3  }
0x189: {  	v27 =	vld [tilespmem:$0xB30]  }
0x18a: {  	[tilespmem:$0x1A210] =	vst v0  }
0x18b: {  	v0 =	vld.idx.msk [tilespmem:v26+s30+$0x0], $0xffff;
	_ =	sdelay $0x4  }
0x18c: {  	[tilespmem:$0x1A220] =	vst v0  }
0x18d: {  	v0 =	vld.idx.msk [tilespmem:v27+s30+$0x0], $0xffff;
	_ =	sdelay $0x4  }
0x18e: {  	[tilespmem:$0x1A230] =	vst v0  }
0x18f: {  	[tilespmem:s30], [sflag:$0x1] =	stream.strided.gather [hbm4b:s15+s28], $0x18700, s29, s28, $0x38;
	[tilespmem:$0x1A700] =	vst v63  }
0x190: {  	_ =	swait.ge [sflag:s31], $0x18700  }
0x191: {  	[sflag:s31] =	ssyncset.done $0x0  }
0x192: {  	[sflag:s31] =	ssyncadd.s32 $0xFFFE7900  }
0x193: {  	v28 =	vld [tilespmem:$0xB80];
	_ =	sdelay $0x5  }
0x194: {  	v29 =	vld [tilespmem:$0xB90];
	_ =	sdelay $0x1  }
0x195: {  	v0 =	vld.idx.msk [tilespmem:v28+s30+$0x0], $0xffff;
	_ =	sdelay $0x3  }
0x196: {  	v30 =	vld [tilespmem:$0xBA0]  }
0x197: {  	[tilespmem:$0x1A280] =	vst v0  }
0x198: {  	v0 =	vld.idx.msk [tilespmem:v29+s30+$0x0], $0xffff;
	_ =	sdelay $0x3  }
0x199: {  	v31 =	vld [tilespmem:$0xBB0]  }
0x19a: {  	[tilespmem:$0x1A290] =	vst v0  }
0x19b: {  	v0 =	vld.idx.msk [tilespmem:v30+s30+$0x0], $0xffff;
	_ =	sdelay $0x4  }
0x19c: {  	[tilespmem:$0x1A2A0] =	vst v0  }
0x19d: {  	v0 =	vld.idx.msk [tilespmem:v31+s30+$0x0], $0xffff;
	_ =	sdelay $0x4  }
0x19e: {  	[tilespmem:$0x1A2B0] =	vst v0  }
0x19f: {  	[tilespmem:s30], [sflag:$0x1] =	stream.strided.gather [hbm4b:s16+s28], $0x18700, s29, s28, $0x38;
	[tilespmem:$0x1A700] =	vst v63  }
0x1a0: {  	_ =	swait.ge [sflag:s31], $0x18700  }
0x1a1: {  	[sflag:s31] =	ssyncset.done $0x0  }
0x1a2: {  	[sflag:s31] =	ssyncadd.s32 $0xFFFE7900  }
0x1a3: {  	v32 =	vld [tilespmem:$0xC00];
	_ =	sdelay $0x5  }
0x1a4: {  	v33 =	vld [tilespmem:$0xC10];
	_ =	sdelay $0x1  }
0x1a5: {  	v0 =	vld.idx.msk [tilespmem:v32+s30+$0x0], $0xffff;
	_ =	sdelay $0x3  }
0x1a6: {  	v34 =	vld [tilespmem:$0xC20]  }
0x1a7: {  	[tilespmem:$0x1A300] =	vst v0  }
0x1a8: {  	v0 =	vld.idx.msk [tilespmem:v33+s30+$0x0], $0xffff;
	_ =	sdelay $0x3  }
0x1a9: {  	v35 =	vld [tilespmem:$0xC30]  }
0x1aa: {  	[tilespmem:$0x1A310] =	vst v0  }
0x1ab: {  	v0 =	vld.idx.msk [tilespmem:v34+s30+$0x0], $0xffff;
	_ =	sdelay $0x4  }
0x1ac: {  	[tilespmem:$0x1A320] =	vst v0  }
0x1ad: {  	v0 =	vld.idx.msk [tilespmem:v35+s30+$0x0], $0xffff;
	_ =	sdelay $0x4  }
0x1ae: {  	[tilespmem:$0x1A330] =	vst v0  }
0x1af: {  	[tilespmem:s30], [sflag:$0x1] =	stream.strided.gather [hbm4b:s17+s28], $0x18700, s29, s28, $0x38;
	[tilespmem:$0x1A700] =	vst v63  }
0x1b0: {  	_ =	swait.ge [sflag:s31], $0x18700  }
0x1b1: {  	[sflag:s31] =	ssyncset.done $0x0  }
0x1b2: {  	[sflag:s31] =	ssyncadd.s32 $0xFFFE7900  }
0x1b3: {  	v36 =	vld [tilespmem:$0xC80];
	_ =	sdelay $0x5  }
0x1b4: {  	v37 =	vld [tilespmem:$0xC90];
	_ =	sdelay $0x1  }
0x1b5: {  	v0 =	vld.idx.msk [tilespmem:v36+s30+$0x0], $0xffff;
	_ =	sdelay $0x3  }
0x1b6: {  	v38 =	vld [tilespmem:$0xCA0]  }
0x1b7: {  	[tilespmem:$0x1A380] =	vst v0  }
0x1b8: {  	v0 =	vld.idx.msk [tilespmem:v37+s30+$0x0], $0xffff;
	_ =	sdelay $0x3  }
0x1b9: {  	v39 =	vld [tilespmem:$0xCB0]  }
0x1ba: {  	[tilespmem:$0x1A390] =	vst v0  }
0x1bb: {  	v0 =	vld.idx.msk [tilespmem:v38+s30+$0x0], $0xffff;
	_ =	sdelay $0x4  }
0x1bc: {  	[tilespmem:$0x1A3A0] =	vst v0  }
0x1bd: {  	v0 =	vld.idx.msk [tilespmem:v39+s30+$0x0], $0xffff;
	_ =	sdelay $0x4  }
0x1be: {  	[tilespmem:$0x1A3B0] =	vst v0  }
0x1bf: {  	[tilespmem:s30], [sflag:$0x1] =	stream.strided.gather [hbm4b:s18+s28], $0x18700, s29, s28, $0x38;
	[tilespmem:$0x1A700] =	vst v63  }
0x1c0: {  	_ =	swait.ge [sflag:s31], $0x18700  }
0x1c1: {  	[sflag:s31] =	ssyncset.done $0x0  }
0x1c2: {  	[sflag:s31] =	ssyncadd.s32 $0xFFFE7900  }
0x1c3: {  	v40 =	vld [tilespmem:$0xD00];
	_ =	sdelay $0x5  }
0x1c4: {  	v41 =	vld [tilespmem:$0xD10];
	_ =	sdelay $0x1  }
0x1c5: {  	v0 =	vld.idx.msk [tilespmem:v40+s30+$0x0], $0xffff;
	_ =	sdelay $0x3  }
0x1c6: {  	v42 =	vld [tilespmem:$0xD20]  }
0x1c7: {  	[tilespmem:$0x1A400] =	vst v0  }
0x1c8: {  	v0 =	vld.idx.msk [tilespmem:v41+s30+$0x0], $0xffff;
	_ =	sdelay $0x3  }
0x1c9: {  	v43 =	vld [tilespmem:$0xD30]  }
0x1ca: {  	[tilespmem:$0x1A410] =	vst v0  }
0x1cb: {  	v0 =	vld.idx.msk [tilespmem:v42+s30+$0x0], $0xffff;
	_ =	sdelay $0x4  }
0x1cc: {  	[tilespmem:$0x1A420] =	vst v0  }
0x1cd: {  	v0 =	vld.idx.msk [tilespmem:v43+s30+$0x0], $0xffff;
	_ =	sdelay $0x4  }
0x1ce: {  	[tilespmem:$0x1A430] =	vst v0  }
0x1cf: {  	[tilespmem:s30], [sflag:$0x1] =	stream.strided.gather [hbm4b:s19+s28], $0x18700, s29, s28, $0x38;
	[tilespmem:$0x1A700] =	vst v63  }
0x1d0: {  	_ =	swait.ge [sflag:s31], $0x18700  }
0x1d1: {  	[sflag:s31] =	ssyncset.done $0x0  }
0x1d2: {  	[sflag:s31] =	ssyncadd.s32 $0xFFFE7900  }
0x1d3: {  	v44 =	vld [tilespmem:$0xD80];
	_ =	sdelay $0x5  }
0x1d4: {  	v45 =	vld [tilespmem:$0xD90];
	_ =	sdelay $0x1  }
0x1d5: {  	v0 =	vld.idx.msk [tilespmem:v44+s30+$0x0], $0xffff;
	_ =	sdelay $0x3  }
0x1d6: {  	v46 =	vld [tilespmem:$0xDA0]  }
0x1d7: {  	[tilespmem:$0x1A480] =	vst v0  }
0x1d8: {  	v0 =	vld.idx.msk [tilespmem:v45+s30+$0x0], $0xffff;
	_ =	sdelay $0x3  }
0x1d9: {  	v47 =	vld [tilespmem:$0xDB0]  }
0x1da: {  	[tilespmem:$0x1A490] =	vst v0  }
0x1db: {  	v0 =	vld.idx.msk [tilespmem:v46+s30+$0x0], $0xffff;
	_ =	sdelay $0x4  }
0x1dc: {  	[tilespmem:$0x1A4A0] =	vst v0  }
0x1dd: {  	v0 =	vld.idx.msk [tilespmem:v47+s30+$0x0], $0xffff;
	_ =	sdelay $0x4  }
0x1de: {  	[tilespmem:$0x1A4B0] =	vst v0  }
0x1df: {  	[tilespmem:s30], [sflag:$0x1] =	stream.strided.gather [hbm4b:s20+s28], $0x18700, s29, s28, $0x38;
	[tilespmem:$0x1A700] =	vst v63  }
0x1e0: {  	_ =	swait.ge [sflag:s31], $0x18700  }
0x1e1: {  	[sflag:s31] =	ssyncset.done $0x0  }
0x1e2: {  	[sflag:s31] =	ssyncadd.s32 $0xFFFE7900  }
0x1e3: {  	v48 =	vld [tilespmem:$0xE00];
	_ =	sdelay $0x5  }
0x1e4: {  	v49 =	vld [tilespmem:$0xE10];
	_ =	sdelay $0x1  }
0x1e5: {  	v0 =	vld.idx.msk [tilespmem:v48+s30+$0x0], $0xffff;
	_ =	sdelay $0x3  }
0x1e6: {  	v50 =	vld [tilespmem:$0xE20]  }
0x1e7: {  	[tilespmem:$0x1A500] =	vst v0  }
0x1e8: {  	v0 =	vld.idx.msk [tilespmem:v49+s30+$0x0], $0xffff;
	_ =	sdelay $0x3  }
0x1e9: {  	v51 =	vld [tilespmem:$0xE30]  }
0x1ea: {  	[tilespmem:$0x1A510] =	vst v0  }
0x1eb: {  	v0 =	vld.idx.msk [tilespmem:v50+s30+$0x0], $0xffff;
	_ =	sdelay $0x4  }
0x1ec: {  	[tilespmem:$0x1A520] =	vst v0  }
0x1ed: {  	v0 =	vld.idx.msk [tilespmem:v51+s30+$0x0], $0xffff;
	_ =	sdelay $0x4  }
0x1ee: {  	[tilespmem:$0x1A530] =	vst v0  }
0x1ef: {  	[tilespmem:s30], [sflag:$0x1] =	stream.strided.gather [hbm4b:s21+s28], $0x18700, s29, s28, $0x38;
	[tilespmem:$0x1A700] =	vst v63  }
0x1f0: {  	_ =	swait.ge [sflag:s31], $0x18700  }
0x1f1: {  	[sflag:s31] =	ssyncset.done $0x0  }
0x1f2: {  	[sflag:s31] =	ssyncadd.s32 $0xFFFE7900  }
0x1f3: {  	v52 =	vld [tilespmem:$0xE80];
	_ =	sdelay $0x5  }
0x1f4: {  	v53 =	vld [tilespmem:$0xE90];
	_ =	sdelay $0x1  }
0x1f5: {  	v0 =	vld.idx.msk [tilespmem:v52+s30+$0x0], $0xffff;
	_ =	sdelay $0x3  }
0x1f6: {  	v54 =	vld [tilespmem:$0xEA0]  }
0x1f7: {  	[tilespmem:$0x1A580] =	vst v0  }
0x1f8: {  	v0 =	vld.idx.msk [tilespmem:v53+s30+$0x0], $0xffff;
	_ =	sdelay $0x3  }
0x1f9: {  	v55 =	vld [tilespmem:$0xEB0]  }
0x1fa: {  	[tilespmem:$0x1A590] =	vst v0  }
0x1fb: {  	v0 =	vld.idx.msk [tilespmem:v54+s30+$0x0], $0xffff;
	_ =	sdelay $0x4  }
0x1fc: {  	[tilespmem:$0x1A5A0] =	vst v0  }
0x1fd: {  	v0 =	vld.idx.msk [tilespmem:v55+s30+$0x0], $0xffff;
	_ =	sdelay $0x4  }
0x1fe: {  	[tilespmem:$0x1A5B0] =	vst v0  }
0x1ff: {  	[tilespmem:s30], [sflag:$0x1] =	stream.strided.gather [hbm4b:s22+s28], $0x18700, s29, s28, $0x38;
	[tilespmem:$0x1A700] =	vst v63  }
0x200: {  	_ =	swait.ge [sflag:s31], $0x18700  }
0x201: {  	[sflag:s31] =	ssyncset.done $0x0  }
0x202: {  	[sflag:s31] =	ssyncadd.s32 $0xFFFE7900  }
0x203: {  	v56 =	vld [tilespmem:$0xF00];
	_ =	sdelay $0x5  }
0x204: {  	v57 =	vld [tilespmem:$0xF10];
	_ =	sdelay $0x1  }
0x205: {  	v0 =	vld.idx.msk [tilespmem:v56+s30+$0x0], $0xffff;
	_ =	sdelay $0x3  }
0x206: {  	v58 =	vld [tilespmem:$0xF20]  }
0x207: {  	[tilespmem:$0x1A600] =	vst v0  }
0x208: {  	v0 =	vld.idx.msk [tilespmem:v57+s30+$0x0], $0xffff;
	_ =	sdelay $0x3  }
0x209: {  	v59 =	vld [tilespmem:$0xF30]  }
0x20a: {  	[tilespmem:$0x1A610] =	vst v0  }
0x20b: {  	v0 =	vld.idx.msk [tilespmem:v58+s30+$0x0], $0xffff;
	_ =	sdelay $0x4  }
0x20c: {  	[tilespmem:$0x1A620] =	vst v0  }
0x20d: {  	v0 =	vld.idx.msk [tilespmem:v59+s30+$0x0], $0xffff;
	_ =	sdelay $0x4  }
0x20e: {  	[tilespmem:$0x1A630] =	vst v0  }
0x20f: {  	[tilespmem:s30], [sflag:$0x1] =	stream.strided.gather [hbm4b:s23+s28], $0x18700, s29, s28, $0x38;
	[tilespmem:$0x1A700] =	vst v63  }
0x210: {  	_ =	swait.ge [sflag:s31], $0x18700  }
0x211: {  	[sflag:s31] =	ssyncset.done $0x0  }
0x212: {  	[sflag:s31] =	ssyncadd.s32 $0xFFFE7900  }
0x213: {  	v60 =	vld [tilespmem:$0xF80];
	_ =	sdelay $0x5  }
0x214: {  	v61 =	vld [tilespmem:$0xF90];
	_ =	sdelay $0x1  }
0x215: {  	v0 =	vld.idx.msk [tilespmem:v60+s30+$0x0], $0xffff;
	_ =	sdelay $0x3  }
0x216: {  	v62 =	vld [tilespmem:$0xFA0]  }
0x217: {  	[tilespmem:$0x1A680] =	vst v0  }
0x218: {  	v0 =	vld.idx.msk [tilespmem:v61+s30+$0x0], $0xffff;
	_ =	sdelay $0x3  }
0x219: {  	v63 =	vld [tilespmem:$0xFB0]  }
0x21a: {  	[tilespmem:$0x1A690] =	vst v0  }
0x21b: {  	v0 =	vld.idx.msk [tilespmem:v62+s30+$0x0], $0xffff;
	_ =	sdelay $0x4  }
0x21c: {  	[tilespmem:$0x1A6A0] =	vst v0  }
0x21d: {  	v0 =	vld.idx.msk [tilespmem:v63+s30+$0x0], $0xffff;
	_ =	sdelay $0x3  }
0x21e: {  	p0 =	sne.s32 s25, $0x1  }
.Ltmp0:
0x21f: {  	[tilespmem:$0x1A6B0] =	vst v0;
	(pc) =	sbr.rel @p0 .LBB2_1-.Ltmp0, $4  }
0x220: {  	[hbm4b:s24+s2] =	stream.linear.scatter [tilespmem:s1], [sflag:$0x2], $0x1000, $0x38;
	[tilespmem:$0x1A700] =	vst v63  }
0x221: {  	_ =	swait.ge [sflag:s26], $0x1000  }
0x222: {  	[sflag:s26] =	ssyncset.done $0x0  }
0x223: {  	s25 =	sadd.s32 $0xFFFFFFFF, s25;
	[sflag:s26] =	ssyncadd.s32 $0xFFFFF000  }
0x224: {  	_ =	sfence.sel $0x180000  }
0x225: {  	[bflag:$0x0] =	sbarrier.arrive $0xFFFF  }
0x226: {  	_ =	strace $0x90000047  }
0x227: {  	s0 =	stileid.u32;
	[bflag:$0x2] =	sbarrier.arrive $0xFFFF  }
0x228: {  	p0 =	sne.s32 s0, $0x0;
	s0 =	rddreg [dreg:$0x1]  }
0x229: {  	s0 =	sadd.s32 @!p0 $0x100000, s0  }
0x22a: {  	[sflag:s0] =	ssyncadd.tile.s32 @!p0 $0x1;
	_ =	shalt  }
.Lfunc_end2:
_tile_overlayer_lowered:
.L_overlay_start_2:
0x22b: {  	(tag) =	ssettag $0x2  }
0x22c: {  	s0 =	rddreg [dreg:$0x0];
	s2 =	stileid.u32  }
0x22d: {  	s1 =	rddreg [dreg:$0x1];
	p0 =	sne.s32 s2, $0x0  }
0x22e: {  	s3 =	rddreg [dreg:$0x2];
	[bflag:$0x3] =	sbarrier.arrive $0xFFFF;
	s2 =	simm.s32 @!p0 $0x1C02  }
0x22f: {  	[timem:s3], [sflag:s2] =	dma.local @!p0 [hbm:s0], s1  }
0x230: {  	s0 =	simm.s32 @!p0 $0x2  }
0x231: {  	_ =	swait.ge @!p0 [sflag:s0], s1  }
0x232: {  	s1 =	ssub.s32 @!p0 $0x0, s1;
	[sflag:s0] =	ssyncset.done @!p0 $0x0  }
0x233: {  	[sflag:s0] =	ssyncadd.s32 @!p0 s1  }
0x234: {  	[bflag:$0x3] =	sbarrier.arrive $0xFFFF  }
0x235: {  	_ =	shalt  }

</sc_bundles>
